<compile_context>
chip_gen: v7x
topology: tpu7x:2x2x1
jax: 0.10.2.dev20260603
libtpu: 0.0.44.dev20260713+nightly
codegen_flags: <defaults>
</compile_context>

<pallas_src>
import functools

import jax
import jax.numpy as jnp
from jax import lax
from jax.experimental import pallas as pl
from jax.experimental.pallas import tpu as pltpu
from jax.experimental.pallas import tpu_sc as plsc

N = 10000
E = 320000
D = 128
NPAD = 10240
NC = 2
NS = 16
NW = NC * NS
CH = 128
NBUF = 2
IB = 4
CPW = 80
PH = 1
CPP = CPW // PH
TOTCH = NW * CPW
EPAD = TOTCH * CH
RPT = NPAD // NS

_mesh = plsc.VectorSubcoreMesh(core_axis_name="c", subcore_axis_name="s",
                               num_cores=NC)


@functools.partial(
    pl.kernel,
    out_type=(
        jax.ShapeDtypeStruct((NC * NPAD,), jnp.float32),
        jax.ShapeDtypeStruct((NC * NPAD,), jnp.float32),
    ),
    mesh=_mesh,
    scratch_types=[
        pltpu.VMEM((CPW, CH), jnp.int32),
        pltpu.VMEM((CPW, CH), jnp.int32),
        pltpu.VMEM((CH,), jnp.float32),
        pltpu.VMEM((RPT,), jnp.float32),
        pltpu.VMEM_SHARED((NPAD,), jnp.float32),
        pltpu.VMEM_SHARED((NPAD,), jnp.float32),
        pltpu.SemaphoreType.DMA,
        pltpu.SemaphoreType.DMA,
    ],
)
def _deg_kernel(src_hbm, dst_hbm, dego_hbm, degi_hbm,
                srctab, dsttab, ones_v, z_v, dego_sh, degi_sh, sem0, sem1):
    cid = lax.axis_index("c")
    sid = lax.axis_index("s")
    base = (sid * NC + cid) * CPW

    pltpu.sync_copy(src_hbm.at[pl.ds(base, CPW)], srctab)
    pltpu.sync_copy(dst_hbm.at[pl.ds(base, CPW)], dsttab)

    for j in range(CH // 16):
        ones_v[pl.ds(j * 16, 16)] = jnp.full((16,), 1.0, jnp.float32)

    def zb(i, _):
        z_v[pl.ds(i * 16, 16)] = jnp.zeros((16,), jnp.float32)
        return ()
    lax.fori_loop(0, RPT // 16, zb, ())
    pltpu.sync_copy(z_v, dego_sh.at[pl.ds(sid * RPT, RPT)])
    pltpu.sync_copy(z_v, degi_sh.at[pl.ds(sid * RPT, RPT)])
    plsc.subcore_barrier()

    def body(i, _):
        co = pltpu.async_copy(ones_v, dego_sh.at[srctab.at[i]], sem0, add=True)
        ci = pltpu.async_copy(ones_v, degi_sh.at[dsttab.at[i]], sem1, add=True)
        co.wait()
        ci.wait()
        return ()
    lax.fori_loop(0, CPW, body, ())
    plsc.subcore_barrier()

    off = cid * NPAD + sid * RPT
    pltpu.sync_copy(dego_sh.at[pl.ds(sid * RPT, RPT)],
                    dego_hbm.at[pl.ds(off, RPT)])
    pltpu.sync_copy(degi_sh.at[pl.ds(sid * RPT, RPT)],
                    degi_hbm.at[pl.ds(off, RPT)])


@functools.partial(
    pl.kernel,
    out_type=jax.ShapeDtypeStruct((NC * NPAD, D), jnp.float32),
    mesh=_mesh,
    scratch_types=[
        pltpu.VMEM((CPP, CH), jnp.int32),
        pltpu.VMEM((IB, CH), jnp.int32),
        pltpu.VMEM((NBUF, CH, D), jnp.float32),
        pltpu.VMEM_SHARED((NPAD, D), jnp.float32),
        [pltpu.SemaphoreType.DMA] * IB,
        [pltpu.SemaphoreType.DMA] * NBUF,
    ],
)
def _agg_kernel(src_hbm, dst_hbm, hs_hbm, out_hbm,
                srctab, dstbuf, rows_v, acc_sh, dsem, gsem):
    cid = lax.axis_index("c")
    sid = lax.axis_index("s")
    wbase = (sid * NC + cid) * CPW

    def zr(r, _):
        def zc(j, _):
            rows_v[0, r, pl.ds(j * 16, 16)] = jnp.zeros((16,), jnp.float32)
            return ()
        lax.fori_loop(0, D // 16, zc, ())
        return ()
    lax.fori_loop(0, CH, zr, ())

    def zcopy(i, _):
        pltpu.sync_copy(rows_v.at[0], acc_sh.at[pl.ds(sid * RPT + i * CH, CH)])
        return ()
    lax.fori_loop(0, RPT // CH, zcopy, ())
    plsc.subcore_barrier()

    for p in range(PH):
        base = wbase + p * CPP
        pltpu.sync_copy(src_hbm.at[pl.ds(base, CPP)], srctab)
        for k in range(IB):
            pltpu.async_copy(dst_hbm.at[base + k], dstbuf.at[k], dsem[k])
        for b in range(NBUF):
            pltpu.async_copy(hs_hbm.at[srctab.at[b]], rows_v.at[b], gsem[b])

        def group(g, _):
            for k in range(IB):
                i = g * IB + k
                b = k % NBUF
                pltpu.make_async_copy(hs_hbm.at[srctab.at[i]],
                                      rows_v.at[b], gsem[b]).wait()
                pltpu.make_async_copy(dst_hbm.at[base + i], dstbuf.at[k],
                                      dsem[k]).wait()
                pltpu.sync_copy(rows_v.at[b], acc_sh.at[dstbuf.at[k]],
                                add=True)

                @pl.when(i + IB < CPP)
                def _():
                    pltpu.async_copy(dst_hbm.at[base + i + IB], dstbuf.at[k],
                                     dsem[k])

                @pl.when(i + NBUF < CPP)
                def _():
                    pltpu.async_copy(hs_hbm.at[srctab.at[i + NBUF]],
                                     rows_v.at[b], gsem[b])
            return ()
        lax.fori_loop(0, CPP // IB, group, ())
    plsc.subcore_barrier()

    off = cid * NPAD + sid * RPT
    pltpu.sync_copy(acc_sh.at[pl.ds(sid * RPT, RPT)],
                    out_hbm.at[pl.ds(off, RPT)])


_RB = 512
_GRID = NPAD // _RB


def _prep_body(f_ref, do0_ref, do1_ref, di0_ref, di1_ref,
               hs_ref, nsrc_ref, ndst_ref):
    ns = 1.0 / jnp.sqrt(do0_ref[...] + do1_ref[...] + 1.0)
    nd = 1.0 / jnp.sqrt(di0_ref[...] + di1_ref[...] + 1.0)
    nsrc_ref[...] = ns
    ndst_ref[...] = nd
    hs_ref[...] = f_ref[...] * ns


def _layer1_body(m0_ref, m1_ref, hs_ref, nd_ref, ns_ref, w_ref, b_ref,
                 out_ref):
    m = (m0_ref[...] + m1_ref[...] + hs_ref[...]) * nd_ref[...]
    h = jnp.dot(m.astype(jnp.bfloat16), w_ref[...].astype(jnp.bfloat16),
                preferred_element_type=jnp.float32) + b_ref[...]
    out_ref[...] = jnp.maximum(h, 0.0) * ns_ref[...]


def _layer2_body(m0_ref, m1_ref, hs_ref, nd_ref, w_ref, b_ref, wp_ref, bp_ref,
                 out_ref):
    m = (m0_ref[...] + m1_ref[...] + hs_ref[...]) * nd_ref[...]
    h = jnp.dot(m.astype(jnp.bfloat16), w_ref[...].astype(jnp.bfloat16),
                preferred_element_type=jnp.float32) + b_ref[...]
    h = jnp.maximum(h, 0.0)
    hb = h.astype(jnp.bfloat16).astype(jnp.float32)
    wb = wp_ref[...].astype(jnp.bfloat16).astype(jnp.float32)
    out_ref[...] = jnp.sum(hb * wb, axis=1, keepdims=True) + bp_ref[...]


def _row_spec(half=0):
    if half:
        return pl.BlockSpec((_RB, D), lambda i: (NPAD // _RB + i, 0))
    return pl.BlockSpec((_RB, D), lambda i: (i, 0))


def _col_spec(half=0):
    if half:
        return pl.BlockSpec((_RB, 1), lambda i: (NPAD // _RB + i, 0))
    return pl.BlockSpec((_RB, 1), lambda i: (i, 0))


def _full_spec(shape):
    return pl.BlockSpec(shape, lambda i: (0, 0))


_prep_call = pl.pallas_call(
    _prep_body,
    grid=(_GRID,),
    in_specs=[_row_spec(), _col_spec(), _col_spec(1), _col_spec(),
              _col_spec(1)],
    out_specs=[_row_spec(), _col_spec(), _col_spec()],
    out_shape=[
        jax.ShapeDtypeStruct((NPAD, D), jnp.float32),
        jax.ShapeDtypeStruct((NPAD, 1), jnp.float32),
        jax.ShapeDtypeStruct((NPAD, 1), jnp.float32),
    ],
)

_layer1_call = pl.pallas_call(
    _layer1_body,
    grid=(_GRID,),
    in_specs=[_row_spec(), _row_spec(1), _row_spec(), _col_spec(),
              _col_spec(), _full_spec((D, D)), _full_spec((1, D))],
    out_specs=_row_spec(),
    out_shape=jax.ShapeDtypeStruct((NPAD, D), jnp.float32),
)

_layer2_call = pl.pallas_call(
    _layer2_body,
    grid=(_GRID,),
    in_specs=[_row_spec(), _row_spec(1), _row_spec(), _col_spec(),
              _full_spec((D, D)), _full_spec((1, D)), _full_spec((1, D)),
              _full_spec((1, 1))],
    out_specs=_col_spec(),
    out_shape=jax.ShapeDtypeStruct((NPAD, 1), jnp.float32),
)


def kernel(features, edge_index, W1, b1, W2, b2, Wp, bp):
    src = edge_index[0].astype(jnp.int32)
    dst = edge_index[1].astype(jnp.int32)
    padv = jnp.full((EPAD - E,), N, dtype=jnp.int32)
    src2d = jnp.concatenate([src, padv]).reshape(TOTCH, CH)
    dst2d = jnp.concatenate([dst, padv]).reshape(TOTCH, CH)

    dego_p, degi_p = _deg_kernel(src2d, dst2d)
    dego2 = dego_p.reshape(NC * NPAD, 1)
    degi2 = degi_p.reshape(NC * NPAD, 1)

    fpad = jnp.pad(features, ((0, NPAD - N), (0, 0)))
    hs0, nsrc, ndst = _prep_call(fpad, dego2, dego2, degi2, degi2)

    m1 = _agg_kernel(src2d, dst2d, hs0)
    h1s = _layer1_call(m1, m1, hs0, ndst, nsrc, W1, b1.reshape(1, D))
    m2 = _agg_kernel(src2d, dst2d, h1s)
    logits = _layer2_call(m2, m2, h1s, ndst, W2, b2.reshape(1, D),
                          Wp.reshape(1, D), bp.reshape(1, 1))
    return logits[:N]

# --- scband reference (transcript-rebuilt; emitter-appended) ---
"""Pipeline reference for scband-gcn-84121229460232 (READ-ONLY COPY).

The authoritative reference and input builder live on the scoring server;
editing this copy changes nothing except your own understanding.
"""

import jax, jax.numpy as jnp
import numpy as np

N_NODES = 10000
N_EDGES = 320000
D_FEAT = 128

def setup_inputs(seed: int = 0) -> dict:
    key = jax.random.key(seed)
    k_feat, k_edge, k_w1, k_b1, k_w2, k_b2, k_wp, k_bp = jax.random.split(key, 8)
    features = jax.random.normal(k_feat, (N_NODES, D_FEAT), dtype=jnp.float32)
    edge_index = jax.random.randint(k_edge, (2, N_EDGES), 0, N_NODES, dtype=jnp.int64)
    scale = 1.0 / np.sqrt(D_FEAT)
    W1 = jax.random.normal(k_w1, (D_FEAT, D_FEAT), dtype=jnp.float32) * scale
    b1 = jnp.zeros((D_FEAT,), dtype=jnp.float32)
    W2 = jax.random.normal(k_w2, (D_FEAT, D_FEAT), dtype=jnp.float32) * scale
    b2 = jnp.zeros((D_FEAT,), dtype=jnp.float32)
    Wp = jax.random.normal(k_wp, (D_FEAT, 1), dtype=jnp.float32) * scale
    bp = jnp.zeros((1,), dtype=jnp.float32)
    return {"features": features, "edge_index": edge_index, "W1": W1, "b1": b1, "W2": W2, "b2": b2, "Wp": Wp, "bp": bp}

def reference(features, edge_index, W1, b1, W2, b2, Wp, bp):
    N = features.shape[0]
    # dgl.add_self_loop(g)
    self_idx = jnp.arange(N, dtype=edge_index.dtype)
    src = jnp.concatenate([edge_index[0], self_idx])
    dst = jnp.concatenate([edge_index[1], self_idx])
    ones = jnp.ones(src.shape[0], dtype=jnp.float32)
    deg_out = jax.ops.segment_sum(ones, src, num_segments=N)
    deg_in = jax.ops.segment_sum(ones, dst, num_segments=N)
    norm_src = jnp.where(deg_out > 0, deg_out ** -0.5, 0.0)
    norm_dst = jnp.where(deg_in > 0, deg_in ** -0.5, 0.0)
    def graph_conv(h, W, b):
        # DGL GraphConv, norm='both': D_out^{-1/2} -> aggregate -> D_in^{-1/2} -> W, b; activation=relu
        h = h * norm_src[:, None]
        m = jax.ops.segment_sum(h[src], dst, num_segments=N)
        m = m * norm_dst[:, None]
        return jax.nn.relu(m @ W + b)
    # feat_drop = 0.0 -> dropout is identity
    h = graph_conv(features, W1, b1)
    h = graph_conv(h, W2, b2)
    logits = h @ Wp + bp
    return logits

if __name__ == "__main__":
    import jax
    _d = setup_inputs()
    print(jax.jit(kernel)(*tuple(_d.values())))

</pallas_src>

<mosaic_0001>
#map = affine_map<(d0, d1) -> (0, 0)>
#map1 = affine_map<(d0, d1) -> (0)>
module attributes {stable_mosaic.version = 14 : i64} {
  func.func @_deg_kernel(%arg0: i32, %arg1: i32, %arg2: memref<2560x128xi32, #tpu.memory_space<hbm>>, %arg3: memref<2560x128xi32, #tpu.memory_space<hbm>>, %arg4: memref<20480xf32, #tpu.memory_space<hbm>>, %arg5: memref<20480xf32, #tpu.memory_space<hbm>>, %arg6: memref<80x128xi32, #tpu.memory_space<vmem>>, %arg7: memref<80x128xi32, #tpu.memory_space<vmem>>, %arg8: memref<128xf32, #tpu.memory_space<vmem>>, %arg9: memref<640xf32, #tpu.memory_space<vmem>>, %arg10: memref<10240xf32, #tpu.memory_space<vmem_shared>>, %arg11: memref<10240xf32, #tpu.memory_space<vmem_shared>>, %arg12: memref<!tpu.dma_semaphore, #tpu.memory_space<semaphore_mem>>, %arg13: memref<!tpu.dma_semaphore, #tpu.memory_space<semaphore_mem>>) attributes {dimension_semantics = [#tpu.dimension_semantics<core_parallel>, #tpu.dimension_semantics<subcore_parallel>], iteration_bounds = array<i64: 2, 16>, scalar_prefetch = 0 : i64, scratch_operands = 8 : i64, tpu.core_type = #tpu.core_type<sc_vector_subcore>, window_params = [{transform_indices = #map}, {transform_indices = #map}, {transform_indices = #map1}, {transform_indices = #map1}]} {
    %mul3A = arith.constant 2 : i32
    %mul3A_0 = arith.muli %arg1, %mul3A : i32
    %add3A = arith.addi %mul3A_0, %arg0 : i32
    %mul3A_1 = arith.constant 80 : i32
    %mul3A_2 = arith.muli %add3A, %mul3A_1 : i32
    "tpu.region"() ({
      %run_scoped3A = tpu.sem_alloc : memref<!tpu.dma_semaphore, #tpu.memory_space<semaphore_mem>>
      %dma_start3A = arith.constant 0 : i32
      %dma_start3A_72 = tpu.memref_slice %arg2[%mul3A_2, %dma_start3A] : memref<2560x128xi32, #tpu.memory_space<hbm>> -> memref<80x128xi32, #tpu.memory_space<hbm>>
      %dma_start3A_73 = arith.constant 0 : i32
      %dma_start3A_74 = tpu.memref_slice %arg2[%mul3A_2, %dma_start3A_73] : memref<2560x128xi32, #tpu.memory_space<hbm>> -> memref<80x128xi32, #tpu.memory_space<hbm>>
      tpu.enqueue_dma source(%dma_start3A_74 : memref<80x128xi32, #tpu.memory_space<hbm>>) target(%arg6 : memref<80x128xi32, #tpu.memory_space<vmem>>) target_semaphore(%run_scoped3A : memref<!tpu.dma_semaphore, #tpu.memory_space<semaphore_mem>>)
      %dma_wait3A = arith.constant 0 : i32
      %dma_wait3A_75 = tpu.memref_slice %arg2[%mul3A_2, %dma_wait3A] : memref<2560x128xi32, #tpu.memory_space<hbm>> -> memref<80x128xi32, #tpu.memory_space<hbm>>
      %dma_wait3A_76 = arith.constant 0 : i32
      %dma_wait3A_77 = tpu.memref_slice %arg2[%mul3A_2, %dma_wait3A_76] : memref<2560x128xi32, #tpu.memory_space<hbm>> -> memref<80x128xi32, #tpu.memory_space<hbm>>
      tpu.wait_dma2 semaphore(%run_scoped3A : memref<!tpu.dma_semaphore, #tpu.memory_space<semaphore_mem>>) src(%dma_wait3A_77 : memref<80x128xi32, #tpu.memory_space<hbm>>) dst(%arg6 : memref<80x128xi32, #tpu.memory_space<vmem>>)
      tpu.yield
    }) : () -> ()
    "tpu.region"() ({
      %run_scoped3A = tpu.sem_alloc : memref<!tpu.dma_semaphore, #tpu.memory_space<semaphore_mem>>
      %dma_start3A = arith.constant 0 : i32
      %dma_start3A_72 = tpu.memref_slice %arg3[%mul3A_2, %dma_start3A] : memref<2560x128xi32, #tpu.memory_space<hbm>> -> memref<80x128xi32, #tpu.memory_space<hbm>>
      %dma_start3A_73 = arith.constant 0 : i32
      %dma_start3A_74 = tpu.memref_slice %arg3[%mul3A_2, %dma_start3A_73] : memref<2560x128xi32, #tpu.memory_space<hbm>> -> memref<80x128xi32, #tpu.memory_space<hbm>>
      tpu.enqueue_dma source(%dma_start3A_74 : memref<80x128xi32, #tpu.memory_space<hbm>>) target(%arg7 : memref<80x128xi32, #tpu.memory_space<vmem>>) target_semaphore(%run_scoped3A : memref<!tpu.dma_semaphore, #tpu.memory_space<semaphore_mem>>)
      %dma_wait3A = arith.constant 0 : i32
      %dma_wait3A_75 = tpu.memref_slice %arg3[%mul3A_2, %dma_wait3A] : memref<2560x128xi32, #tpu.memory_space<hbm>> -> memref<80x128xi32, #tpu.memory_space<hbm>>
      %dma_wait3A_76 = arith.constant 0 : i32
      %dma_wait3A_77 = tpu.memref_slice %arg3[%mul3A_2, %dma_wait3A_76] : memref<2560x128xi32, #tpu.memory_space<hbm>> -> memref<80x128xi32, #tpu.memory_space<hbm>>
      tpu.wait_dma2 semaphore(%run_scoped3A : memref<!tpu.dma_semaphore, #tpu.memory_space<semaphore_mem>>) src(%dma_wait3A_77 : memref<80x128xi32, #tpu.memory_space<hbm>>) dst(%arg7 : memref<80x128xi32, #tpu.memory_space<vmem>>)
      tpu.yield
    }) : () -> ()
    %broadcast_in_dim3A = arith.constant 1.000000e+00 : f32
    %broadcast_in_dim3A_3 = vector.broadcast %broadcast_in_dim3A : f32 to vector<16xf32>
    %swap3A = arith.constant 0 : index
    %swap3A_4 = tpu.vector_load %arg8[%swap3A] {strides = array<i32>} : memref<128xf32, #tpu.memory_space<vmem>>, vector<16xf32>,
    %swap3A_5 = vector.shape_cast %swap3A_4 : vector<16xf32> to vector<16xf32>
    %swap3A_6 = vector.shape_cast %broadcast_in_dim3A_3 : vector<16xf32> to vector<16xf32>
    tpu.vector_store %arg8[%swap3A], %swap3A_6 {strides = array<i32>} : memref<128xf32, #tpu.memory_space<vmem>>, vector<16xf32>,
    %broadcast_in_dim3A_7 = arith.constant 1.000000e+00 : f32
    %broadcast_in_dim3A_8 = vector.broadcast %broadcast_in_dim3A_7 : f32 to vector<16xf32>
    %swap3A_9 = arith.constant 16 : index
    %swap3A_10 = tpu.vector_load %arg8[%swap3A_9] {strides = array<i32>} : memref<128xf32, #tpu.memory_space<vmem>>, vector<16xf32>,
    %swap3A_11 = vector.shape_cast %swap3A_10 : vector<16xf32> to vector<16xf32>
    %swap3A_12 = vector.shape_cast %broadcast_in_dim3A_8 : vector<16xf32> to vector<16xf32>
    tpu.vector_store %arg8[%swap3A_9], %swap3A_12 {strides = array<i32>} : memref<128xf32, #tpu.memory_space<vmem>>, vector<16xf32>,
    %broadcast_in_dim3A_13 = arith.constant 1.000000e+00 : f32
    %broadcast_in_dim3A_14 = vector.broadcast %broadcast_in_dim3A_13 : f32 to vector<16xf32>
    %swap3A_15 = arith.constant 32 : index
    %swap3A_16 = tpu.vector_load %arg8[%swap3A_15] {strides = array<i32>} : memref<128xf32, #tpu.memory_space<vmem>>, vector<16xf32>,
    %swap3A_17 = vector.shape_cast %swap3A_16 : vector<16xf32> to vector<16xf32>
    %swap3A_18 = vector.shape_cast %broadcast_in_dim3A_14 : vector<16xf32> to vector<16xf32>
    tpu.vector_store %arg8[%swap3A_15], %swap3A_18 {strides = array<i32>} : memref<128xf32, #tpu.memory_space<vmem>>, vector<16xf32>,
    %broadcast_in_dim3A_19 = arith.constant 1.000000e+00 : f32
    %broadcast_in_dim3A_20 = vector.broadcast %broadcast_in_dim3A_19 : f32 to vector<16xf32>
    %swap3A_21 = arith.constant 48 : index
    %swap3A_22 = tpu.vector_load %arg8[%swap3A_21] {strides = array<i32>} : memref<128xf32, #tpu.memory_space<vmem>>, vector<16xf32>,
    %swap3A_23 = vector.shape_cast %swap3A_22 : vector<16xf32> to vector<16xf32>
    %swap3A_24 = vector.shape_cast %broadcast_in_dim3A_20 : vector<16xf32> to vector<16xf32>
    tpu.vector_store %arg8[%swap3A_21], %swap3A_24 {strides = array<i32>} : memref<128xf32, #tpu.memory_space<vmem>>, vector<16xf32>,
    %broadcast_in_dim3A_25 = arith.constant 1.000000e+00 : f32
    %broadcast_in_dim3A_26 = vector.broadcast %broadcast_in_dim3A_25 : f32 to vector<16xf32>
    %swap3A_27 = arith.constant 64 : index
    %swap3A_28 = tpu.vector_load %arg8[%swap3A_27] {strides = array<i32>} : memref<128xf32, #tpu.memory_space<vmem>>, vector<16xf32>,
    %swap3A_29 = vector.shape_cast %swap3A_28 : vector<16xf32> to vector<16xf32>
    %swap3A_30 = vector.shape_cast %broadcast_in_dim3A_26 : vector<16xf32> to vector<16xf32>
    tpu.vector_store %arg8[%swap3A_27], %swap3A_30 {strides = array<i32>} : memref<128xf32, #tpu.memory_space<vmem>>, vector<16xf32>,
    %broadcast_in_dim3A_31 = arith.constant 1.000000e+00 : f32
    %broadcast_in_dim3A_32 = vector.broadcast %broadcast_in_dim3A_31 : f32 to vector<16xf32>
    %swap3A_33 = arith.constant 80 : index
    %swap3A_34 = tpu.vector_load %arg8[%swap3A_33] {strides = array<i32>} : memref<128xf32, #tpu.memory_space<vmem>>, vector<16xf32>,
    %swap3A_35 = vector.shape_cast %swap3A_34 : vector<16xf32> to vector<16xf32>
    %swap3A_36 = vector.shape_cast %broadcast_in_dim3A_32 : vector<16xf32> to vector<16xf32>
    tpu.vector_store %arg8[%swap3A_33], %swap3A_36 {strides = array<i32>} : memref<128xf32, #tpu.memory_space<vmem>>, vector<16xf32>,
    %broadcast_in_dim3A_37 = arith.constant 1.000000e+00 : f32
    %broadcast_in_dim3A_38 = vector.broadcast %broadcast_in_dim3A_37 : f32 to vector<16xf32>
    %swap3A_39 = arith.constant 96 : index
    %swap3A_40 = tpu.vector_load %arg8[%swap3A_39] {strides = array<i32>} : memref<128xf32, #tpu.memory_space<vmem>>, vector<16xf32>,
    %swap3A_41 = vector.shape_cast %swap3A_40 : vector<16xf32> to vector<16xf32>
    %swap3A_42 = vector.shape_cast %broadcast_in_dim3A_38 : vector<16xf32> to vector<16xf32>
    tpu.vector_store %arg8[%swap3A_39], %swap3A_42 {strides = array<i32>} : memref<128xf32, #tpu.memory_space<vmem>>, vector<16xf32>,
    %broadcast_in_dim3A_43 = arith.constant 1.000000e+00 : f32
    %broadcast_in_dim3A_44 = vector.broadcast %broadcast_in_dim3A_43 : f32 to vector<16xf32>
    %swap3A_45 = arith.constant 112 : index
    %swap3A_46 = tpu.vector_load %arg8[%swap3A_45] {strides = array<i32>} : memref<128xf32, #tpu.memory_space<vmem>>, vector<16xf32>,
    %swap3A_47 = vector.shape_cast %swap3A_46 : vector<16xf32> to vector<16xf32>
    %swap3A_48 = vector.shape_cast %broadcast_in_dim3A_44 : vector<16xf32> to vector<16xf32>
    tpu.vector_store %arg8[%swap3A_45], %swap3A_48 {strides = array<i32>} : memref<128xf32, #tpu.memory_space<vmem>>, vector<16xf32>,
    %scan3A = arith.constant 0 : i32
    %scan3A_49 = arith.constant 40 : i32
    %scan3A_50 = arith.addi %scan3A, %scan3A_49 : i32
    %scan3A_51 = arith.constant 1 : i32
    scf.for %scan3A_72 = %scan3A to %scan3A_50 step %scan3A_51  : i32 {
      %broadcast_in_dim3A_73 = arith.constant 0.000000e+00 : f32
      %broadcast_in_dim3A_74 = vector.broadcast %broadcast_in_dim3A_73 : f32 to vector<16xf32>
      %mul3A_75 = arith.constant 16 : i32
      %mul3A_76 = arith.muli %scan3A_72, %mul3A_75 : i32
      %swap3A_77 = arith.index_cast %mul3A_76 : i32 to index
      %swap3A_78 = tpu.vector_load %arg9[%swap3A_77] {strides = array<i32>} : memref<640xf32, #tpu.memory_space<vmem>>, vector<16xf32>,
      %swap3A_79 = vector.shape_cast %swap3A_78 : vector<16xf32> to vector<16xf32>
      %swap3A_80 = vector.shape_cast %broadcast_in_dim3A_74 : vector<16xf32> to vector<16xf32>
      tpu.vector_store %arg9[%swap3A_77], %swap3A_80 {strides = array<i32>} : memref<640xf32, #tpu.memory_space<vmem>>, vector<16xf32>,
    }
    %scan3A_52 = arith.constant 40 : i32
    %mul3A_53 = arith.constant 640 : i32
    %mul3A_54 = arith.muli %arg1, %mul3A_53 : i32
    "tpu.region"() ({
      %run_scoped3A = tpu.sem_alloc : memref<!tpu.dma_semaphore, #tpu.memory_space<semaphore_mem>>
      %dma_start3A = tpu.memref_slice %arg10[%mul3A_54] : memref<10240xf32, #tpu.memory_space<vmem_shared>> -> memref<640xf32, #tpu.memory_space<vmem_shared>>
      %dma_start3A_72 = tpu.memref_slice %arg10[%mul3A_54] : memref<10240xf32, #tpu.memory_space<vmem_shared>> -> memref<640xf32, #tpu.memory_space<vmem_shared>>
      tpu.enqueue_dma source(%arg9 : memref<640xf32, #tpu.memory_space<vmem>>) target(%dma_start3A_72 : memref<640xf32, #tpu.memory_space<vmem_shared>>) target_semaphore(%run_scoped3A : memref<!tpu.dma_semaphore, #tpu.memory_space<semaphore_mem>>)
      %dma_wait3A = tpu.memref_slice %arg10[%mul3A_54] : memref<10240xf32, #tpu.memory_space<vmem_shared>> -> memref<640xf32, #tpu.memory_space<vmem_shared>>
      %dma_wait3A_73 = tpu.memref_slice %arg10[%mul3A_54] : memref<10240xf32, #tpu.memory_space<vmem_shared>> -> memref<640xf32, #tpu.memory_space<vmem_shared>>
      tpu.wait_dma2 semaphore(%run_scoped3A : memref<!tpu.dma_semaphore, #tpu.memory_space<semaphore_mem>>) src(%arg9 : memref<640xf32, #tpu.memory_space<vmem>>) dst(%dma_wait3A_73 : memref<640xf32, #tpu.memory_space<vmem_shared>>)
      tpu.yield
    }) : () -> ()
    %mul3A_55 = arith.constant 640 : i32
    %mul3A_56 = arith.muli %arg1, %mul3A_55 : i32
    "tpu.region"() ({
      %run_scoped3A = tpu.sem_alloc : memref<!tpu.dma_semaphore, #tpu.memory_space<semaphore_mem>>
      %dma_start3A = tpu.memref_slice %arg11[%mul3A_56] : memref<10240xf32, #tpu.memory_space<vmem_shared>> -> memref<640xf32, #tpu.memory_space<vmem_shared>>
      %dma_start3A_72 = tpu.memref_slice %arg11[%mul3A_56] : memref<10240xf32, #tpu.memory_space<vmem_shared>> -> memref<640xf32, #tpu.memory_space<vmem_shared>>
      tpu.enqueue_dma source(%arg9 : memref<640xf32, #tpu.memory_space<vmem>>) target(%dma_start3A_72 : memref<640xf32, #tpu.memory_space<vmem_shared>>) target_semaphore(%run_scoped3A : memref<!tpu.dma_semaphore, #tpu.memory_space<semaphore_mem>>)
      %dma_wait3A = tpu.memref_slice %arg11[%mul3A_56] : memref<10240xf32, #tpu.memory_space<vmem_shared>> -> memref<640xf32, #tpu.memory_space<vmem_shared>>
      %dma_wait3A_73 = tpu.memref_slice %arg11[%mul3A_56] : memref<10240xf32, #tpu.memory_space<vmem_shared>> -> memref<640xf32, #tpu.memory_space<vmem_shared>>
      tpu.wait_dma2 semaphore(%run_scoped3A : memref<!tpu.dma_semaphore, #tpu.memory_space<semaphore_mem>>) src(%arg9 : memref<640xf32, #tpu.memory_space<vmem>>) dst(%dma_wait3A_73 : memref<640xf32, #tpu.memory_space<vmem_shared>>)
      tpu.yield
    }) : () -> ()
    %barrier3A = arith.constant 0 : index
    tpu.barrier barrier_id(%barrier3A)
    %scan3A_57 = arith.constant 0 : i32
    %scan3A_58 = arith.constant 80 : i32
    %scan3A_59 = arith.addi %scan3A_57, %scan3A_58 : i32
    %scan3A_60 = arith.constant 1 : i32
    scf.for %scan3A_72 = %scan3A_57 to %scan3A_59 step %scan3A_60  : i32 {
      %dma_start3A = arith.constant 0 : i32
      %dma_start3A_73 = tpu.memref_slice %arg6[%scan3A_72, %dma_start3A] : memref<80x128xi32, #tpu.memory_space<vmem>> -> memref<1x128xi32, #tpu.memory_space<vmem>>
      %dma_start3A_74 = tpu.memref_squeeze %dma_start3A_73 : memref<1x128xi32, #tpu.memory_space<vmem>> -> memref<128xi32, #tpu.memory_space<vmem>>
      %dma_start3A_75 = arith.constant 0 : i32
      %dma_start3A_76 = tpu.memref_slice %arg10[%dma_start3A_75] : memref<10240xf32, #tpu.memory_space<vmem_shared>> -> memref<10240xf32, #tpu.memory_space<vmem_shared>>
      tpu.enqueue_indirect_dma source(%arg8 : memref<128xf32, #tpu.memory_space<vmem>>) target(%dma_start3A_76 : memref<10240xf32, #tpu.memory_space<vmem_shared>>) offsets(%dma_start3A_74 : memref<128xi32, #tpu.memory_space<vmem>>) semaphore(%arg12 : memref<!tpu.dma_semaphore, #tpu.memory_space<semaphore_mem>>) {add = true}
      %dma_start3A_77 = arith.constant 0 : i32
      %dma_start3A_78 = tpu.memref_slice %arg7[%scan3A_72, %dma_start3A_77] : memref<80x128xi32, #tpu.memory_space<vmem>> -> memref<1x128xi32, #tpu.memory_space<vmem>>
      %dma_start3A_79 = tpu.memref_squeeze %dma_start3A_78 : memref<1x128xi32, #tpu.memory_space<vmem>> -> memref<128xi32, #tpu.memory_space<vmem>>
      %dma_start3A_80 = arith.constant 0 : i32
      %dma_start3A_81 = tpu.memref_slice %arg11[%dma_start3A_80] : memref<10240xf32, #tpu.memory_space<vmem_shared>> -> memref<10240xf32, #tpu.memory_space<vmem_shared>>
      tpu.enqueue_indirect_dma source(%arg8 : memref<128xf32, #tpu.memory_space<vmem>>) target(%dma_start3A_81 : memref<10240xf32, #tpu.memory_space<vmem_shared>>) offsets(%dma_start3A_79 : memref<128xi32, #tpu.memory_space<vmem>>) semaphore(%arg13 : memref<!tpu.dma_semaphore, #tpu.memory_space<semaphore_mem>>) {add = true}
      %dma_wait3A = arith.constant 0 : i32
      %dma_wait3A_82 = tpu.memref_slice %arg6[%scan3A_72, %dma_wait3A] : memref<80x128xi32, #tpu.memory_space<vmem>> -> memref<1x128xi32, #tpu.memory_space<vmem>>
      %dma_wait3A_83 = tpu.memref_squeeze %dma_wait3A_82 : memref<1x128xi32, #tpu.memory_space<vmem>> -> memref<128xi32, #tpu.memory_space<vmem>>
      %dma_wait3A_84 = arith.constant 0 : i32
      %dma_wait3A_85 = tpu.memref_slice %arg10[%dma_wait3A_84] : memref<10240xf32, #tpu.memory_space<vmem_shared>> -> memref<10240xf32, #tpu.memory_space<vmem_shared>>
      tpu.wait_indirect_dma semaphore(%arg12 : memref<!tpu.dma_semaphore, #tpu.memory_space<semaphore_mem>>) src(%arg8 : memref<128xf32, #tpu.memory_space<vmem>>) dst(%dma_wait3A_85 : memref<10240xf32, #tpu.memory_space<vmem_shared>>)
      %dma_wait3A_86 = arith.constant 0 : i32
      %dma_wait3A_87 = tpu.memref_slice %arg7[%scan3A_72, %dma_wait3A_86] : memref<80x128xi32, #tpu.memory_space<vmem>> -> memref<1x128xi32, #tpu.memory_space<vmem>>
      %dma_wait3A_88 = tpu.memref_squeeze %dma_wait3A_87 : memref<1x128xi32, #tpu.memory_space<vmem>> -> memref<128xi32, #tpu.memory_space<vmem>>
      %dma_wait3A_89 = arith.constant 0 : i32
      %dma_wait3A_90 = tpu.memref_slice %arg11[%dma_wait3A_89] : memref<10240xf32, #tpu.memory_space<vmem_shared>> -> memref<10240xf32, #tpu.memory_space<vmem_shared>>
      tpu.wait_indirect_dma semaphore(%arg13 : memref<!tpu.dma_semaphore, #tpu.memory_space<semaphore_mem>>) src(%arg8 : memref<128xf32, #tpu.memory_space<vmem>>) dst(%dma_wait3A_90 : memref<10240xf32, #tpu.memory_space<vmem_shared>>)
    }
    %scan3A_61 = arith.constant 80 : i32
    %barrier3A_62 = arith.constant 0 : index
    tpu.barrier barrier_id(%barrier3A_62)
    %mul3A_63 = arith.constant 10240 : i32
    %mul3A_64 = arith.muli %arg0, %mul3A_63 : i32
    %mul3A_65 = arith.constant 640 : i32
    %mul3A_66 = arith.muli %arg1, %mul3A_65 : i32
    %add3A_67 = arith.addi %mul3A_64, %mul3A_66 : i32
    %mul3A_68 = arith.constant 640 : i32
    %mul3A_69 = arith.muli %arg1, %mul3A_68 : i32
    "tpu.region"() ({
      %run_scoped3A = tpu.sem_alloc : memref<!tpu.dma_semaphore, #tpu.memory_space<semaphore_mem>>
      %dma_start3A = tpu.memref_slice %arg4[%add3A_67] : memref<20480xf32, #tpu.memory_space<hbm>> -> memref<640xf32, #tpu.memory_space<hbm>>
      %dma_start3A_72 = tpu.memref_slice %arg10[%mul3A_69] : memref<10240xf32, #tpu.memory_space<vmem_shared>> -> memref<640xf32, #tpu.memory_space<vmem_shared>>
      tpu.enqueue_dma source(%dma_start3A_72 : memref<640xf32, #tpu.memory_space<vmem_shared>>) target(%dma_start3A : memref<640xf32, #tpu.memory_space<hbm>>) target_semaphore(%run_scoped3A : memref<!tpu.dma_semaphore, #tpu.memory_space<semaphore_mem>>)
      %dma_wait3A = tpu.memref_slice %arg4[%add3A_67] : memref<20480xf32, #tpu.memory_space<hbm>> -> memref<640xf32, #tpu.memory_space<hbm>>
      %dma_wait3A_73 = tpu.memref_slice %arg10[%mul3A_69] : memref<10240xf32, #tpu.memory_space<vmem_shared>> -> memref<640xf32, #tpu.memory_space<vmem_shared>>
      tpu.wait_dma2 semaphore(%run_scoped3A : memref<!tpu.dma_semaphore, #tpu.memory_space<semaphore_mem>>) src(%dma_wait3A_73 : memref<640xf32, #tpu.memory_space<vmem_shared>>) dst(%dma_wait3A : memref<640xf32, #tpu.memory_space<hbm>>)
      tpu.yield
    }) : () -> ()
    %mul3A_70 = arith.constant 640 : i32
    %mul3A_71 = arith.muli %arg1, %mul3A_70 : i32
    "tpu.region"() ({
      %run_scoped3A = tpu.sem_alloc : memref<!tpu.dma_semaphore, #tpu.memory_space<semaphore_mem>>
      %dma_start3A = tpu.memref_slice %arg5[%add3A_67] : memref<20480xf32, #tpu.memory_space<hbm>> -> memref<640xf32, #tpu.memory_space<hbm>>
      %dma_start3A_72 = tpu.memref_slice %arg11[%mul3A_71] : memref<10240xf32, #tpu.memory_space<vmem_shared>> -> memref<640xf32, #tpu.memory_space<vmem_shared>>
      tpu.enqueue_dma source(%dma_start3A_72 : memref<640xf32, #tpu.memory_space<vmem_shared>>) target(%dma_start3A : memref<640xf32, #tpu.memory_space<hbm>>) target_semaphore(%run_scoped3A : memref<!tpu.dma_semaphore, #tpu.memory_space<semaphore_mem>>)
      %dma_wait3A = tpu.memref_slice %arg5[%add3A_67] : memref<20480xf32, #tpu.memory_space<hbm>> -> memref<640xf32, #tpu.memory_space<hbm>>
      %dma_wait3A_73 = tpu.memref_slice %arg11[%mul3A_71] : memref<10240xf32, #tpu.memory_space<vmem_shared>> -> memref<640xf32, #tpu.memory_space<vmem_shared>>
      tpu.wait_dma2 semaphore(%run_scoped3A : memref<!tpu.dma_semaphore, #tpu.memory_space<semaphore_mem>>) src(%dma_wait3A_73 : memref<640xf32, #tpu.memory_space<vmem_shared>>) dst(%dma_wait3A : memref<640xf32, #tpu.memory_space<hbm>>)
      tpu.yield
    }) : () -> ()
    return
  }
}

#map = affine_map<(d0, d1) -> (0, 0)>
module attributes {stable_mosaic.version = 14 : i64} {
  func.func @_agg_kernel(%arg0: i32, %arg1: i32, %arg2: memref<2560x128xi32, #tpu.memory_space<hbm>>, %arg3: memref<2560x128xi32, #tpu.memory_space<hbm>>, %arg4: memref<10240x128xf32, #tpu.memory_space<hbm>>, %arg5: memref<20480x128xf32, #tpu.memory_space<hbm>>, %arg6: memref<80x128xi32, #tpu.memory_space<vmem>>, %arg7: memref<4x128xi32, #tpu.memory_space<vmem>>, %arg8: memref<2x128x128xf32, #tpu.memory_space<vmem>>, %arg9: memref<10240x128xf32, #tpu.memory_space<vmem_shared>>, %arg10: memref<!tpu.dma_semaphore, #tpu.memory_space<semaphore_mem>>, %arg11: memref<!tpu.dma_semaphore, #tpu.memory_space<semaphore_mem>>, %arg12: memref<!tpu.dma_semaphore, #tpu.memory_space<semaphore_mem>>, %arg13: memref<!tpu.dma_semaphore, #tpu.memory_space<semaphore_mem>>, %arg14: memref<!tpu.dma_semaphore, #tpu.memory_space<semaphore_mem>>, %arg15: memref<!tpu.dma_semaphore, #tpu.memory_space<semaphore_mem>>) attributes {dimension_semantics = [#tpu.dimension_semantics<core_parallel>, #tpu.dimension_semantics<subcore_parallel>], iteration_bounds = array<i64: 2, 16>, scalar_prefetch = 0 : i64, scratch_operands = 10 : i64, tpu.core_type = #tpu.core_type<sc_vector_subcore>, window_params = [{transform_indices = #map}, {transform_indices = #map}, {transform_indices = #map}, {transform_indices = #map}]} {
    %mul3A = arith.constant 2 : i32
    %mul3A_0 = arith.muli %arg1, %mul3A : i32
    %add3A = arith.addi %mul3A_0, %arg0 : i32
    %mul3A_1 = arith.constant 80 : i32
    %mul3A_2 = arith.muli %add3A, %mul3A_1 : i32
    %scan3A = arith.constant 0 : i32
    %scan3A_3 = arith.constant 128 : i32
    %scan3A_4 = arith.addi %scan3A, %scan3A_3 : i32
    %scan3A_5 = arith.constant 1 : i32
    scf.for %scan3A_110 = %scan3A to %scan3A_4 step %scan3A_5  : i32 {
      %scan3A_111 = arith.constant 0 : i32
      %scan3A_112 = arith.constant 8 : i32
      %scan3A_113 = arith.addi %scan3A_111, %scan3A_112 : i32
      %scan3A_114 = arith.constant 1 : i32
      scf.for %scan3A_116 = %scan3A_111 to %scan3A_113 step %scan3A_114  : i32 {
        %broadcast_in_dim3A = arith.constant 0.000000e+00 : f32
        %broadcast_in_dim3A_117 = vector.broadcast %broadcast_in_dim3A : f32 to vector<16xf32>
        %mul3A_118 = arith.constant 16 : i32
        %mul3A_119 = arith.muli %scan3A_116, %mul3A_118 : i32
        %swap3A = arith.constant 0 : i32
        %swap3A_120 = arith.index_cast %swap3A : i32 to index
        %swap3A_121 = arith.index_cast %scan3A_110 : i32 to index
        %swap3A_122 = arith.index_cast %mul3A_119 : i32 to index
        %swap3A_123 = tpu.vector_load %arg8[%swap3A_120, %swap3A_121, %swap3A_122] {strides = array<i32>} : memref<2x128x128xf32, #tpu.memory_space<vmem>>, vector<1x1x16xf32>,
        %swap3A_124 = vector.shape_cast %swap3A_123 : vector<1x1x16xf32> to vector<16xf32>
        %swap3A_125 = vector.shape_cast %broadcast_in_dim3A_117 : vector<16xf32> to vector<1x1x16xf32>
        tpu.vector_store %arg8[%swap3A_120, %swap3A_121, %swap3A_122], %swap3A_125 {strides = array<i32>} : memref<2x128x128xf32, #tpu.memory_space<vmem>>, vector<1x1x16xf32>,
      }
      %scan3A_115 = arith.constant 8 : i32
    }
    %scan3A_6 = arith.constant 128 : i32
    %scan3A_7 = arith.constant 0 : i32
    %scan3A_8 = arith.constant 5 : i32
    %scan3A_9 = arith.addi %scan3A_7, %scan3A_8 : i32
    %scan3A_10 = arith.constant 1 : i32
    scf.for %scan3A_110 = %scan3A_7 to %scan3A_9 step %scan3A_10  : i32 {
      %mul3A_111 = arith.constant 640 : i32
      %mul3A_112 = arith.muli %arg1, %mul3A_111 : i32
      %mul3A_113 = arith.constant 128 : i32
      %mul3A_114 = arith.muli %scan3A_110, %mul3A_113 : i32
      %add3A_115 = arith.addi %mul3A_112, %mul3A_114 : i32
      %run_scoped3A = arith.constant 0 : i32
      "tpu.region"() ({
        %run_scoped3A_116 = tpu.sem_alloc : memref<!tpu.dma_semaphore, #tpu.memory_space<semaphore_mem>>
        %dma_start3A_117 = arith.constant 0 : i32
        %dma_start3A_118 = arith.constant 0 : i32
        %dma_start3A_119 = tpu.memref_slice %arg8[%run_scoped3A, %dma_start3A_117, %dma_start3A_118] : memref<2x128x128xf32, #tpu.memory_space<vmem>> -> memref<1x128x128xf32, #tpu.memory_space<vmem>>
        %dma_start3A_120 = tpu.memref_squeeze %dma_start3A_119 : memref<1x128x128xf32, #tpu.memory_space<vmem>> -> memref<128x128xf32, #tpu.memory_space<vmem>>
        %dma_start3A_121 = arith.constant 0 : i32
        %dma_start3A_122 = tpu.memref_slice %arg9[%add3A_115, %dma_start3A_121] : memref<10240x128xf32, #tpu.memory_space<vmem_shared>> -> memref<128x128xf32, #tpu.memory_space<vmem_shared>>
        %dma_start3A_123 = arith.constant 0 : i32
        %dma_start3A_124 = tpu.memref_slice %arg9[%add3A_115, %dma_start3A_123] : memref<10240x128xf32, #tpu.memory_space<vmem_shared>> -> memref<128x128xf32, #tpu.memory_space<vmem_shared>>
        %dma_start3A_125 = arith.constant 0 : i32
        %dma_start3A_126 = arith.constant 0 : i32
        %dma_start3A_127 = tpu.memref_slice %arg8[%run_scoped3A, %dma_start3A_125, %dma_start3A_126] : memref<2x128x128xf32, #tpu.memory_space<vmem>> -> memref<1x128x128xf32, #tpu.memory_space<vmem>>
        %dma_start3A_128 = tpu.memref_squeeze %dma_start3A_127 : memref<1x128x128xf32, #tpu.memory_space<vmem>> -> memref<128x128xf32, #tpu.memory_space<vmem>>
        tpu.enqueue_dma source(%dma_start3A_128 : memref<128x128xf32, #tpu.memory_space<vmem>>) target(%dma_start3A_124 : memref<128x128xf32, #tpu.memory_space<vmem_shared>>) target_semaphore(%run_scoped3A_116 : memref<!tpu.dma_semaphore, #tpu.memory_space<semaphore_mem>>)
        %dma_wait3A = arith.constant 0 : i32
        %dma_wait3A_129 = arith.constant 0 : i32
        %dma_wait3A_130 = tpu.memref_slice %arg8[%run_scoped3A, %dma_wait3A, %dma_wait3A_129] : memref<2x128x128xf32, #tpu.memory_space<vmem>> -> memref<1x128x128xf32, #tpu.memory_space<vmem>>
        %dma_wait3A_131 = tpu.memref_squeeze %dma_wait3A_130 : memref<1x128x128xf32, #tpu.memory_space<vmem>> -> memref<128x128xf32, #tpu.memory_space<vmem>>
        %dma_wait3A_132 = arith.constant 0 : i32
        %dma_wait3A_133 = tpu.memref_slice %arg9[%add3A_115, %dma_wait3A_132] : memref<10240x128xf32, #tpu.memory_space<vmem_shared>> -> memref<128x128xf32, #tpu.memory_space<vmem_shared>>
        %dma_wait3A_134 = arith.constant 0 : i32
        %dma_wait3A_135 = tpu.memref_slice %arg9[%add3A_115, %dma_wait3A_134] : memref<10240x128xf32, #tpu.memory_space<vmem_shared>> -> memref<128x128xf32, #tpu.memory_space<vmem_shared>>
        %dma_wait3A_136 = arith.constant 0 : i32
        %dma_wait3A_137 = arith.constant 0 : i32
        %dma_wait3A_138 = tpu.memref_slice %arg8[%run_scoped3A, %dma_wait3A_136, %dma_wait3A_137] : memref<2x128x128xf32, #tpu.memory_space<vmem>> -> memref<1x128x128xf32, #tpu.memory_space<vmem>>
        %dma_wait3A_139 = tpu.memref_squeeze %dma_wait3A_138 : memref<1x128x128xf32, #tpu.memory_space<vmem>> -> memref<128x128xf32, #tpu.memory_space<vmem>>
        tpu.wait_dma2 semaphore(%run_scoped3A_116 : memref<!tpu.dma_semaphore, #tpu.memory_space<semaphore_mem>>) src(%dma_wait3A_139 : memref<128x128xf32, #tpu.memory_space<vmem>>) dst(%dma_wait3A_135 : memref<128x128xf32, #tpu.memory_space<vmem_shared>>)
        tpu.yield
      }) : () -> ()
    }
    %scan3A_11 = arith.constant 5 : i32
    %barrier3A = arith.constant 0 : index
    tpu.barrier barrier_id(%barrier3A)
    %add3A_12 = arith.constant 0 : i32
    %add3A_13 = arith.addi %mul3A_2, %add3A_12 : i32
    "tpu.region"() ({
      %run_scoped3A = tpu.sem_alloc : memref<!tpu.dma_semaphore, #tpu.memory_space<semaphore_mem>>
      %dma_start3A_110 = arith.constant 0 : i32
      %dma_start3A_111 = tpu.memref_slice %arg2[%add3A_13, %dma_start3A_110] : memref<2560x128xi32, #tpu.memory_space<hbm>> -> memref<80x128xi32, #tpu.memory_space<hbm>>
      %dma_start3A_112 = arith.constant 0 : i32
      %dma_start3A_113 = tpu.memref_slice %arg2[%add3A_13, %dma_start3A_112] : memref<2560x128xi32, #tpu.memory_space<hbm>> -> memref<80x128xi32, #tpu.memory_space<hbm>>
      tpu.enqueue_dma source(%dma_start3A_113 : memref<80x128xi32, #tpu.memory_space<hbm>>) target(%arg6 : memref<80x128xi32, #tpu.memory_space<vmem>>) target_semaphore(%run_scoped3A : memref<!tpu.dma_semaphore, #tpu.memory_space<semaphore_mem>>)
      %dma_wait3A = arith.constant 0 : i32
      %dma_wait3A_114 = tpu.memref_slice %arg2[%add3A_13, %dma_wait3A] : memref<2560x128xi32, #tpu.memory_space<hbm>> -> memref<80x128xi32, #tpu.memory_space<hbm>>
      %dma_wait3A_115 = arith.constant 0 : i32
      %dma_wait3A_116 = tpu.memref_slice %arg2[%add3A_13, %dma_wait3A_115] : memref<2560x128xi32, #tpu.memory_space<hbm>> -> memref<80x128xi32, #tpu.memory_space<hbm>>
      tpu.wait_dma2 semaphore(%run_scoped3A : memref<!tpu.dma_semaphore, #tpu.memory_space<semaphore_mem>>) src(%dma_wait3A_116 : memref<80x128xi32, #tpu.memory_space<hbm>>) dst(%arg6 : memref<80x128xi32, #tpu.memory_space<vmem>>)
      tpu.yield
    }) : () -> ()
    %add3A_14 = arith.constant 0 : i32
    %add3A_15 = arith.addi %add3A_13, %add3A_14 : i32
    %dma_start3A = arith.constant 0 : i32
    %dma_start3A_16 = arith.constant 0 : i32
    %dma_start3A_17 = tpu.memref_slice %arg7[%dma_start3A, %dma_start3A_16] : memref<4x128xi32, #tpu.memory_space<vmem>> -> memref<1x128xi32, #tpu.memory_space<vmem>>
    %dma_start3A_18 = tpu.memref_squeeze %dma_start3A_17 : memref<1x128xi32, #tpu.memory_space<vmem>> -> memref<128xi32, #tpu.memory_space<vmem>>
    %dma_start3A_19 = arith.constant 0 : i32
    %dma_start3A_20 = tpu.memref_slice %arg3[%add3A_15, %dma_start3A_19] : memref<2560x128xi32, #tpu.memory_space<hbm>> -> memref<1x128xi32, #tpu.memory_space<hbm>>
    %dma_start3A_21 = tpu.memref_squeeze %dma_start3A_20 : memref<1x128xi32, #tpu.memory_space<hbm>> -> memref<128xi32, #tpu.memory_space<hbm>>
    %dma_start3A_22 = arith.constant 0 : i32
    %dma_start3A_23 = tpu.memref_slice %arg7[%dma_start3A, %dma_start3A_22] : memref<4x128xi32, #tpu.memory_space<vmem>> -> memref<1x128xi32, #tpu.memory_space<vmem>>
    %dma_start3A_24 = tpu.memref_squeeze %dma_start3A_23 : memref<1x128xi32, #tpu.memory_space<vmem>> -> memref<128xi32, #tpu.memory_space<vmem>>
    %dma_start3A_25 = arith.constant 0 : i32
    %dma_start3A_26 = tpu.memref_slice %arg3[%add3A_15, %dma_start3A_25] : memref<2560x128xi32, #tpu.memory_space<hbm>> -> memref<1x128xi32, #tpu.memory_space<hbm>>
    %dma_start3A_27 = tpu.memref_squeeze %dma_start3A_26 : memref<1x128xi32, #tpu.memory_space<hbm>> -> memref<128xi32, #tpu.memory_space<hbm>>
    tpu.enqueue_dma source(%dma_start3A_27 : memref<128xi32, #tpu.memory_space<hbm>>) target(%dma_start3A_24 : memref<128xi32, #tpu.memory_space<vmem>>) target_semaphore(%arg10 : memref<!tpu.dma_semaphore, #tpu.memory_space<semaphore_mem>>)
    %add3A_28 = arith.constant 1 : i32
    %add3A_29 = arith.addi %add3A_13, %add3A_28 : i32
    %dma_start3A_30 = arith.constant 1 : i32
    %dma_start3A_31 = arith.constant 0 : i32
    %dma_start3A_32 = tpu.memref_slice %arg7[%dma_start3A_30, %dma_start3A_31] : memref<4x128xi32, #tpu.memory_space<vmem>> -> memref<1x128xi32, #tpu.memory_space<vmem>>
    %dma_start3A_33 = tpu.memref_squeeze %dma_start3A_32 : memref<1x128xi32, #tpu.memory_space<vmem>> -> memref<128xi32, #tpu.memory_space<vmem>>
    %dma_start3A_34 = arith.constant 0 : i32
    %dma_start3A_35 = tpu.memref_slice %arg3[%add3A_29, %dma_start3A_34] : memref<2560x128xi32, #tpu.memory_space<hbm>> -> memref<1x128xi32, #tpu.memory_space<hbm>>
    %dma_start3A_36 = tpu.memref_squeeze %dma_start3A_35 : memref<1x128xi32, #tpu.memory_space<hbm>> -> memref<128xi32, #tpu.memory_space<hbm>>
    %dma_start3A_37 = arith.constant 0 : i32
    %dma_start3A_38 = tpu.memref_slice %arg7[%dma_start3A_30, %dma_start3A_37] : memref<4x128xi32, #tpu.memory_space<vmem>> -> memref<1x128xi32, #tpu.memory_space<vmem>>
    %dma_start3A_39 = tpu.memref_squeeze %dma_start3A_38 : memref<1x128xi32, #tpu.memory_space<vmem>> -> memref<128xi32, #tpu.memory_space<vmem>>
    %dma_start3A_40 = arith.constant 0 : i32
    %dma_start3A_41 = tpu.memref_slice %arg3[%add3A_29, %dma_start3A_40] : memref<2560x128xi32, #tpu.memory_space<hbm>> -> memref<1x128xi32, #tpu.memory_space<hbm>>
    %dma_start3A_42 = tpu.memref_squeeze %dma_start3A_41 : memref<1x128xi32, #tpu.memory_space<hbm>> -> memref<128xi32, #tpu.memory_space<hbm>>
    tpu.enqueue_dma source(%dma_start3A_42 : memref<128xi32, #tpu.memory_space<hbm>>) target(%dma_start3A_39 : memref<128xi32, #tpu.memory_space<vmem>>) target_semaphore(%arg11 : memref<!tpu.dma_semaphore, #tpu.memory_space<semaphore_mem>>)
    %add3A_43 = arith.constant 2 : i32
    %add3A_44 = arith.addi %add3A_13, %add3A_43 : i32
    %dma_start3A_45 = arith.constant 2 : i32
    %dma_start3A_46 = arith.constant 0 : i32
    %dma_start3A_47 = tpu.memref_slice %arg7[%dma_start3A_45, %dma_start3A_46] : memref<4x128xi32, #tpu.memory_space<vmem>> -> memref<1x128xi32, #tpu.memory_space<vmem>>
    %dma_start3A_48 = tpu.memref_squeeze %dma_start3A_47 : memref<1x128xi32, #tpu.memory_space<vmem>> -> memref<128xi32, #tpu.memory_space<vmem>>
    %dma_start3A_49 = arith.constant 0 : i32
    %dma_start3A_50 = tpu.memref_slice %arg3[%add3A_44, %dma_start3A_49] : memref<2560x128xi32, #tpu.memory_space<hbm>> -> memref<1x128xi32, #tpu.memory_space<hbm>>
    %dma_start3A_51 = tpu.memref_squeeze %dma_start3A_50 : memref<1x128xi32, #tpu.memory_space<hbm>> -> memref<128xi32, #tpu.memory_space<hbm>>
    %dma_start3A_52 = arith.constant 0 : i32
    %dma_start3A_53 = tpu.memref_slice %arg7[%dma_start3A_45, %dma_start3A_52] : memref<4x128xi32, #tpu.memory_space<vmem>> -> memref<1x128xi32, #tpu.memory_space<vmem>>
    %dma_start3A_54 = tpu.memref_squeeze %dma_start3A_53 : memref<1x128xi32, #tpu.memory_space<vmem>> -> memref<128xi32, #tpu.memory_space<vmem>>
    %dma_start3A_55 = arith.constant 0 : i32
    %dma_start3A_56 = tpu.memref_slice %arg3[%add3A_44, %dma_start3A_55] : memref<2560x128xi32, #tpu.memory_space<hbm>> -> memref<1x128xi32, #tpu.memory_space<hbm>>
    %dma_start3A_57 = tpu.memref_squeeze %dma_start3A_56 : memref<1x128xi32, #tpu.memory_space<hbm>> -> memref<128xi32, #tpu.memory_space<hbm>>
    tpu.enqueue_dma source(%dma_start3A_57 : memref<128xi32, #tpu.memory_space<hbm>>) target(%dma_start3A_54 : memref<128xi32, #tpu.memory_space<vmem>>) target_semaphore(%arg12 : memref<!tpu.dma_semaphore, #tpu.memory_space<semaphore_mem>>)
    %add3A_58 = arith.constant 3 : i32
    %add3A_59 = arith.addi %add3A_13, %add3A_58 : i32
    %dma_start3A_60 = arith.constant 3 : i32
    %dma_start3A_61 = arith.constant 0 : i32
    %dma_start3A_62 = tpu.memref_slice %arg7[%dma_start3A_60, %dma_start3A_61] : memref<4x128xi32, #tpu.memory_space<vmem>> -> memref<1x128xi32, #tpu.memory_space<vmem>>
    %dma_start3A_63 = tpu.memref_squeeze %dma_start3A_62 : memref<1x128xi32, #tpu.memory_space<vmem>> -> memref<128xi32, #tpu.memory_space<vmem>>
    %dma_start3A_64 = arith.constant 0 : i32
    %dma_start3A_65 = tpu.memref_slice %arg3[%add3A_59, %dma_start3A_64] : memref<2560x128xi32, #tpu.memory_space<hbm>> -> memref<1x128xi32, #tpu.memory_space<hbm>>
    %dma_start3A_66 = tpu.memref_squeeze %dma_start3A_65 : memref<1x128xi32, #tpu.memory_space<hbm>> -> memref<128xi32, #tpu.memory_space<hbm>>
    %dma_start3A_67 = arith.constant 0 : i32
    %dma_start3A_68 = tpu.memref_slice %arg7[%dma_start3A_60, %dma_start3A_67] : memref<4x128xi32, #tpu.memory_space<vmem>> -> memref<1x128xi32, #tpu.memory_space<vmem>>
    %dma_start3A_69 = tpu.memref_squeeze %dma_start3A_68 : memref<1x128xi32, #tpu.memory_space<vmem>> -> memref<128xi32, #tpu.memory_space<vmem>>
    %dma_start3A_70 = arith.constant 0 : i32
    %dma_start3A_71 = tpu.memref_slice %arg3[%add3A_59, %dma_start3A_70] : memref<2560x128xi32, #tpu.memory_space<hbm>> -> memref<1x128xi32, #tpu.memory_space<hbm>>
    %dma_start3A_72 = tpu.memref_squeeze %dma_start3A_71 : memref<1x128xi32, #tpu.memory_space<hbm>> -> memref<128xi32, #tpu.memory_space<hbm>>
    tpu.enqueue_dma source(%dma_start3A_72 : memref<128xi32, #tpu.memory_space<hbm>>) target(%dma_start3A_69 : memref<128xi32, #tpu.memory_space<vmem>>) target_semaphore(%arg13 : memref<!tpu.dma_semaphore, #tpu.memory_space<semaphore_mem>>)
    %dma_start3A_73 = arith.constant 0 : i32
    %dma_start3A_74 = arith.constant 0 : i32
    %dma_start3A_75 = arith.constant 0 : i32
    %dma_start3A_76 = arith.constant 0 : i32
    %dma_start3A_77 = tpu.memref_slice %arg8[%dma_start3A_74, %dma_start3A_75, %dma_start3A_76] : memref<2x128x128xf32, #tpu.memory_space<vmem>> -> memref<1x128x128xf32, #tpu.memory_space<vmem>>
    %dma_start3A_78 = tpu.memref_squeeze %dma_start3A_77 : memref<1x128x128xf32, #tpu.memory_space<vmem>> -> memref<128x128xf32, #tpu.memory_space<vmem>>
    %dma_start3A_79 = arith.constant 0 : i32
    %dma_start3A_80 = tpu.memref_slice %arg6[%dma_start3A_73, %dma_start3A_79] : memref<80x128xi32, #tpu.memory_space<vmem>> -> memref<1x128xi32, #tpu.memory_space<vmem>>
    %dma_start3A_81 = tpu.memref_squeeze %dma_start3A_80 : memref<1x128xi32, #tpu.memory_space<vmem>> -> memref<128xi32, #tpu.memory_space<vmem>>
    %dma_start3A_82 = arith.constant 0 : i32
    %dma_start3A_83 = arith.constant 0 : i32
    %dma_start3A_84 = tpu.memref_slice %arg4[%dma_start3A_82, %dma_start3A_83] : memref<10240x128xf32, #tpu.memory_space<hbm>> -> memref<10240x128xf32, #tpu.memory_space<hbm>>
    tpu.enqueue_indirect_dma source(%dma_start3A_84 : memref<10240x128xf32, #tpu.memory_space<hbm>>) target(%dma_start3A_78 : memref<128x128xf32, #tpu.memory_space<vmem>>) offsets(%dma_start3A_81 : memref<128xi32, #tpu.memory_space<vmem>>) semaphore(%arg14 : memref<!tpu.dma_semaphore, #tpu.memory_space<semaphore_mem>>)
    %dma_start3A_85 = arith.constant 1 : i32
    %dma_start3A_86 = arith.constant 1 : i32
    %dma_start3A_87 = arith.constant 0 : i32
    %dma_start3A_88 = arith.constant 0 : i32
    %dma_start3A_89 = tpu.memref_slice %arg8[%dma_start3A_86, %dma_start3A_87, %dma_start3A_88] : memref<2x128x128xf32, #tpu.memory_space<vmem>> -> memref<1x128x128xf32, #tpu.memory_space<vmem>>
    %dma_start3A_90 = tpu.memref_squeeze %dma_start3A_89 : memref<1x128x128xf32, #tpu.memory_space<vmem>> -> memref<128x128xf32, #tpu.memory_space<vmem>>
    %dma_start3A_91 = arith.constant 0 : i32
    %dma_start3A_92 = tpu.memref_slice %arg6[%dma_start3A_85, %dma_start3A_91] : memref<80x128xi32, #tpu.memory_space<vmem>> -> memref<1x128xi32, #tpu.memory_space<vmem>>
    %dma_start3A_93 = tpu.memref_squeeze %dma_start3A_92 : memref<1x128xi32, #tpu.memory_space<vmem>> -> memref<128xi32, #tpu.memory_space<vmem>>
    %dma_start3A_94 = arith.constant 0 : i32
    %dma_start3A_95 = arith.constant 0 : i32
    %dma_start3A_96 = tpu.memref_slice %arg4[%dma_start3A_94, %dma_start3A_95] : memref<10240x128xf32, #tpu.memory_space<hbm>> -> memref<10240x128xf32, #tpu.memory_space<hbm>>
    tpu.enqueue_indirect_dma source(%dma_start3A_96 : memref<10240x128xf32, #tpu.memory_space<hbm>>) target(%dma_start3A_90 : memref<128x128xf32, #tpu.memory_space<vmem>>) offsets(%dma_start3A_93 : memref<128xi32, #tpu.memory_space<vmem>>) semaphore(%arg15 : memref<!tpu.dma_semaphore, #tpu.memory_space<semaphore_mem>>)
    %scan3A_97 = arith.constant 0 : i32
    %scan3A_98 = arith.constant 20 : i32
    %scan3A_99 = arith.addi %scan3A_97, %scan3A_98 : i32
    %scan3A_100 = arith.constant 1 : i32
    scf.for %scan3A_110 = %scan3A_97 to %scan3A_99 step %scan3A_100  : i32 {
      %mul3A_111 = arith.constant 4 : i32
      %mul3A_112 = arith.muli %scan3A_110, %mul3A_111 : i32
      %add3A_113 = arith.constant 0 : i32
      %add3A_114 = arith.addi %mul3A_112, %add3A_113 : i32
      %dma_wait3A = arith.constant 0 : i32
      %dma_wait3A_115 = arith.constant 0 : i32
      %dma_wait3A_116 = arith.constant 0 : i32
      %dma_wait3A_117 = tpu.memref_slice %arg8[%dma_wait3A, %dma_wait3A_115, %dma_wait3A_116] : memref<2x128x128xf32, #tpu.memory_space<vmem>> -> memref<1x128x128xf32, #tpu.memory_space<vmem>>
      %dma_wait3A_118 = tpu.memref_squeeze %dma_wait3A_117 : memref<1x128x128xf32, #tpu.memory_space<vmem>> -> memref<128x128xf32, #tpu.memory_space<vmem>>
      %dma_wait3A_119 = arith.constant 0 : i32
      %dma_wait3A_120 = tpu.memref_slice %arg6[%add3A_114, %dma_wait3A_119] : memref<80x128xi32, #tpu.memory_space<vmem>> -> memref<1x128xi32, #tpu.memory_space<vmem>>
      %dma_wait3A_121 = tpu.memref_squeeze %dma_wait3A_120 : memref<1x128xi32, #tpu.memory_space<vmem>> -> memref<128xi32, #tpu.memory_space<vmem>>
      %dma_wait3A_122 = arith.constant 0 : i32
      %dma_wait3A_123 = arith.constant 0 : i32
      %dma_wait3A_124 = tpu.memref_slice %arg4[%dma_wait3A_122, %dma_wait3A_123] : memref<10240x128xf32, #tpu.memory_space<hbm>> -> memref<10240x128xf32, #tpu.memory_space<hbm>>
      tpu.wait_indirect_dma semaphore(%arg14 : memref<!tpu.dma_semaphore, #tpu.memory_space<semaphore_mem>>) src(%dma_wait3A_124 : memref<10240x128xf32, #tpu.memory_space<hbm>>) dst(%dma_wait3A_118 : memref<128x128xf32, #tpu.memory_space<vmem>>)
      %add3A_125 = arith.addi %add3A_13, %add3A_114 : i32
      %dma_wait3A_126 = arith.constant 0 : i32
      %dma_wait3A_127 = arith.constant 0 : i32
      %dma_wait3A_128 = tpu.memref_slice %arg7[%dma_wait3A_126, %dma_wait3A_127] : memref<4x128xi32, #tpu.memory_space<vmem>> -> memref<1x128xi32, #tpu.memory_space<vmem>>
      %dma_wait3A_129 = tpu.memref_squeeze %dma_wait3A_128 : memref<1x128xi32, #tpu.memory_space<vmem>> -> memref<128xi32, #tpu.memory_space<vmem>>
      %dma_wait3A_130 = arith.constant 0 : i32
      %dma_wait3A_131 = tpu.memref_slice %arg3[%add3A_125, %dma_wait3A_130] : memref<2560x128xi32, #tpu.memory_space<hbm>> -> memref<1x128xi32, #tpu.memory_space<hbm>>
      %dma_wait3A_132 = tpu.memref_squeeze %dma_wait3A_131 : memref<1x128xi32, #tpu.memory_space<hbm>> -> memref<128xi32, #tpu.memory_space<hbm>>
      %dma_wait3A_133 = arith.constant 0 : i32
      %dma_wait3A_134 = tpu.memref_slice %arg7[%dma_wait3A_126, %dma_wait3A_133] : memref<4x128xi32, #tpu.memory_space<vmem>> -> memref<1x128xi32, #tpu.memory_space<vmem>>
      %dma_wait3A_135 = tpu.memref_squeeze %dma_wait3A_134 : memref<1x128xi32, #tpu.memory_space<vmem>> -> memref<128xi32, #tpu.memory_space<vmem>>
      %dma_wait3A_136 = arith.constant 0 : i32
      %dma_wait3A_137 = tpu.memref_slice %arg3[%add3A_125, %dma_wait3A_136] : memref<2560x128xi32, #tpu.memory_space<hbm>> -> memref<1x128xi32, #tpu.memory_space<hbm>>
      %dma_wait3A_138 = tpu.memref_squeeze %dma_wait3A_137 : memref<1x128xi32, #tpu.memory_space<hbm>> -> memref<128xi32, #tpu.memory_space<hbm>>
      tpu.wait_dma2 semaphore(%arg10 : memref<!tpu.dma_semaphore, #tpu.memory_space<semaphore_mem>>) src(%dma_wait3A_138 : memref<128xi32, #tpu.memory_space<hbm>>) dst(%dma_wait3A_135 : memref<128xi32, #tpu.memory_space<vmem>>)
      %run_scoped3A = arith.constant 0 : i32
      %run_scoped3A_139 = arith.constant 0 : i32
      "tpu.region"() ({
        %run_scoped3A_286 = tpu.sem_alloc : memref<!tpu.dma_semaphore, #tpu.memory_space<semaphore_mem>>
        %dma_start3A_287 = arith.constant 0 : i32
        %dma_start3A_288 = arith.constant 0 : i32
        %dma_start3A_289 = tpu.memref_slice %arg8[%run_scoped3A, %dma_start3A_287, %dma_start3A_288] : memref<2x128x128xf32, #tpu.memory_space<vmem>> -> memref<1x128x128xf32, #tpu.memory_space<vmem>>
        %dma_start3A_290 = tpu.memref_squeeze %dma_start3A_289 : memref<1x128x128xf32, #tpu.memory_space<vmem>> -> memref<128x128xf32, #tpu.memory_space<vmem>>
        %dma_start3A_291 = arith.constant 0 : i32
        %dma_start3A_292 = tpu.memref_slice %arg7[%run_scoped3A_139, %dma_start3A_291] : memref<4x128xi32, #tpu.memory_space<vmem>> -> memref<1x128xi32, #tpu.memory_space<vmem>>
        %dma_start3A_293 = tpu.memref_squeeze %dma_start3A_292 : memref<1x128xi32, #tpu.memory_space<vmem>> -> memref<128xi32, #tpu.memory_space<vmem>>
        %dma_start3A_294 = arith.constant 0 : i32
        %dma_start3A_295 = arith.constant 0 : i32
        %dma_start3A_296 = tpu.memref_slice %arg9[%dma_start3A_294, %dma_start3A_295] : memref<10240x128xf32, #tpu.memory_space<vmem_shared>> -> memref<10240x128xf32, #tpu.memory_space<vmem_shared>>
        tpu.enqueue_indirect_dma source(%dma_start3A_290 : memref<128x128xf32, #tpu.memory_space<vmem>>) target(%dma_start3A_296 : memref<10240x128xf32, #tpu.memory_space<vmem_shared>>) offsets(%dma_start3A_293 : memref<128xi32, #tpu.memory_space<vmem>>) semaphore(%run_scoped3A_286 : memref<!tpu.dma_semaphore, #tpu.memory_space<semaphore_mem>>) {add = true}
        %dma_wait3A_297 = arith.constant 0 : i32
        %dma_wait3A_298 = arith.constant 0 : i32
        %dma_wait3A_299 = tpu.memref_slice %arg8[%run_scoped3A, %dma_wait3A_297, %dma_wait3A_298] : memref<2x128x128xf32, #tpu.memory_space<vmem>> -> memref<1x128x128xf32, #tpu.memory_space<vmem>>
        %dma_wait3A_300 = tpu.memref_squeeze %dma_wait3A_299 : memref<1x128x128xf32, #tpu.memory_space<vmem>> -> memref<128x128xf32, #tpu.memory_space<vmem>>
        %dma_wait3A_301 = arith.constant 0 : i32
        %dma_wait3A_302 = tpu.memref_slice %arg7[%run_scoped3A_139, %dma_wait3A_301] : memref<4x128xi32, #tpu.memory_space<vmem>> -> memref<1x128xi32, #tpu.memory_space<vmem>>
        %dma_wait3A_303 = tpu.memref_squeeze %dma_wait3A_302 : memref<1x128xi32, #tpu.memory_space<vmem>> -> memref<128xi32, #tpu.memory_space<vmem>>
        %dma_wait3A_304 = arith.constant 0 : i32
        %dma_wait3A_305 = arith.constant 0 : i32
        %dma_wait3A_306 = tpu.memref_slice %arg9[%dma_wait3A_304, %dma_wait3A_305] : memref<10240x128xf32, #tpu.memory_space<vmem_shared>> -> memref<10240x128xf32, #tpu.memory_space<vmem_shared>>
        tpu.wait_indirect_dma semaphore(%run_scoped3A_286 : memref<!tpu.dma_semaphore, #tpu.memory_space<semaphore_mem>>) src(%dma_wait3A_300 : memref<128x128xf32, #tpu.memory_space<vmem>>) dst(%dma_wait3A_306 : memref<10240x128xf32, #tpu.memory_space<vmem_shared>>)
        tpu.yield
      }) : () -> ()
      %add3A_140 = arith.constant 4 : i32
      %add3A_141 = arith.addi %add3A_114, %add3A_140 : i32
      %lt3A = arith.constant 80 : i32
      %lt3A_142 = arith.cmpi slt, %add3A_141, %lt3A : i32
      %convert_element_type3A = arith.extui %lt3A_142 : i1 to i32
      %cond3A = arith.constant 0 : i32
      %cond3A_143 = arith.cmpi ne, %convert_element_type3A, %cond3A : i32
      scf.if %cond3A_143 {
        %add3A_286 = arith.addi %add3A_13, %add3A_114 : i32
        %add3A_287 = arith.constant 4 : i32
        %add3A_288 = arith.addi %add3A_286, %add3A_287 : i32
        %dma_start3A_289 = arith.constant 0 : i32
        %dma_start3A_290 = arith.constant 0 : i32
        %dma_start3A_291 = tpu.memref_slice %arg7[%dma_start3A_289, %dma_start3A_290] : memref<4x128xi32, #tpu.memory_space<vmem>> -> memref<1x128xi32, #tpu.memory_space<vmem>>
        %dma_start3A_292 = tpu.memref_squeeze %dma_start3A_291 : memref<1x128xi32, #tpu.memory_space<vmem>> -> memref<128xi32, #tpu.memory_space<vmem>>
        %dma_start3A_293 = arith.constant 0 : i32
        %dma_start3A_294 = tpu.memref_slice %arg3[%add3A_288, %dma_start3A_293] : memref<2560x128xi32, #tpu.memory_space<hbm>> -> memref<1x128xi32, #tpu.memory_space<hbm>>
        %dma_start3A_295 = tpu.memref_squeeze %dma_start3A_294 : memref<1x128xi32, #tpu.memory_space<hbm>> -> memref<128xi32, #tpu.memory_space<hbm>>
        %dma_start3A_296 = arith.constant 0 : i32
        %dma_start3A_297 = tpu.memref_slice %arg7[%dma_start3A_289, %dma_start3A_296] : memref<4x128xi32, #tpu.memory_space<vmem>> -> memref<1x128xi32, #tpu.memory_space<vmem>>
        %dma_start3A_298 = tpu.memref_squeeze %dma_start3A_297 : memref<1x128xi32, #tpu.memory_space<vmem>> -> memref<128xi32, #tpu.memory_space<vmem>>
        %dma_start3A_299 = arith.constant 0 : i32
        %dma_start3A_300 = tpu.memref_slice %arg3[%add3A_288, %dma_start3A_299] : memref<2560x128xi32, #tpu.memory_space<hbm>> -> memref<1x128xi32, #tpu.memory_space<hbm>>
        %dma_start3A_301 = tpu.memref_squeeze %dma_start3A_300 : memref<1x128xi32, #tpu.memory_space<hbm>> -> memref<128xi32, #tpu.memory_space<hbm>>
        tpu.enqueue_dma source(%dma_start3A_301 : memref<128xi32, #tpu.memory_space<hbm>>) target(%dma_start3A_298 : memref<128xi32, #tpu.memory_space<vmem>>) target_semaphore(%arg10 : memref<!tpu.dma_semaphore, #tpu.memory_space<semaphore_mem>>)
      } else {
      }
      %add3A_144 = arith.constant 2 : i32
      %add3A_145 = arith.addi %add3A_114, %add3A_144 : i32
      %lt3A_146 = arith.constant 80 : i32
      %lt3A_147 = arith.cmpi slt, %add3A_145, %lt3A_146 : i32
      %convert_element_type3A_148 = arith.extui %lt3A_147 : i1 to i32
      %cond3A_149 = arith.constant 0 : i32
      %cond3A_150 = arith.cmpi ne, %convert_element_type3A_148, %cond3A_149 : i32
      scf.if %cond3A_150 {
        %add3A_286 = arith.constant 2 : i32
        %add3A_287 = arith.addi %add3A_114, %add3A_286 : i32
        %dma_start3A_288 = arith.constant 0 : i32
        %dma_start3A_289 = arith.constant 0 : i32
        %dma_start3A_290 = arith.constant 0 : i32
        %dma_start3A_291 = tpu.memref_slice %arg8[%dma_start3A_288, %dma_start3A_289, %dma_start3A_290] : memref<2x128x128xf32, #tpu.memory_space<vmem>> -> memref<1x128x128xf32, #tpu.memory_space<vmem>>
        %dma_start3A_292 = tpu.memref_squeeze %dma_start3A_291 : memref<1x128x128xf32, #tpu.memory_space<vmem>> -> memref<128x128xf32, #tpu.memory_space<vmem>>
        %dma_start3A_293 = arith.constant 0 : i32
        %dma_start3A_294 = tpu.memref_slice %arg6[%add3A_287, %dma_start3A_293] : memref<80x128xi32, #tpu.memory_space<vmem>> -> memref<1x128xi32, #tpu.memory_space<vmem>>
        %dma_start3A_295 = tpu.memref_squeeze %dma_start3A_294 : memref<1x128xi32, #tpu.memory_space<vmem>> -> memref<128xi32, #tpu.memory_space<vmem>>
        %dma_start3A_296 = arith.constant 0 : i32
        %dma_start3A_297 = arith.constant 0 : i32
        %dma_start3A_298 = tpu.memref_slice %arg4[%dma_start3A_296, %dma_start3A_297] : memref<10240x128xf32, #tpu.memory_space<hbm>> -> memref<10240x128xf32, #tpu.memory_space<hbm>>
        tpu.enqueue_indirect_dma source(%dma_start3A_298 : memref<10240x128xf32, #tpu.memory_space<hbm>>) target(%dma_start3A_292 : memref<128x128xf32, #tpu.memory_space<vmem>>) offsets(%dma_start3A_295 : memref<128xi32, #tpu.memory_space<vmem>>) semaphore(%arg14 : memref<!tpu.dma_semaphore, #tpu.memory_space<semaphore_mem>>)
      } else {
      }
      %mul3A_151 = arith.constant 4 : i32
      %mul3A_152 = arith.muli %scan3A_110, %mul3A_151 : i32
      %add3A_153 = arith.constant 1 : i32
      %add3A_154 = arith.addi %mul3A_152, %add3A_153 : i32
      %dma_wait3A_155 = arith.constant 1 : i32
      %dma_wait3A_156 = arith.constant 0 : i32
      %dma_wait3A_157 = arith.constant 0 : i32
      %dma_wait3A_158 = tpu.memref_slice %arg8[%dma_wait3A_155, %dma_wait3A_156, %dma_wait3A_157] : memref<2x128x128xf32, #tpu.memory_space<vmem>> -> memref<1x128x128xf32, #tpu.memory_space<vmem>>
      %dma_wait3A_159 = tpu.memref_squeeze %dma_wait3A_158 : memref<1x128x128xf32, #tpu.memory_space<vmem>> -> memref<128x128xf32, #tpu.memory_space<vmem>>
      %dma_wait3A_160 = arith.constant 0 : i32
      %dma_wait3A_161 = tpu.memref_slice %arg6[%add3A_154, %dma_wait3A_160] : memref<80x128xi32, #tpu.memory_space<vmem>> -> memref<1x128xi32, #tpu.memory_space<vmem>>
      %dma_wait3A_162 = tpu.memref_squeeze %dma_wait3A_161 : memref<1x128xi32, #tpu.memory_space<vmem>> -> memref<128xi32, #tpu.memory_space<vmem>>
      %dma_wait3A_163 = arith.constant 0 : i32
      %dma_wait3A_164 = arith.constant 0 : i32
      %dma_wait3A_165 = tpu.memref_slice %arg4[%dma_wait3A_163, %dma_wait3A_164] : memref<10240x128xf32, #tpu.memory_space<hbm>> -> memref<10240x128xf32, #tpu.memory_space<hbm>>
      tpu.wait_indirect_dma semaphore(%arg15 : memref<!tpu.dma_semaphore, #tpu.memory_space<semaphore_mem>>) src(%dma_wait3A_165 : memref<10240x128xf32, #tpu.memory_space<hbm>>) dst(%dma_wait3A_159 : memref<128x128xf32, #tpu.memory_space<vmem>>)
      %add3A_166 = arith.addi %add3A_13, %add3A_154 : i32
      %dma_wait3A_167 = arith.constant 1 : i32
      %dma_wait3A_168 = arith.constant 0 : i32
      %dma_wait3A_169 = tpu.memref_slice %arg7[%dma_wait3A_167, %dma_wait3A_168] : memref<4x128xi32, #tpu.memory_space<vmem>> -> memref<1x128xi32, #tpu.memory_space<vmem>>
      %dma_wait3A_170 = tpu.memref_squeeze %dma_wait3A_169 : memref<1x128xi32, #tpu.memory_space<vmem>> -> memref<128xi32, #tpu.memory_space<vmem>>
      %dma_wait3A_171 = arith.constant 0 : i32
      %dma_wait3A_172 = tpu.memref_slice %arg3[%add3A_166, %dma_wait3A_171] : memref<2560x128xi32, #tpu.memory_space<hbm>> -> memref<1x128xi32, #tpu.memory_space<hbm>>
      %dma_wait3A_173 = tpu.memref_squeeze %dma_wait3A_172 : memref<1x128xi32, #tpu.memory_space<hbm>> -> memref<128xi32, #tpu.memory_space<hbm>>
      %dma_wait3A_174 = arith.constant 0 : i32
      %dma_wait3A_175 = tpu.memref_slice %arg7[%dma_wait3A_167, %dma_wait3A_174] : memref<4x128xi32, #tpu.memory_space<vmem>> -> memref<1x128xi32, #tpu.memory_space<vmem>>
      %dma_wait3A_176 = tpu.memref_squeeze %dma_wait3A_175 : memref<1x128xi32, #tpu.memory_space<vmem>> -> memref<128xi32, #tpu.memory_space<vmem>>
      %dma_wait3A_177 = arith.constant 0 : i32
      %dma_wait3A_178 = tpu.memref_slice %arg3[%add3A_166, %dma_wait3A_177] : memref<2560x128xi32, #tpu.memory_space<hbm>> -> memref<1x128xi32, #tpu.memory_space<hbm>>
      %dma_wait3A_179 = tpu.memref_squeeze %dma_wait3A_178 : memref<1x128xi32, #tpu.memory_space<hbm>> -> memref<128xi32, #tpu.memory_space<hbm>>
      tpu.wait_dma2 semaphore(%arg11 : memref<!tpu.dma_semaphore, #tpu.memory_space<semaphore_mem>>) src(%dma_wait3A_179 : memref<128xi32, #tpu.memory_space<hbm>>) dst(%dma_wait3A_176 : memref<128xi32, #tpu.memory_space<vmem>>)
      %run_scoped3A_180 = arith.constant 1 : i32
      %run_scoped3A_181 = arith.constant 1 : i32
      "tpu.region"() ({
        %run_scoped3A_286 = tpu.sem_alloc : memref<!tpu.dma_semaphore, #tpu.memory_space<semaphore_mem>>
        %dma_start3A_287 = arith.constant 0 : i32
        %dma_start3A_288 = arith.constant 0 : i32
        %dma_start3A_289 = tpu.memref_slice %arg8[%run_scoped3A_180, %dma_start3A_287, %dma_start3A_288] : memref<2x128x128xf32, #tpu.memory_space<vmem>> -> memref<1x128x128xf32, #tpu.memory_space<vmem>>
        %dma_start3A_290 = tpu.memref_squeeze %dma_start3A_289 : memref<1x128x128xf32, #tpu.memory_space<vmem>> -> memref<128x128xf32, #tpu.memory_space<vmem>>
        %dma_start3A_291 = arith.constant 0 : i32
        %dma_start3A_292 = tpu.memref_slice %arg7[%run_scoped3A_181, %dma_start3A_291] : memref<4x128xi32, #tpu.memory_space<vmem>> -> memref<1x128xi32, #tpu.memory_space<vmem>>
        %dma_start3A_293 = tpu.memref_squeeze %dma_start3A_292 : memref<1x128xi32, #tpu.memory_space<vmem>> -> memref<128xi32, #tpu.memory_space<vmem>>
        %dma_start3A_294 = arith.constant 0 : i32
        %dma_start3A_295 = arith.constant 0 : i32
        %dma_start3A_296 = tpu.memref_slice %arg9[%dma_start3A_294, %dma_start3A_295] : memref<10240x128xf32, #tpu.memory_space<vmem_shared>> -> memref<10240x128xf32, #tpu.memory_space<vmem_shared>>
        tpu.enqueue_indirect_dma source(%dma_start3A_290 : memref<128x128xf32, #tpu.memory_space<vmem>>) target(%dma_start3A_296 : memref<10240x128xf32, #tpu.memory_space<vmem_shared>>) offsets(%dma_start3A_293 : memref<128xi32, #tpu.memory_space<vmem>>) semaphore(%run_scoped3A_286 : memref<!tpu.dma_semaphore, #tpu.memory_space<semaphore_mem>>) {add = true}
        %dma_wait3A_297 = arith.constant 0 : i32
        %dma_wait3A_298 = arith.constant 0 : i32
        %dma_wait3A_299 = tpu.memref_slice %arg8[%run_scoped3A_180, %dma_wait3A_297, %dma_wait3A_298] : memref<2x128x128xf32, #tpu.memory_space<vmem>> -> memref<1x128x128xf32, #tpu.memory_space<vmem>>
        %dma_wait3A_300 = tpu.memref_squeeze %dma_wait3A_299 : memref<1x128x128xf32, #tpu.memory_space<vmem>> -> memref<128x128xf32, #tpu.memory_space<vmem>>
        %dma_wait3A_301 = arith.constant 0 : i32
        %dma_wait3A_302 = tpu.memref_slice %arg7[%run_scoped3A_181, %dma_wait3A_301] : memref<4x128xi32, #tpu.memory_space<vmem>> -> memref<1x128xi32, #tpu.memory_space<vmem>>
        %dma_wait3A_303 = tpu.memref_squeeze %dma_wait3A_302 : memref<1x128xi32, #tpu.memory_space<vmem>> -> memref<128xi32, #tpu.memory_space<vmem>>
        %dma_wait3A_304 = arith.constant 0 : i32
        %dma_wait3A_305 = arith.constant 0 : i32
        %dma_wait3A_306 = tpu.memref_slice %arg9[%dma_wait3A_304, %dma_wait3A_305] : memref<10240x128xf32, #tpu.memory_space<vmem_shared>> -> memref<10240x128xf32, #tpu.memory_space<vmem_shared>>
        tpu.wait_indirect_dma semaphore(%run_scoped3A_286 : memref<!tpu.dma_semaphore, #tpu.memory_space<semaphore_mem>>) src(%dma_wait3A_300 : memref<128x128xf32, #tpu.memory_space<vmem>>) dst(%dma_wait3A_306 : memref<10240x128xf32, #tpu.memory_space<vmem_shared>>)
        tpu.yield
      }) : () -> ()
      %add3A_182 = arith.constant 4 : i32
      %add3A_183 = arith.addi %add3A_154, %add3A_182 : i32
      %lt3A_184 = arith.constant 80 : i32
      %lt3A_185 = arith.cmpi slt, %add3A_183, %lt3A_184 : i32
      %convert_element_type3A_186 = arith.extui %lt3A_185 : i1 to i32
      %cond3A_187 = arith.constant 0 : i32
      %cond3A_188 = arith.cmpi ne, %convert_element_type3A_186, %cond3A_187 : i32
      scf.if %cond3A_188 {
        %add3A_286 = arith.addi %add3A_13, %add3A_154 : i32
        %add3A_287 = arith.constant 4 : i32
        %add3A_288 = arith.addi %add3A_286, %add3A_287 : i32
        %dma_start3A_289 = arith.constant 1 : i32
        %dma_start3A_290 = arith.constant 0 : i32
        %dma_start3A_291 = tpu.memref_slice %arg7[%dma_start3A_289, %dma_start3A_290] : memref<4x128xi32, #tpu.memory_space<vmem>> -> memref<1x128xi32, #tpu.memory_space<vmem>>
        %dma_start3A_292 = tpu.memref_squeeze %dma_start3A_291 : memref<1x128xi32, #tpu.memory_space<vmem>> -> memref<128xi32, #tpu.memory_space<vmem>>
        %dma_start3A_293 = arith.constant 0 : i32
        %dma_start3A_294 = tpu.memref_slice %arg3[%add3A_288, %dma_start3A_293] : memref<2560x128xi32, #tpu.memory_space<hbm>> -> memref<1x128xi32, #tpu.memory_space<hbm>>
        %dma_start3A_295 = tpu.memref_squeeze %dma_start3A_294 : memref<1x128xi32, #tpu.memory_space<hbm>> -> memref<128xi32, #tpu.memory_space<hbm>>
        %dma_start3A_296 = arith.constant 0 : i32
        %dma_start3A_297 = tpu.memref_slice %arg7[%dma_start3A_289, %dma_start3A_296] : memref<4x128xi32, #tpu.memory_space<vmem>> -> memref<1x128xi32, #tpu.memory_space<vmem>>
        %dma_start3A_298 = tpu.memref_squeeze %dma_start3A_297 : memref<1x128xi32, #tpu.memory_space<vmem>> -> memref<128xi32, #tpu.memory_space<vmem>>
        %dma_start3A_299 = arith.constant 0 : i32
        %dma_start3A_300 = tpu.memref_slice %arg3[%add3A_288, %dma_start3A_299] : memref<2560x128xi32, #tpu.memory_space<hbm>> -> memref<1x128xi32, #tpu.memory_space<hbm>>
        %dma_start3A_301 = tpu.memref_squeeze %dma_start3A_300 : memref<1x128xi32, #tpu.memory_space<hbm>> -> memref<128xi32, #tpu.memory_space<hbm>>
        tpu.enqueue_dma source(%dma_start3A_301 : memref<128xi32, #tpu.memory_space<hbm>>) target(%dma_start3A_298 : memref<128xi32, #tpu.memory_space<vmem>>) target_semaphore(%arg11 : memref<!tpu.dma_semaphore, #tpu.memory_space<semaphore_mem>>)
      } else {
      }
      %add3A_189 = arith.constant 2 : i32
      %add3A_190 = arith.addi %add3A_154, %add3A_189 : i32
      %lt3A_191 = arith.constant 80 : i32
      %lt3A_192 = arith.cmpi slt, %add3A_190, %lt3A_191 : i32
      %convert_element_type3A_193 = arith.extui %lt3A_192 : i1 to i32
      %cond3A_194 = arith.constant 0 : i32
      %cond3A_195 = arith.cmpi ne, %convert_element_type3A_193, %cond3A_194 : i32
      scf.if %cond3A_195 {
        %add3A_286 = arith.constant 2 : i32
        %add3A_287 = arith.addi %add3A_154, %add3A_286 : i32
        %dma_start3A_288 = arith.constant 1 : i32
        %dma_start3A_289 = arith.constant 0 : i32
        %dma_start3A_290 = arith.constant 0 : i32
        %dma_start3A_291 = tpu.memref_slice %arg8[%dma_start3A_288, %dma_start3A_289, %dma_start3A_290] : memref<2x128x128xf32, #tpu.memory_space<vmem>> -> memref<1x128x128xf32, #tpu.memory_space<vmem>>
        %dma_start3A_292 = tpu.memref_squeeze %dma_start3A_291 : memref<1x128x128xf32, #tpu.memory_space<vmem>> -> memref<128x128xf32, #tpu.memory_space<vmem>>
        %dma_start3A_293 = arith.constant 0 : i32
        %dma_start3A_294 = tpu.memref_slice %arg6[%add3A_287, %dma_start3A_293] : memref<80x128xi32, #tpu.memory_space<vmem>> -> memref<1x128xi32, #tpu.memory_space<vmem>>
        %dma_start3A_295 = tpu.memref_squeeze %dma_start3A_294 : memref<1x128xi32, #tpu.memory_space<vmem>> -> memref<128xi32, #tpu.memory_space<vmem>>
        %dma_start3A_296 = arith.constant 0 : i32
        %dma_start3A_297 = arith.constant 0 : i32
        %dma_start3A_298 = tpu.memref_slice %arg4[%dma_start3A_296, %dma_start3A_297] : memref<10240x128xf32, #tpu.memory_space<hbm>> -> memref<10240x128xf32, #tpu.memory_space<hbm>>
        tpu.enqueue_indirect_dma source(%dma_start3A_298 : memref<10240x128xf32, #tpu.memory_space<hbm>>) target(%dma_start3A_292 : memref<128x128xf32, #tpu.memory_space<vmem>>) offsets(%dma_start3A_295 : memref<128xi32, #tpu.memory_space<vmem>>) semaphore(%arg15 : memref<!tpu.dma_semaphore, #tpu.memory_space<semaphore_mem>>)
      } else {
      }
      %mul3A_196 = arith.constant 4 : i32
      %mul3A_197 = arith.muli %scan3A_110, %mul3A_196 : i32
      %add3A_198 = arith.constant 2 : i32
      %add3A_199 = arith.addi %mul3A_197, %add3A_198 : i32
      %dma_wait3A_200 = arith.constant 0 : i32
      %dma_wait3A_201 = arith.constant 0 : i32
      %dma_wait3A_202 = arith.constant 0 : i32
      %dma_wait3A_203 = tpu.memref_slice %arg8[%dma_wait3A_200, %dma_wait3A_201, %dma_wait3A_202] : memref<2x128x128xf32, #tpu.memory_space<vmem>> -> memref<1x128x128xf32, #tpu.memory_space<vmem>>
      %dma_wait3A_204 = tpu.memref_squeeze %dma_wait3A_203 : memref<1x128x128xf32, #tpu.memory_space<vmem>> -> memref<128x128xf32, #tpu.memory_space<vmem>>
      %dma_wait3A_205 = arith.constant 0 : i32
      %dma_wait3A_206 = tpu.memref_slice %arg6[%add3A_199, %dma_wait3A_205] : memref<80x128xi32, #tpu.memory_space<vmem>> -> memref<1x128xi32, #tpu.memory_space<vmem>>
      %dma_wait3A_207 = tpu.memref_squeeze %dma_wait3A_206 : memref<1x128xi32, #tpu.memory_space<vmem>> -> memref<128xi32, #tpu.memory_space<vmem>>
      %dma_wait3A_208 = arith.constant 0 : i32
      %dma_wait3A_209 = arith.constant 0 : i32
      %dma_wait3A_210 = tpu.memref_slice %arg4[%dma_wait3A_208, %dma_wait3A_209] : memref<10240x128xf32, #tpu.memory_space<hbm>> -> memref<10240x128xf32, #tpu.memory_space<hbm>>
      tpu.wait_indirect_dma semaphore(%arg14 : memref<!tpu.dma_semaphore, #tpu.memory_space<semaphore_mem>>) src(%dma_wait3A_210 : memref<10240x128xf32, #tpu.memory_space<hbm>>) dst(%dma_wait3A_204 : memref<128x128xf32, #tpu.memory_space<vmem>>)
      %add3A_211 = arith.addi %add3A_13, %add3A_199 : i32
      %dma_wait3A_212 = arith.constant 2 : i32
      %dma_wait3A_213 = arith.constant 0 : i32
      %dma_wait3A_214 = tpu.memref_slice %arg7[%dma_wait3A_212, %dma_wait3A_213] : memref<4x128xi32, #tpu.memory_space<vmem>> -> memref<1x128xi32, #tpu.memory_space<vmem>>
      %dma_wait3A_215 = tpu.memref_squeeze %dma_wait3A_214 : memref<1x128xi32, #tpu.memory_space<vmem>> -> memref<128xi32, #tpu.memory_space<vmem>>
      %dma_wait3A_216 = arith.constant 0 : i32
      %dma_wait3A_217 = tpu.memref_slice %arg3[%add3A_211, %dma_wait3A_216] : memref<2560x128xi32, #tpu.memory_space<hbm>> -> memref<1x128xi32, #tpu.memory_space<hbm>>
      %dma_wait3A_218 = tpu.memref_squeeze %dma_wait3A_217 : memref<1x128xi32, #tpu.memory_space<hbm>> -> memref<128xi32, #tpu.memory_space<hbm>>
      %dma_wait3A_219 = arith.constant 0 : i32
      %dma_wait3A_220 = tpu.memref_slice %arg7[%dma_wait3A_212, %dma_wait3A_219] : memref<4x128xi32, #tpu.memory_space<vmem>> -> memref<1x128xi32, #tpu.memory_space<vmem>>
      %dma_wait3A_221 = tpu.memref_squeeze %dma_wait3A_220 : memref<1x128xi32, #tpu.memory_space<vmem>> -> memref<128xi32, #tpu.memory_space<vmem>>
      %dma_wait3A_222 = arith.constant 0 : i32
      %dma_wait3A_223 = tpu.memref_slice %arg3[%add3A_211, %dma_wait3A_222] : memref<2560x128xi32, #tpu.memory_space<hbm>> -> memref<1x128xi32, #tpu.memory_space<hbm>>
      %dma_wait3A_224 = tpu.memref_squeeze %dma_wait3A_223 : memref<1x128xi32, #tpu.memory_space<hbm>> -> memref<128xi32, #tpu.memory_space<hbm>>
      tpu.wait_dma2 semaphore(%arg12 : memref<!tpu.dma_semaphore, #tpu.memory_space<semaphore_mem>>) src(%dma_wait3A_224 : memref<128xi32, #tpu.memory_space<hbm>>) dst(%dma_wait3A_221 : memref<128xi32, #tpu.memory_space<vmem>>)
      %run_scoped3A_225 = arith.constant 0 : i32
      %run_scoped3A_226 = arith.constant 2 : i32
      "tpu.region"() ({
        %run_scoped3A_286 = tpu.sem_alloc : memref<!tpu.dma_semaphore, #tpu.memory_space<semaphore_mem>>
        %dma_start3A_287 = arith.constant 0 : i32
        %dma_start3A_288 = arith.constant 0 : i32
        %dma_start3A_289 = tpu.memref_slice %arg8[%run_scoped3A_225, %dma_start3A_287, %dma_start3A_288] : memref<2x128x128xf32, #tpu.memory_space<vmem>> -> memref<1x128x128xf32, #tpu.memory_space<vmem>>
        %dma_start3A_290 = tpu.memref_squeeze %dma_start3A_289 : memref<1x128x128xf32, #tpu.memory_space<vmem>> -> memref<128x128xf32, #tpu.memory_space<vmem>>
        %dma_start3A_291 = arith.constant 0 : i32
        %dma_start3A_292 = tpu.memref_slice %arg7[%run_scoped3A_226, %dma_start3A_291] : memref<4x128xi32, #tpu.memory_space<vmem>> -> memref<1x128xi32, #tpu.memory_space<vmem>>
        %dma_start3A_293 = tpu.memref_squeeze %dma_start3A_292 : memref<1x128xi32, #tpu.memory_space<vmem>> -> memref<128xi32, #tpu.memory_space<vmem>>
        %dma_start3A_294 = arith.constant 0 : i32
        %dma_start3A_295 = arith.constant 0 : i32
        %dma_start3A_296 = tpu.memref_slice %arg9[%dma_start3A_294, %dma_start3A_295] : memref<10240x128xf32, #tpu.memory_space<vmem_shared>> -> memref<10240x128xf32, #tpu.memory_space<vmem_shared>>
        tpu.enqueue_indirect_dma source(%dma_start3A_290 : memref<128x128xf32, #tpu.memory_space<vmem>>) target(%dma_start3A_296 : memref<10240x128xf32, #tpu.memory_space<vmem_shared>>) offsets(%dma_start3A_293 : memref<128xi32, #tpu.memory_space<vmem>>) semaphore(%run_scoped3A_286 : memref<!tpu.dma_semaphore, #tpu.memory_space<semaphore_mem>>) {add = true}
        %dma_wait3A_297 = arith.constant 0 : i32
        %dma_wait3A_298 = arith.constant 0 : i32
        %dma_wait3A_299 = tpu.memref_slice %arg8[%run_scoped3A_225, %dma_wait3A_297, %dma_wait3A_298] : memref<2x128x128xf32, #tpu.memory_space<vmem>> -> memref<1x128x128xf32, #tpu.memory_space<vmem>>
        %dma_wait3A_300 = tpu.memref_squeeze %dma_wait3A_299 : memref<1x128x128xf32, #tpu.memory_space<vmem>> -> memref<128x128xf32, #tpu.memory_space<vmem>>
        %dma_wait3A_301 = arith.constant 0 : i32
        %dma_wait3A_302 = tpu.memref_slice %arg7[%run_scoped3A_226, %dma_wait3A_301] : memref<4x128xi32, #tpu.memory_space<vmem>> -> memref<1x128xi32, #tpu.memory_space<vmem>>
        %dma_wait3A_303 = tpu.memref_squeeze %dma_wait3A_302 : memref<1x128xi32, #tpu.memory_space<vmem>> -> memref<128xi32, #tpu.memory_space<vmem>>
        %dma_wait3A_304 = arith.constant 0 : i32
        %dma_wait3A_305 = arith.constant 0 : i32
        %dma_wait3A_306 = tpu.memref_slice %arg9[%dma_wait3A_304, %dma_wait3A_305] : memref<10240x128xf32, #tpu.memory_space<vmem_shared>> -> memref<10240x128xf32, #tpu.memory_space<vmem_shared>>
        tpu.wait_indirect_dma semaphore(%run_scoped3A_286 : memref<!tpu.dma_semaphore, #tpu.memory_space<semaphore_mem>>) src(%dma_wait3A_300 : memref<128x128xf32, #tpu.memory_space<vmem>>) dst(%dma_wait3A_306 : memref<10240x128xf32, #tpu.memory_space<vmem_shared>>)
        tpu.yield
      }) : () -> ()
      %add3A_227 = arith.constant 4 : i32
      %add3A_228 = arith.addi %add3A_199, %add3A_227 : i32
      %lt3A_229 = arith.constant 80 : i32
      %lt3A_230 = arith.cmpi slt, %add3A_228, %lt3A_229 : i32
      %convert_element_type3A_231 = arith.extui %lt3A_230 : i1 to i32
      %cond3A_232 = arith.constant 0 : i32
      %cond3A_233 = arith.cmpi ne, %convert_element_type3A_231, %cond3A_232 : i32
      scf.if %cond3A_233 {
        %add3A_286 = arith.addi %add3A_13, %add3A_199 : i32
        %add3A_287 = arith.constant 4 : i32
        %add3A_288 = arith.addi %add3A_286, %add3A_287 : i32
        %dma_start3A_289 = arith.constant 2 : i32
        %dma_start3A_290 = arith.constant 0 : i32
        %dma_start3A_291 = tpu.memref_slice %arg7[%dma_start3A_289, %dma_start3A_290] : memref<4x128xi32, #tpu.memory_space<vmem>> -> memref<1x128xi32, #tpu.memory_space<vmem>>
        %dma_start3A_292 = tpu.memref_squeeze %dma_start3A_291 : memref<1x128xi32, #tpu.memory_space<vmem>> -> memref<128xi32, #tpu.memory_space<vmem>>
        %dma_start3A_293 = arith.constant 0 : i32
        %dma_start3A_294 = tpu.memref_slice %arg3[%add3A_288, %dma_start3A_293] : memref<2560x128xi32, #tpu.memory_space<hbm>> -> memref<1x128xi32, #tpu.memory_space<hbm>>
        %dma_start3A_295 = tpu.memref_squeeze %dma_start3A_294 : memref<1x128xi32, #tpu.memory_space<hbm>> -> memref<128xi32, #tpu.memory_space<hbm>>
        %dma_start3A_296 = arith.constant 0 : i32
        %dma_start3A_297 = tpu.memref_slice %arg7[%dma_start3A_289, %dma_start3A_296] : memref<4x128xi32, #tpu.memory_space<vmem>> -> memref<1x128xi32, #tpu.memory_space<vmem>>
        %dma_start3A_298 = tpu.memref_squeeze %dma_start3A_297 : memref<1x128xi32, #tpu.memory_space<vmem>> -> memref<128xi32, #tpu.memory_space<vmem>>
        %dma_start3A_299 = arith.constant 0 : i32
        %dma_start3A_300 = tpu.memref_slice %arg3[%add3A_288, %dma_start3A_299] : memref<2560x128xi32, #tpu.memory_space<hbm>> -> memref<1x128xi32, #tpu.memory_space<hbm>>
        %dma_start3A_301 = tpu.memref_squeeze %dma_start3A_300 : memref<1x128xi32, #tpu.memory_space<hbm>> -> memref<128xi32, #tpu.memory_space<hbm>>
        tpu.enqueue_dma source(%dma_start3A_301 : memref<128xi32, #tpu.memory_space<hbm>>) target(%dma_start3A_298 : memref<128xi32, #tpu.memory_space<vmem>>) target_semaphore(%arg12 : memref<!tpu.dma_semaphore, #tpu.memory_space<semaphore_mem>>)
      } else {
      }
      %add3A_234 = arith.constant 2 : i32
      %add3A_235 = arith.addi %add3A_199, %add3A_234 : i32
      %lt3A_236 = arith.constant 80 : i32
      %lt3A_237 = arith.cmpi slt, %add3A_235, %lt3A_236 : i32
      %convert_element_type3A_238 = arith.extui %lt3A_237 : i1 to i32
      %cond3A_239 = arith.constant 0 : i32
      %cond3A_240 = arith.cmpi ne, %convert_element_type3A_238, %cond3A_239 : i32
      scf.if %cond3A_240 {
        %add3A_286 = arith.constant 2 : i32
        %add3A_287 = arith.addi %add3A_199, %add3A_286 : i32
        %dma_start3A_288 = arith.constant 0 : i32
        %dma_start3A_289 = arith.constant 0 : i32
        %dma_start3A_290 = arith.constant 0 : i32
        %dma_start3A_291 = tpu.memref_slice %arg8[%dma_start3A_288, %dma_start3A_289, %dma_start3A_290] : memref<2x128x128xf32, #tpu.memory_space<vmem>> -> memref<1x128x128xf32, #tpu.memory_space<vmem>>
        %dma_start3A_292 = tpu.memref_squeeze %dma_start3A_291 : memref<1x128x128xf32, #tpu.memory_space<vmem>> -> memref<128x128xf32, #tpu.memory_space<vmem>>
        %dma_start3A_293 = arith.constant 0 : i32
        %dma_start3A_294 = tpu.memref_slice %arg6[%add3A_287, %dma_start3A_293] : memref<80x128xi32, #tpu.memory_space<vmem>> -> memref<1x128xi32, #tpu.memory_space<vmem>>
        %dma_start3A_295 = tpu.memref_squeeze %dma_start3A_294 : memref<1x128xi32, #tpu.memory_space<vmem>> -> memref<128xi32, #tpu.memory_space<vmem>>
        %dma_start3A_296 = arith.constant 0 : i32
        %dma_start3A_297 = arith.constant 0 : i32
        %dma_start3A_298 = tpu.memref_slice %arg4[%dma_start3A_296, %dma_start3A_297] : memref<10240x128xf32, #tpu.memory_space<hbm>> -> memref<10240x128xf32, #tpu.memory_space<hbm>>
        tpu.enqueue_indirect_dma source(%dma_start3A_298 : memref<10240x128xf32, #tpu.memory_space<hbm>>) target(%dma_start3A_292 : memref<128x128xf32, #tpu.memory_space<vmem>>) offsets(%dma_start3A_295 : memref<128xi32, #tpu.memory_space<vmem>>) semaphore(%arg14 : memref<!tpu.dma_semaphore, #tpu.memory_space<semaphore_mem>>)
      } else {
      }
      %mul3A_241 = arith.constant 4 : i32
      %mul3A_242 = arith.muli %scan3A_110, %mul3A_241 : i32
      %add3A_243 = arith.constant 3 : i32
      %add3A_244 = arith.addi %mul3A_242, %add3A_243 : i32
      %dma_wait3A_245 = arith.constant 1 : i32
      %dma_wait3A_246 = arith.constant 0 : i32
      %dma_wait3A_247 = arith.constant 0 : i32
      %dma_wait3A_248 = tpu.memref_slice %arg8[%dma_wait3A_245, %dma_wait3A_246, %dma_wait3A_247] : memref<2x128x128xf32, #tpu.memory_space<vmem>> -> memref<1x128x128xf32, #tpu.memory_space<vmem>>
      %dma_wait3A_249 = tpu.memref_squeeze %dma_wait3A_248 : memref<1x128x128xf32, #tpu.memory_space<vmem>> -> memref<128x128xf32, #tpu.memory_space<vmem>>
      %dma_wait3A_250 = arith.constant 0 : i32
      %dma_wait3A_251 = tpu.memref_slice %arg6[%add3A_244, %dma_wait3A_250] : memref<80x128xi32, #tpu.memory_space<vmem>> -> memref<1x128xi32, #tpu.memory_space<vmem>>
      %dma_wait3A_252 = tpu.memref_squeeze %dma_wait3A_251 : memref<1x128xi32, #tpu.memory_space<vmem>> -> memref<128xi32, #tpu.memory_space<vmem>>
      %dma_wait3A_253 = arith.constant 0 : i32
      %dma_wait3A_254 = arith.constant 0 : i32
      %dma_wait3A_255 = tpu.memref_slice %arg4[%dma_wait3A_253, %dma_wait3A_254] : memref<10240x128xf32, #tpu.memory_space<hbm>> -> memref<10240x128xf32, #tpu.memory_space<hbm>>
      tpu.wait_indirect_dma semaphore(%arg15 : memref<!tpu.dma_semaphore, #tpu.memory_space<semaphore_mem>>) src(%dma_wait3A_255 : memref<10240x128xf32, #tpu.memory_space<hbm>>) dst(%dma_wait3A_249 : memref<128x128xf32, #tpu.memory_space<vmem>>)
      %add3A_256 = arith.addi %add3A_13, %add3A_244 : i32
      %dma_wait3A_257 = arith.constant 3 : i32
      %dma_wait3A_258 = arith.constant 0 : i32
      %dma_wait3A_259 = tpu.memref_slice %arg7[%dma_wait3A_257, %dma_wait3A_258] : memref<4x128xi32, #tpu.memory_space<vmem>> -> memref<1x128xi32, #tpu.memory_space<vmem>>
      %dma_wait3A_260 = tpu.memref_squeeze %dma_wait3A_259 : memref<1x128xi32, #tpu.memory_space<vmem>> -> memref<128xi32, #tpu.memory_space<vmem>>
      %dma_wait3A_261 = arith.constant 0 : i32
      %dma_wait3A_262 = tpu.memref_slice %arg3[%add3A_256, %dma_wait3A_261] : memref<2560x128xi32, #tpu.memory_space<hbm>> -> memref<1x128xi32, #tpu.memory_space<hbm>>
      %dma_wait3A_263 = tpu.memref_squeeze %dma_wait3A_262 : memref<1x128xi32, #tpu.memory_space<hbm>> -> memref<128xi32, #tpu.memory_space<hbm>>
      %dma_wait3A_264 = arith.constant 0 : i32
      %dma_wait3A_265 = tpu.memref_slice %arg7[%dma_wait3A_257, %dma_wait3A_264] : memref<4x128xi32, #tpu.memory_space<vmem>> -> memref<1x128xi32, #tpu.memory_space<vmem>>
      %dma_wait3A_266 = tpu.memref_squeeze %dma_wait3A_265 : memref<1x128xi32, #tpu.memory_space<vmem>> -> memref<128xi32, #tpu.memory_space<vmem>>
      %dma_wait3A_267 = arith.constant 0 : i32
      %dma_wait3A_268 = tpu.memref_slice %arg3[%add3A_256, %dma_wait3A_267] : memref<2560x128xi32, #tpu.memory_space<hbm>> -> memref<1x128xi32, #tpu.memory_space<hbm>>
      %dma_wait3A_269 = tpu.memref_squeeze %dma_wait3A_268 : memref<1x128xi32, #tpu.memory_space<hbm>> -> memref<128xi32, #tpu.memory_space<hbm>>
      tpu.wait_dma2 semaphore(%arg13 : memref<!tpu.dma_semaphore, #tpu.memory_space<semaphore_mem>>) src(%dma_wait3A_269 : memref<128xi32, #tpu.memory_space<hbm>>) dst(%dma_wait3A_266 : memref<128xi32, #tpu.memory_space<vmem>>)
      %run_scoped3A_270 = arith.constant 1 : i32
      %run_scoped3A_271 = arith.constant 3 : i32
      "tpu.region"() ({
        %run_scoped3A_286 = tpu.sem_alloc : memref<!tpu.dma_semaphore, #tpu.memory_space<semaphore_mem>>
        %dma_start3A_287 = arith.constant 0 : i32
        %dma_start3A_288 = arith.constant 0 : i32
        %dma_start3A_289 = tpu.memref_slice %arg8[%run_scoped3A_270, %dma_start3A_287, %dma_start3A_288] : memref<2x128x128xf32, #tpu.memory_space<vmem>> -> memref<1x128x128xf32, #tpu.memory_space<vmem>>
        %dma_start3A_290 = tpu.memref_squeeze %dma_start3A_289 : memref<1x128x128xf32, #tpu.memory_space<vmem>> -> memref<128x128xf32, #tpu.memory_space<vmem>>
        %dma_start3A_291 = arith.constant 0 : i32
        %dma_start3A_292 = tpu.memref_slice %arg7[%run_scoped3A_271, %dma_start3A_291] : memref<4x128xi32, #tpu.memory_space<vmem>> -> memref<1x128xi32, #tpu.memory_space<vmem>>
        %dma_start3A_293 = tpu.memref_squeeze %dma_start3A_292 : memref<1x128xi32, #tpu.memory_space<vmem>> -> memref<128xi32, #tpu.memory_space<vmem>>
        %dma_start3A_294 = arith.constant 0 : i32
        %dma_start3A_295 = arith.constant 0 : i32
        %dma_start3A_296 = tpu.memref_slice %arg9[%dma_start3A_294, %dma_start3A_295] : memref<10240x128xf32, #tpu.memory_space<vmem_shared>> -> memref<10240x128xf32, #tpu.memory_space<vmem_shared>>
        tpu.enqueue_indirect_dma source(%dma_start3A_290 : memref<128x128xf32, #tpu.memory_space<vmem>>) target(%dma_start3A_296 : memref<10240x128xf32, #tpu.memory_space<vmem_shared>>) offsets(%dma_start3A_293 : memref<128xi32, #tpu.memory_space<vmem>>) semaphore(%run_scoped3A_286 : memref<!tpu.dma_semaphore, #tpu.memory_space<semaphore_mem>>) {add = true}
        %dma_wait3A_297 = arith.constant 0 : i32
        %dma_wait3A_298 = arith.constant 0 : i32
        %dma_wait3A_299 = tpu.memref_slice %arg8[%run_scoped3A_270, %dma_wait3A_297, %dma_wait3A_298] : memref<2x128x128xf32, #tpu.memory_space<vmem>> -> memref<1x128x128xf32, #tpu.memory_space<vmem>>
        %dma_wait3A_300 = tpu.memref_squeeze %dma_wait3A_299 : memref<1x128x128xf32, #tpu.memory_space<vmem>> -> memref<128x128xf32, #tpu.memory_space<vmem>>
        %dma_wait3A_301 = arith.constant 0 : i32
        %dma_wait3A_302 = tpu.memref_slice %arg7[%run_scoped3A_271, %dma_wait3A_301] : memref<4x128xi32, #tpu.memory_space<vmem>> -> memref<1x128xi32, #tpu.memory_space<vmem>>
        %dma_wait3A_303 = tpu.memref_squeeze %dma_wait3A_302 : memref<1x128xi32, #tpu.memory_space<vmem>> -> memref<128xi32, #tpu.memory_space<vmem>>
        %dma_wait3A_304 = arith.constant 0 : i32
        %dma_wait3A_305 = arith.constant 0 : i32
        %dma_wait3A_306 = tpu.memref_slice %arg9[%dma_wait3A_304, %dma_wait3A_305] : memref<10240x128xf32, #tpu.memory_space<vmem_shared>> -> memref<10240x128xf32, #tpu.memory_space<vmem_shared>>
        tpu.wait_indirect_dma semaphore(%run_scoped3A_286 : memref<!tpu.dma_semaphore, #tpu.memory_space<semaphore_mem>>) src(%dma_wait3A_300 : memref<128x128xf32, #tpu.memory_space<vmem>>) dst(%dma_wait3A_306 : memref<10240x128xf32, #tpu.memory_space<vmem_shared>>)
        tpu.yield
      }) : () -> ()
      %add3A_272 = arith.constant 4 : i32
      %add3A_273 = arith.addi %add3A_244, %add3A_272 : i32
      %lt3A_274 = arith.constant 80 : i32
      %lt3A_275 = arith.cmpi slt, %add3A_273, %lt3A_274 : i32
      %convert_element_type3A_276 = arith.extui %lt3A_275 : i1 to i32
      %cond3A_277 = arith.constant 0 : i32
      %cond3A_278 = arith.cmpi ne, %convert_element_type3A_276, %cond3A_277 : i32
      scf.if %cond3A_278 {
        %add3A_286 = arith.addi %add3A_13, %add3A_244 : i32
        %add3A_287 = arith.constant 4 : i32
        %add3A_288 = arith.addi %add3A_286, %add3A_287 : i32
        %dma_start3A_289 = arith.constant 3 : i32
        %dma_start3A_290 = arith.constant 0 : i32
        %dma_start3A_291 = tpu.memref_slice %arg7[%dma_start3A_289, %dma_start3A_290] : memref<4x128xi32, #tpu.memory_space<vmem>> -> memref<1x128xi32, #tpu.memory_space<vmem>>
        %dma_start3A_292 = tpu.memref_squeeze %dma_start3A_291 : memref<1x128xi32, #tpu.memory_space<vmem>> -> memref<128xi32, #tpu.memory_space<vmem>>
        %dma_start3A_293 = arith.constant 0 : i32
        %dma_start3A_294 = tpu.memref_slice %arg3[%add3A_288, %dma_start3A_293] : memref<2560x128xi32, #tpu.memory_space<hbm>> -> memref<1x128xi32, #tpu.memory_space<hbm>>
        %dma_start3A_295 = tpu.memref_squeeze %dma_start3A_294 : memref<1x128xi32, #tpu.memory_space<hbm>> -> memref<128xi32, #tpu.memory_space<hbm>>
        %dma_start3A_296 = arith.constant 0 : i32
        %dma_start3A_297 = tpu.memref_slice %arg7[%dma_start3A_289, %dma_start3A_296] : memref<4x128xi32, #tpu.memory_space<vmem>> -> memref<1x128xi32, #tpu.memory_space<vmem>>
        %dma_start3A_298 = tpu.memref_squeeze %dma_start3A_297 : memref<1x128xi32, #tpu.memory_space<vmem>> -> memref<128xi32, #tpu.memory_space<vmem>>
        %dma_start3A_299 = arith.constant 0 : i32
        %dma_start3A_300 = tpu.memref_slice %arg3[%add3A_288, %dma_start3A_299] : memref<2560x128xi32, #tpu.memory_space<hbm>> -> memref<1x128xi32, #tpu.memory_space<hbm>>
        %dma_start3A_301 = tpu.memref_squeeze %dma_start3A_300 : memref<1x128xi32, #tpu.memory_space<hbm>> -> memref<128xi32, #tpu.memory_space<hbm>>
        tpu.enqueue_dma source(%dma_start3A_301 : memref<128xi32, #tpu.memory_space<hbm>>) target(%dma_start3A_298 : memref<128xi32, #tpu.memory_space<vmem>>) target_semaphore(%arg13 : memref<!tpu.dma_semaphore, #tpu.memory_space<semaphore_mem>>)
      } else {
      }
      %add3A_279 = arith.constant 2 : i32
      %add3A_280 = arith.addi %add3A_244, %add3A_279 : i32
      %lt3A_281 = arith.constant 80 : i32
      %lt3A_282 = arith.cmpi slt, %add3A_280, %lt3A_281 : i32
      %convert_element_type3A_283 = arith.extui %lt3A_282 : i1 to i32
      %cond3A_284 = arith.constant 0 : i32
      %cond3A_285 = arith.cmpi ne, %convert_element_type3A_283, %cond3A_284 : i32
      scf.if %cond3A_285 {
        %add3A_286 = arith.constant 2 : i32
        %add3A_287 = arith.addi %add3A_244, %add3A_286 : i32
        %dma_start3A_288 = arith.constant 1 : i32
        %dma_start3A_289 = arith.constant 0 : i32
        %dma_start3A_290 = arith.constant 0 : i32
        %dma_start3A_291 = tpu.memref_slice %arg8[%dma_start3A_288, %dma_start3A_289, %dma_start3A_290] : memref<2x128x128xf32, #tpu.memory_space<vmem>> -> memref<1x128x128xf32, #tpu.memory_space<vmem>>
        %dma_start3A_292 = tpu.memref_squeeze %dma_start3A_291 : memref<1x128x128xf32, #tpu.memory_space<vmem>> -> memref<128x128xf32, #tpu.memory_space<vmem>>
        %dma_start3A_293 = arith.constant 0 : i32
        %dma_start3A_294 = tpu.memref_slice %arg6[%add3A_287, %dma_start3A_293] : memref<80x128xi32, #tpu.memory_space<vmem>> -> memref<1x128xi32, #tpu.memory_space<vmem>>
        %dma_start3A_295 = tpu.memref_squeeze %dma_start3A_294 : memref<1x128xi32, #tpu.memory_space<vmem>> -> memref<128xi32, #tpu.memory_space<vmem>>
        %dma_start3A_296 = arith.constant 0 : i32
        %dma_start3A_297 = arith.constant 0 : i32
        %dma_start3A_298 = tpu.memref_slice %arg4[%dma_start3A_296, %dma_start3A_297] : memref<10240x128xf32, #tpu.memory_space<hbm>> -> memref<10240x128xf32, #tpu.memory_space<hbm>>
        tpu.enqueue_indirect_dma source(%dma_start3A_298 : memref<10240x128xf32, #tpu.memory_space<hbm>>) target(%dma_start3A_292 : memref<128x128xf32, #tpu.memory_space<vmem>>) offsets(%dma_start3A_295 : memref<128xi32, #tpu.memory_space<vmem>>) semaphore(%arg15 : memref<!tpu.dma_semaphore, #tpu.memory_space<semaphore_mem>>)
      } else {
      }
    }
    %scan3A_101 = arith.constant 20 : i32
    %barrier3A_102 = arith.constant 0 : index
    tpu.barrier barrier_id(%barrier3A_102)
    %mul3A_103 = arith.constant 10240 : i32
    %mul3A_104 = arith.muli %arg0, %mul3A_103 : i32
    %mul3A_105 = arith.constant 640 : i32
    %mul3A_106 = arith.muli %arg1, %mul3A_105 : i32
    %add3A_107 = arith.addi %mul3A_104, %mul3A_106 : i32
    %mul3A_108 = arith.constant 640 : i32
    %mul3A_109 = arith.muli %arg1, %mul3A_108 : i32
    "tpu.region"() ({
      %run_scoped3A = tpu.sem_alloc : memref<!tpu.dma_semaphore, #tpu.memory_space<semaphore_mem>>
      %dma_start3A_110 = arith.constant 0 : i32
      %dma_start3A_111 = tpu.memref_slice %arg5[%add3A_107, %dma_start3A_110] : memref<20480x128xf32, #tpu.memory_space<hbm>> -> memref<640x128xf32, #tpu.memory_space<hbm>>
      %dma_start3A_112 = arith.constant 0 : i32
      %dma_start3A_113 = tpu.memref_slice %arg9[%mul3A_109, %dma_start3A_112] : memref<10240x128xf32, #tpu.memory_space<vmem_shared>> -> memref<640x128xf32, #tpu.memory_space<vmem_shared>>
      tpu.enqueue_dma source(%dma_start3A_113 : memref<640x128xf32, #tpu.memory_space<vmem_shared>>) target(%dma_start3A_111 : memref<640x128xf32, #tpu.memory_space<hbm>>) target_semaphore(%run_scoped3A : memref<!tpu.dma_semaphore, #tpu.memory_space<semaphore_mem>>)
      %dma_wait3A = arith.constant 0 : i32
      %dma_wait3A_114 = tpu.memref_slice %arg5[%add3A_107, %dma_wait3A] : memref<20480x128xf32, #tpu.memory_space<hbm>> -> memref<640x128xf32, #tpu.memory_space<hbm>>
      %dma_wait3A_115 = arith.constant 0 : i32
      %dma_wait3A_116 = tpu.memref_slice %arg9[%mul3A_109, %dma_wait3A_115] : memref<10240x128xf32, #tpu.memory_space<vmem_shared>> -> memref<640x128xf32, #tpu.memory_space<vmem_shared>>
      tpu.wait_dma2 semaphore(%run_scoped3A : memref<!tpu.dma_semaphore, #tpu.memory_space<semaphore_mem>>) src(%dma_wait3A_116 : memref<640x128xf32, #tpu.memory_space<vmem_shared>>) dst(%dma_wait3A_114 : memref<640x128xf32, #tpu.memory_space<hbm>>)
      tpu.yield
    }) : () -> ()
    return
  }
}

#map = affine_map<(d0, d1) -> (0, 0)>
module attributes {stable_mosaic.version = 14 : i64} {
  func.func @_agg_kernel(%arg0: i32, %arg1: i32, %arg2: memref<2560x128xi32, #tpu.memory_space<hbm>>, %arg3: memref<2560x128xi32, #tpu.memory_space<hbm>>, %arg4: memref<10240x128xf32, #tpu.memory_space<hbm>>, %arg5: memref<20480x128xf32, #tpu.memory_space<hbm>>, %arg6: memref<80x128xi32, #tpu.memory_space<vmem>>, %arg7: memref<4x128xi32, #tpu.memory_space<vmem>>, %arg8: memref<2x128x128xf32, #tpu.memory_space<vmem>>, %arg9: memref<10240x128xf32, #tpu.memory_space<vmem_shared>>, %arg10: memref<!tpu.dma_semaphore, #tpu.memory_space<semaphore_mem>>, %arg11: memref<!tpu.dma_semaphore, #tpu.memory_space<semaphore_mem>>, %arg12: memref<!tpu.dma_semaphore, #tpu.memory_space<semaphore_mem>>, %arg13: memref<!tpu.dma_semaphore, #tpu.memory_space<semaphore_mem>>, %arg14: memref<!tpu.dma_semaphore, #tpu.memory_space<semaphore_mem>>, %arg15: memref<!tpu.dma_semaphore, #tpu.memory_space<semaphore_mem>>) attributes {dimension_semantics = [#tpu.dimension_semantics<core_parallel>, #tpu.dimension_semantics<subcore_parallel>], iteration_bounds = array<i64: 2, 16>, scalar_prefetch = 0 : i64, scratch_operands = 10 : i64, tpu.core_type = #tpu.core_type<sc_vector_subcore>, window_params = [{transform_indices = #map}, {transform_indices = #map}, {transform_indices = #map}, {transform_indices = #map}]} {
    %mul3A = arith.constant 2 : i32
    %mul3A_0 = arith.muli %arg1, %mul3A : i32
    %add3A = arith.addi %mul3A_0, %arg0 : i32
    %mul3A_1 = arith.constant 80 : i32
    %mul3A_2 = arith.muli %add3A, %mul3A_1 : i32
    %scan3A = arith.constant 0 : i32
    %scan3A_3 = arith.constant 128 : i32
    %scan3A_4 = arith.addi %scan3A, %scan3A_3 : i32
    %scan3A_5 = arith.constant 1 : i32
    scf.for %scan3A_110 = %scan3A to %scan3A_4 step %scan3A_5  : i32 {
      %scan3A_111 = arith.constant 0 : i32
      %scan3A_112 = arith.constant 8 : i32
      %scan3A_113 = arith.addi %scan3A_111, %scan3A_112 : i32
      %scan3A_114 = arith.constant 1 : i32
      scf.for %scan3A_116 = %scan3A_111 to %scan3A_113 step %scan3A_114  : i32 {
        %broadcast_in_dim3A = arith.constant 0.000000e+00 : f32
        %broadcast_in_dim3A_117 = vector.broadcast %broadcast_in_dim3A : f32 to vector<16xf32>
        %mul3A_118 = arith.constant 16 : i32
        %mul3A_119 = arith.muli %scan3A_116, %mul3A_118 : i32
        %swap3A = arith.constant 0 : i32
        %swap3A_120 = arith.index_cast %swap3A : i32 to index
        %swap3A_121 = arith.index_cast %scan3A_110 : i32 to index
        %swap3A_122 = arith.index_cast %mul3A_119 : i32 to index
        %swap3A_123 = tpu.vector_load %arg8[%swap3A_120, %swap3A_121, %swap3A_122] {strides = array<i32>} : memref<2x128x128xf32, #tpu.memory_space<vmem>>, vector<1x1x16xf32>,
        %swap3A_124 = vector.shape_cast %swap3A_123 : vector<1x1x16xf32> to vector<16xf32>
        %swap3A_125 = vector.shape_cast %broadcast_in_dim3A_117 : vector<16xf32> to vector<1x1x16xf32>
        tpu.vector_store %arg8[%swap3A_120, %swap3A_121, %swap3A_122], %swap3A_125 {strides = array<i32>} : memref<2x128x128xf32, #tpu.memory_space<vmem>>, vector<1x1x16xf32>,
      }
      %scan3A_115 = arith.constant 8 : i32
    }
    %scan3A_6 = arith.constant 128 : i32
    %scan3A_7 = arith.constant 0 : i32
    %scan3A_8 = arith.constant 5 : i32
    %scan3A_9 = arith.addi %scan3A_7, %scan3A_8 : i32
    %scan3A_10 = arith.constant 1 : i32
    scf.for %scan3A_110 = %scan3A_7 to %scan3A_9 step %scan3A_10  : i32 {
      %mul3A_111 = arith.constant 640 : i32
      %mul3A_112 = arith.muli %arg1, %mul3A_111 : i32
      %mul3A_113 = arith.constant 128 : i32
      %mul3A_114 = arith.muli %scan3A_110, %mul3A_113 : i32
      %add3A_115 = arith.addi %mul3A_112, %mul3A_114 : i32
      %run_scoped3A = arith.constant 0 : i32
      "tpu.region"() ({
        %run_scoped3A_116 = tpu.sem_alloc : memref<!tpu.dma_semaphore, #tpu.memory_space<semaphore_mem>>
        %dma_start3A_117 = arith.constant 0 : i32
        %dma_start3A_118 = arith.constant 0 : i32
        %dma_start3A_119 = tpu.memref_slice %arg8[%run_scoped3A, %dma_start3A_117, %dma_start3A_118] : memref<2x128x128xf32, #tpu.memory_space<vmem>> -> memref<1x128x128xf32, #tpu.memory_space<vmem>>
        %dma_start3A_120 = tpu.memref_squeeze %dma_start3A_119 : memref<1x128x128xf32, #tpu.memory_space<vmem>> -> memref<128x128xf32, #tpu.memory_space<vmem>>
        %dma_start3A_121 = arith.constant 0 : i32
        %dma_start3A_122 = tpu.memref_slice %arg9[%add3A_115, %dma_start3A_121] : memref<10240x128xf32, #tpu.memory_space<vmem_shared>> -> memref<128x128xf32, #tpu.memory_space<vmem_shared>>
        %dma_start3A_123 = arith.constant 0 : i32
        %dma_start3A_124 = tpu.memref_slice %arg9[%add3A_115, %dma_start3A_123] : memref<10240x128xf32, #tpu.memory_space<vmem_shared>> -> memref<128x128xf32, #tpu.memory_space<vmem_shared>>
        %dma_start3A_125 = arith.constant 0 : i32
        %dma_start3A_126 = arith.constant 0 : i32
        %dma_start3A_127 = tpu.memref_slice %arg8[%run_scoped3A, %dma_start3A_125, %dma_start3A_126] : memref<2x128x128xf32, #tpu.memory_space<vmem>> -> memref<1x128x128xf32, #tpu.memory_space<vmem>>
        %dma_start3A_128 = tpu.memref_squeeze %dma_start3A_127 : memref<1x128x128xf32, #tpu.memory_space<vmem>> -> memref<128x128xf32, #tpu.memory_space<vmem>>
        tpu.enqueue_dma source(%dma_start3A_128 : memref<128x128xf32, #tpu.memory_space<vmem>>) target(%dma_start3A_124 : memref<128x128xf32, #tpu.memory_space<vmem_shared>>) target_semaphore(%run_scoped3A_116 : memref<!tpu.dma_semaphore, #tpu.memory_space<semaphore_mem>>)
        %dma_wait3A = arith.constant 0 : i32
        %dma_wait3A_129 = arith.constant 0 : i32
        %dma_wait3A_130 = tpu.memref_slice %arg8[%run_scoped3A, %dma_wait3A, %dma_wait3A_129] : memref<2x128x128xf32, #tpu.memory_space<vmem>> -> memref<1x128x128xf32, #tpu.memory_space<vmem>>
        %dma_wait3A_131 = tpu.memref_squeeze %dma_wait3A_130 : memref<1x128x128xf32, #tpu.memory_space<vmem>> -> memref<128x128xf32, #tpu.memory_space<vmem>>
        %dma_wait3A_132 = arith.constant 0 : i32
        %dma_wait3A_133 = tpu.memref_slice %arg9[%add3A_115, %dma_wait3A_132] : memref<10240x128xf32, #tpu.memory_space<vmem_shared>> -> memref<128x128xf32, #tpu.memory_space<vmem_shared>>
        %dma_wait3A_134 = arith.constant 0 : i32
        %dma_wait3A_135 = tpu.memref_slice %arg9[%add3A_115, %dma_wait3A_134] : memref<10240x128xf32, #tpu.memory_space<vmem_shared>> -> memref<128x128xf32, #tpu.memory_space<vmem_shared>>
        %dma_wait3A_136 = arith.constant 0 : i32
        %dma_wait3A_137 = arith.constant 0 : i32
        %dma_wait3A_138 = tpu.memref_slice %arg8[%run_scoped3A, %dma_wait3A_136, %dma_wait3A_137] : memref<2x128x128xf32, #tpu.memory_space<vmem>> -> memref<1x128x128xf32, #tpu.memory_space<vmem>>
        %dma_wait3A_139 = tpu.memref_squeeze %dma_wait3A_138 : memref<1x128x128xf32, #tpu.memory_space<vmem>> -> memref<128x128xf32, #tpu.memory_space<vmem>>
        tpu.wait_dma2 semaphore(%run_scoped3A_116 : memref<!tpu.dma_semaphore, #tpu.memory_space<semaphore_mem>>) src(%dma_wait3A_139 : memref<128x128xf32, #tpu.memory_space<vmem>>) dst(%dma_wait3A_135 : memref<128x128xf32, #tpu.memory_space<vmem_shared>>)
        tpu.yield
      }) : () -> ()
    }
    %scan3A_11 = arith.constant 5 : i32
    %barrier3A = arith.constant 0 : index
    tpu.barrier barrier_id(%barrier3A)
    %add3A_12 = arith.constant 0 : i32
    %add3A_13 = arith.addi %mul3A_2, %add3A_12 : i32
    "tpu.region"() ({
      %run_scoped3A = tpu.sem_alloc : memref<!tpu.dma_semaphore, #tpu.memory_space<semaphore_mem>>
      %dma_start3A_110 = arith.constant 0 : i32
      %dma_start3A_111 = tpu.memref_slice %arg2[%add3A_13, %dma_start3A_110] : memref<2560x128xi32, #tpu.memory_space<hbm>> -> memref<80x128xi32, #tpu.memory_space<hbm>>
      %dma_start3A_112 = arith.constant 0 : i32
      %dma_start3A_113 = tpu.memref_slice %arg2[%add3A_13, %dma_start3A_112] : memref<2560x128xi32, #tpu.memory_space<hbm>> -> memref<80x128xi32, #tpu.memory_space<hbm>>
      tpu.enqueue_dma source(%dma_start3A_113 : memref<80x128xi32, #tpu.memory_space<hbm>>) target(%arg6 : memref<80x128xi32, #tpu.memory_space<vmem>>) target_semaphore(%run_scoped3A : memref<!tpu.dma_semaphore, #tpu.memory_space<semaphore_mem>>)
      %dma_wait3A = arith.constant 0 : i32
      %dma_wait3A_114 = tpu.memref_slice %arg2[%add3A_13, %dma_wait3A] : memref<2560x128xi32, #tpu.memory_space<hbm>> -> memref<80x128xi32, #tpu.memory_space<hbm>>
      %dma_wait3A_115 = arith.constant 0 : i32
      %dma_wait3A_116 = tpu.memref_slice %arg2[%add3A_13, %dma_wait3A_115] : memref<2560x128xi32, #tpu.memory_space<hbm>> -> memref<80x128xi32, #tpu.memory_space<hbm>>
      tpu.wait_dma2 semaphore(%run_scoped3A : memref<!tpu.dma_semaphore, #tpu.memory_space<semaphore_mem>>) src(%dma_wait3A_116 : memref<80x128xi32, #tpu.memory_space<hbm>>) dst(%arg6 : memref<80x128xi32, #tpu.memory_space<vmem>>)
      tpu.yield
    }) : () -> ()
    %add3A_14 = arith.constant 0 : i32
    %add3A_15 = arith.addi %add3A_13, %add3A_14 : i32
    %dma_start3A = arith.constant 0 : i32
    %dma_start3A_16 = arith.constant 0 : i32
    %dma_start3A_17 = tpu.memref_slice %arg7[%dma_start3A, %dma_start3A_16] : memref<4x128xi32, #tpu.memory_space<vmem>> -> memref<1x128xi32, #tpu.memory_space<vmem>>
    %dma_start3A_18 = tpu.memref_squeeze %dma_start3A_17 : memref<1x128xi32, #tpu.memory_space<vmem>> -> memref<128xi32, #tpu.memory_space<vmem>>
    %dma_start3A_19 = arith.constant 0 : i32
    %dma_start3A_20 = tpu.memref_slice %arg3[%add3A_15, %dma_start3A_19] : memref<2560x128xi32, #tpu.memory_space<hbm>> -> memref<1x128xi32, #tpu.memory_space<hbm>>
    %dma_start3A_21 = tpu.memref_squeeze %dma_start3A_20 : memref<1x128xi32, #tpu.memory_space<hbm>> -> memref<128xi32, #tpu.memory_space<hbm>>
    %dma_start3A_22 = arith.constant 0 : i32
    %dma_start3A_23 = tpu.memref_slice %arg7[%dma_start3A, %dma_start3A_22] : memref<4x128xi32, #tpu.memory_space<vmem>> -> memref<1x128xi32, #tpu.memory_space<vmem>>
    %dma_start3A_24 = tpu.memref_squeeze %dma_start3A_23 : memref<1x128xi32, #tpu.memory_space<vmem>> -> memref<128xi32, #tpu.memory_space<vmem>>
    %dma_start3A_25 = arith.constant 0 : i32
    %dma_start3A_26 = tpu.memref_slice %arg3[%add3A_15, %dma_start3A_25] : memref<2560x128xi32, #tpu.memory_space<hbm>> -> memref<1x128xi32, #tpu.memory_space<hbm>>
    %dma_start3A_27 = tpu.memref_squeeze %dma_start3A_26 : memref<1x128xi32, #tpu.memory_space<hbm>> -> memref<128xi32, #tpu.memory_space<hbm>>
    tpu.enqueue_dma source(%dma_start3A_27 : memref<128xi32, #tpu.memory_space<hbm>>) target(%dma_start3A_24 : memref<128xi32, #tpu.memory_space<vmem>>) target_semaphore(%arg10 : memref<!tpu.dma_semaphore, #tpu.memory_space<semaphore_mem>>)
    %add3A_28 = arith.constant 1 : i32
    %add3A_29 = arith.addi %add3A_13, %add3A_28 : i32
    %dma_start3A_30 = arith.constant 1 : i32
    %dma_start3A_31 = arith.constant 0 : i32
    %dma_start3A_32 = tpu.memref_slice %arg7[%dma_start3A_30, %dma_start3A_31] : memref<4x128xi32, #tpu.memory_space<vmem>> -> memref<1x128xi32, #tpu.memory_space<vmem>>
    %dma_start3A_33 = tpu.memref_squeeze %dma_start3A_32 : memref<1x128xi32, #tpu.memory_space<vmem>> -> memref<128xi32, #tpu.memory_space<vmem>>
    %dma_start3A_34 = arith.constant 0 : i32
    %dma_start3A_35 = tpu.memref_slice %arg3[%add3A_29, %dma_start3A_34] : memref<2560x128xi32, #tpu.memory_space<hbm>> -> memref<1x128xi32, #tpu.memory_space<hbm>>
    %dma_start3A_36 = tpu.memref_squeeze %dma_start3A_35 : memref<1x128xi32, #tpu.memory_space<hbm>> -> memref<128xi32, #tpu.memory_space<hbm>>
    %dma_start3A_37 = arith.constant 0 : i32
    %dma_start3A_38 = tpu.memref_slice %arg7[%dma_start3A_30, %dma_start3A_37] : memref<4x128xi32, #tpu.memory_space<vmem>> -> memref<1x128xi32, #tpu.memory_space<vmem>>
    %dma_start3A_39 = tpu.memref_squeeze %dma_start3A_38 : memref<1x128xi32, #tpu.memory_space<vmem>> -> memref<128xi32, #tpu.memory_space<vmem>>
    %dma_start3A_40 = arith.constant 0 : i32
    %dma_start3A_41 = tpu.memref_slice %arg3[%add3A_29, %dma_start3A_40] : memref<2560x128xi32, #tpu.memory_space<hbm>> -> memref<1x128xi32, #tpu.memory_space<hbm>>
    %dma_start3A_42 = tpu.memref_squeeze %dma_start3A_41 : memref<1x128xi32, #tpu.memory_space<hbm>> -> memref<128xi32, #tpu.memory_space<hbm>>
    tpu.enqueue_dma source(%dma_start3A_42 : memref<128xi32, #tpu.memory_space<hbm>>) target(%dma_start3A_39 : memref<128xi32, #tpu.memory_space<vmem>>) target_semaphore(%arg11 : memref<!tpu.dma_semaphore, #tpu.memory_space<semaphore_mem>>)
    %add3A_43 = arith.constant 2 : i32
    %add3A_44 = arith.addi %add3A_13, %add3A_43 : i32
    %dma_start3A_45 = arith.constant 2 : i32
    %dma_start3A_46 = arith.constant 0 : i32
    %dma_start3A_47 = tpu.memref_slice %arg7[%dma_start3A_45, %dma_start3A_46] : memref<4x128xi32, #tpu.memory_space<vmem>> -> memref<1x128xi32, #tpu.memory_space<vmem>>
    %dma_start3A_48 = tpu.memref_squeeze %dma_start3A_47 : memref<1x128xi32, #tpu.memory_space<vmem>> -> memref<128xi32, #tpu.memory_space<vmem>>
    %dma_start3A_49 = arith.constant 0 : i32
    %dma_start3A_50 = tpu.memref_slice %arg3[%add3A_44, %dma_start3A_49] : memref<2560x128xi32, #tpu.memory_space<hbm>> -> memref<1x128xi32, #tpu.memory_space<hbm>>
    %dma_start3A_51 = tpu.memref_squeeze %dma_start3A_50 : memref<1x128xi32, #tpu.memory_space<hbm>> -> memref<128xi32, #tpu.memory_space<hbm>>
    %dma_start3A_52 = arith.constant 0 : i32
    %dma_start3A_53 = tpu.memref_slice %arg7[%dma_start3A_45, %dma_start3A_52] : memref<4x128xi32, #tpu.memory_space<vmem>> -> memref<1x128xi32, #tpu.memory_space<vmem>>
    %dma_start3A_54 = tpu.memref_squeeze %dma_start3A_53 : memref<1x128xi32, #tpu.memory_space<vmem>> -> memref<128xi32, #tpu.memory_space<vmem>>
    %dma_start3A_55 = arith.constant 0 : i32
    %dma_start3A_56 = tpu.memref_slice %arg3[%add3A_44, %dma_start3A_55] : memref<2560x128xi32, #tpu.memory_space<hbm>> -> memref<1x128xi32, #tpu.memory_space<hbm>>
    %dma_start3A_57 = tpu.memref_squeeze %dma_start3A_56 : memref<1x128xi32, #tpu.memory_space<hbm>> -> memref<128xi32, #tpu.memory_space<hbm>>
    tpu.enqueue_dma source(%dma_start3A_57 : memref<128xi32, #tpu.memory_space<hbm>>) target(%dma_start3A_54 : memref<128xi32, #tpu.memory_space<vmem>>) target_semaphore(%arg12 : memref<!tpu.dma_semaphore, #tpu.memory_space<semaphore_mem>>)
    %add3A_58 = arith.constant 3 : i32
    %add3A_59 = arith.addi %add3A_13, %add3A_58 : i32
    %dma_start3A_60 = arith.constant 3 : i32
    %dma_start3A_61 = arith.constant 0 : i32
    %dma_start3A_62 = tpu.memref_slice %arg7[%dma_start3A_60, %dma_start3A_61] : memref<4x128xi32, #tpu.memory_space<vmem>> -> memref<1x128xi32, #tpu.memory_space<vmem>>
    %dma_start3A_63 = tpu.memref_squeeze %dma_start3A_62 : memref<1x128xi32, #tpu.memory_space<vmem>> -> memref<128xi32, #tpu.memory_space<vmem>>
    %dma_start3A_64 = arith.constant 0 : i32
    %dma_start3A_65 = tpu.memref_slice %arg3[%add3A_59, %dma_start3A_64] : memref<2560x128xi32, #tpu.memory_space<hbm>> -> memref<1x128xi32, #tpu.memory_space<hbm>>
    %dma_start3A_66 = tpu.memref_squeeze %dma_start3A_65 : memref<1x128xi32, #tpu.memory_space<hbm>> -> memref<128xi32, #tpu.memory_space<hbm>>
    %dma_start3A_67 = arith.constant 0 : i32
    %dma_start3A_68 = tpu.memref_slice %arg7[%dma_start3A_60, %dma_start3A_67] : memref<4x128xi32, #tpu.memory_space<vmem>> -> memref<1x128xi32, #tpu.memory_space<vmem>>
    %dma_start3A_69 = tpu.memref_squeeze %dma_start3A_68 : memref<1x128xi32, #tpu.memory_space<vmem>> -> memref<128xi32, #tpu.memory_space<vmem>>
    %dma_start3A_70 = arith.constant 0 : i32
    %dma_start3A_71 = tpu.memref_slice %arg3[%add3A_59, %dma_start3A_70] : memref<2560x128xi32, #tpu.memory_space<hbm>> -> memref<1x128xi32, #tpu.memory_space<hbm>>
    %dma_start3A_72 = tpu.memref_squeeze %dma_start3A_71 : memref<1x128xi32, #tpu.memory_space<hbm>> -> memref<128xi32, #tpu.memory_space<hbm>>
    tpu.enqueue_dma source(%dma_start3A_72 : memref<128xi32, #tpu.memory_space<hbm>>) target(%dma_start3A_69 : memref<128xi32, #tpu.memory_space<vmem>>) target_semaphore(%arg13 : memref<!tpu.dma_semaphore, #tpu.memory_space<semaphore_mem>>)
    %dma_start3A_73 = arith.constant 0 : i32
    %dma_start3A_74 = arith.constant 0 : i32
    %dma_start3A_75 = arith.constant 0 : i32
    %dma_start3A_76 = arith.constant 0 : i32
    %dma_start3A_77 = tpu.memref_slice %arg8[%dma_start3A_74, %dma_start3A_75, %dma_start3A_76] : memref<2x128x128xf32, #tpu.memory_space<vmem>> -> memref<1x128x128xf32, #tpu.memory_space<vmem>>
    %dma_start3A_78 = tpu.memref_squeeze %dma_start3A_77 : memref<1x128x128xf32, #tpu.memory_space<vmem>> -> memref<128x128xf32, #tpu.memory_space<vmem>>
    %dma_start3A_79 = arith.constant 0 : i32
    %dma_start3A_80 = tpu.memref_slice %arg6[%dma_start3A_73, %dma_start3A_79] : memref<80x128xi32, #tpu.memory_space<vmem>> -> memref<1x128xi32, #tpu.memory_space<vmem>>
    %dma_start3A_81 = tpu.memref_squeeze %dma_start3A_80 : memref<1x128xi32, #tpu.memory_space<vmem>> -> memref<128xi32, #tpu.memory_space<vmem>>
    %dma_start3A_82 = arith.constant 0 : i32
    %dma_start3A_83 = arith.constant 0 : i32
    %dma_start3A_84 = tpu.memref_slice %arg4[%dma_start3A_82, %dma_start3A_83] : memref<10240x128xf32, #tpu.memory_space<hbm>> -> memref<10240x128xf32, #tpu.memory_space<hbm>>
    tpu.enqueue_indirect_dma source(%dma_start3A_84 : memref<10240x128xf32, #tpu.memory_space<hbm>>) target(%dma_start3A_78 : memref<128x128xf32, #tpu.memory_space<vmem>>) offsets(%dma_start3A_81 : memref<128xi32, #tpu.memory_space<vmem>>) semaphore(%arg14 : memref<!tpu.dma_semaphore, #tpu.memory_space<semaphore_mem>>)
    %dma_start3A_85 = arith.constant 1 : i32
    %dma_start3A_86 = arith.constant 1 : i32
    %dma_start3A_87 = arith.constant 0 : i32
    %dma_start3A_88 = arith.constant 0 : i32
    %dma_start3A_89 = tpu.memref_slice %arg8[%dma_start3A_86, %dma_start3A_87, %dma_start3A_88] : memref<2x128x128xf32, #tpu.memory_space<vmem>> -> memref<1x128x128xf32, #tpu.memory_space<vmem>>
    %dma_start3A_90 = tpu.memref_squeeze %dma_start3A_89 : memref<1x128x128xf32, #tpu.memory_space<vmem>> -> memref<128x128xf32, #tpu.memory_space<vmem>>
    %dma_start3A_91 = arith.constant 0 : i32
    %dma_start3A_92 = tpu.memref_slice %arg6[%dma_start3A_85, %dma_start3A_91] : memref<80x128xi32, #tpu.memory_space<vmem>> -> memref<1x128xi32, #tpu.memory_space<vmem>>
    %dma_start3A_93 = tpu.memref_squeeze %dma_start3A_92 : memref<1x128xi32, #tpu.memory_space<vmem>> -> memref<128xi32, #tpu.memory_space<vmem>>
    %dma_start3A_94 = arith.constant 0 : i32
    %dma_start3A_95 = arith.constant 0 : i32
    %dma_start3A_96 = tpu.memref_slice %arg4[%dma_start3A_94, %dma_start3A_95] : memref<10240x128xf32, #tpu.memory_space<hbm>> -> memref<10240x128xf32, #tpu.memory_space<hbm>>
    tpu.enqueue_indirect_dma source(%dma_start3A_96 : memref<10240x128xf32, #tpu.memory_space<hbm>>) target(%dma_start3A_90 : memref<128x128xf32, #tpu.memory_space<vmem>>) offsets(%dma_start3A_93 : memref<128xi32, #tpu.memory_space<vmem>>) semaphore(%arg15 : memref<!tpu.dma_semaphore, #tpu.memory_space<semaphore_mem>>)
    %scan3A_97 = arith.constant 0 : i32
    %scan3A_98 = arith.constant 20 : i32
    %scan3A_99 = arith.addi %scan3A_97, %scan3A_98 : i32
    %scan3A_100 = arith.constant 1 : i32
    scf.for %scan3A_110 = %scan3A_97 to %scan3A_99 step %scan3A_100  : i32 {
      %mul3A_111 = arith.constant 4 : i32
      %mul3A_112 = arith.muli %scan3A_110, %mul3A_111 : i32
      %add3A_113 = arith.constant 0 : i32
      %add3A_114 = arith.addi %mul3A_112, %add3A_113 : i32
      %dma_wait3A = arith.constant 0 : i32
      %dma_wait3A_115 = arith.constant 0 : i32
      %dma_wait3A_116 = arith.constant 0 : i32
      %dma_wait3A_117 = tpu.memref_slice %arg8[%dma_wait3A, %dma_wait3A_115, %dma_wait3A_116] : memref<2x128x128xf32, #tpu.memory_space<vmem>> -> memref<1x128x128xf32, #tpu.memory_space<vmem>>
      %dma_wait3A_118 = tpu.memref_squeeze %dma_wait3A_117 : memref<1x128x128xf32, #tpu.memory_space<vmem>> -> memref<128x128xf32, #tpu.memory_space<vmem>>
      %dma_wait3A_119 = arith.constant 0 : i32
      %dma_wait3A_120 = tpu.memref_slice %arg6[%add3A_114, %dma_wait3A_119] : memref<80x128xi32, #tpu.memory_space<vmem>> -> memref<1x128xi32, #tpu.memory_space<vmem>>
      %dma_wait3A_121 = tpu.memref_squeeze %dma_wait3A_120 : memref<1x128xi32, #tpu.memory_space<vmem>> -> memref<128xi32, #tpu.memory_space<vmem>>
      %dma_wait3A_122 = arith.constant 0 : i32
      %dma_wait3A_123 = arith.constant 0 : i32
      %dma_wait3A_124 = tpu.memref_slice %arg4[%dma_wait3A_122, %dma_wait3A_123] : memref<10240x128xf32, #tpu.memory_space<hbm>> -> memref<10240x128xf32, #tpu.memory_space<hbm>>
      tpu.wait_indirect_dma semaphore(%arg14 : memref<!tpu.dma_semaphore, #tpu.memory_space<semaphore_mem>>) src(%dma_wait3A_124 : memref<10240x128xf32, #tpu.memory_space<hbm>>) dst(%dma_wait3A_118 : memref<128x128xf32, #tpu.memory_space<vmem>>)
      %add3A_125 = arith.addi %add3A_13, %add3A_114 : i32
      %dma_wait3A_126 = arith.constant 0 : i32
      %dma_wait3A_127 = arith.constant 0 : i32
      %dma_wait3A_128 = tpu.memref_slice %arg7[%dma_wait3A_126, %dma_wait3A_127] : memref<4x128xi32, #tpu.memory_space<vmem>> -> memref<1x128xi32, #tpu.memory_space<vmem>>
      %dma_wait3A_129 = tpu.memref_squeeze %dma_wait3A_128 : memref<1x128xi32, #tpu.memory_space<vmem>> -> memref<128xi32, #tpu.memory_space<vmem>>
      %dma_wait3A_130 = arith.constant 0 : i32
      %dma_wait3A_131 = tpu.memref_slice %arg3[%add3A_125, %dma_wait3A_130] : memref<2560x128xi32, #tpu.memory_space<hbm>> -> memref<1x128xi32, #tpu.memory_space<hbm>>
      %dma_wait3A_132 = tpu.memref_squeeze %dma_wait3A_131 : memref<1x128xi32, #tpu.memory_space<hbm>> -> memref<128xi32, #tpu.memory_space<hbm>>
      %dma_wait3A_133 = arith.constant 0 : i32
      %dma_wait3A_134 = tpu.memref_slice %arg7[%dma_wait3A_126, %dma_wait3A_133] : memref<4x128xi32, #tpu.memory_space<vmem>> -> memref<1x128xi32, #tpu.memory_space<vmem>>
      %dma_wait3A_135 = tpu.memref_squeeze %dma_wait3A_134 : memref<1x128xi32, #tpu.memory_space<vmem>> -> memref<128xi32, #tpu.memory_space<vmem>>
      %dma_wait3A_136 = arith.constant 0 : i32
      %dma_wait3A_137 = tpu.memref_slice %arg3[%add3A_125, %dma_wait3A_136] : memref<2560x128xi32, #tpu.memory_space<hbm>> -> memref<1x128xi32, #tpu.memory_space<hbm>>
      %dma_wait3A_138 = tpu.memref_squeeze %dma_wait3A_137 : memref<1x128xi32, #tpu.memory_space<hbm>> -> memref<128xi32, #tpu.memory_space<hbm>>
      tpu.wait_dma2 semaphore(%arg10 : memref<!tpu.dma_semaphore, #tpu.memory_space<semaphore_mem>>) src(%dma_wait3A_138 : memref<128xi32, #tpu.memory_space<hbm>>) dst(%dma_wait3A_135 : memref<128xi32, #tpu.memory_space<vmem>>)
      %run_scoped3A = arith.constant 0 : i32
      %run_scoped3A_139 = arith.constant 0 : i32
      "tpu.region"() ({
        %run_scoped3A_286 = tpu.sem_alloc : memref<!tpu.dma_semaphore, #tpu.memory_space<semaphore_mem>>
        %dma_start3A_287 = arith.constant 0 : i32
        %dma_start3A_288 = arith.constant 0 : i32
        %dma_start3A_289 = tpu.memref_slice %arg8[%run_scoped3A, %dma_start3A_287, %dma_start3A_288] : memref<2x128x128xf32, #tpu.memory_space<vmem>> -> memref<1x128x128xf32, #tpu.memory_space<vmem>>
        %dma_start3A_290 = tpu.memref_squeeze %dma_start3A_289 : memref<1x128x128xf32, #tpu.memory_space<vmem>> -> memref<128x128xf32, #tpu.memory_space<vmem>>
        %dma_start3A_291 = arith.constant 0 : i32
        %dma_start3A_292 = tpu.memref_slice %arg7[%run_scoped3A_139, %dma_start3A_291] : memref<4x128xi32, #tpu.memory_space<vmem>> -> memref<1x128xi32, #tpu.memory_space<vmem>>
        %dma_start3A_293 = tpu.memref_squeeze %dma_start3A_292 : memref<1x128xi32, #tpu.memory_space<vmem>> -> memref<128xi32, #tpu.memory_space<vmem>>
        %dma_start3A_294 = arith.constant 0 : i32
        %dma_start3A_295 = arith.constant 0 : i32
        %dma_start3A_296 = tpu.memref_slice %arg9[%dma_start3A_294, %dma_start3A_295] : memref<10240x128xf32, #tpu.memory_space<vmem_shared>> -> memref<10240x128xf32, #tpu.memory_space<vmem_shared>>
        tpu.enqueue_indirect_dma source(%dma_start3A_290 : memref<128x128xf32, #tpu.memory_space<vmem>>) target(%dma_start3A_296 : memref<10240x128xf32, #tpu.memory_space<vmem_shared>>) offsets(%dma_start3A_293 : memref<128xi32, #tpu.memory_space<vmem>>) semaphore(%run_scoped3A_286 : memref<!tpu.dma_semaphore, #tpu.memory_space<semaphore_mem>>) {add = true}
        %dma_wait3A_297 = arith.constant 0 : i32
        %dma_wait3A_298 = arith.constant 0 : i32
        %dma_wait3A_299 = tpu.memref_slice %arg8[%run_scoped3A, %dma_wait3A_297, %dma_wait3A_298] : memref<2x128x128xf32, #tpu.memory_space<vmem>> -> memref<1x128x128xf32, #tpu.memory_space<vmem>>
        %dma_wait3A_300 = tpu.memref_squeeze %dma_wait3A_299 : memref<1x128x128xf32, #tpu.memory_space<vmem>> -> memref<128x128xf32, #tpu.memory_space<vmem>>
        %dma_wait3A_301 = arith.constant 0 : i32
        %dma_wait3A_302 = tpu.memref_slice %arg7[%run_scoped3A_139, %dma_wait3A_301] : memref<4x128xi32, #tpu.memory_space<vmem>> -> memref<1x128xi32, #tpu.memory_space<vmem>>
        %dma_wait3A_303 = tpu.memref_squeeze %dma_wait3A_302 : memref<1x128xi32, #tpu.memory_space<vmem>> -> memref<128xi32, #tpu.memory_space<vmem>>
        %dma_wait3A_304 = arith.constant 0 : i32
        %dma_wait3A_305 = arith.constant 0 : i32
        %dma_wait3A_306 = tpu.memref_slice %arg9[%dma_wait3A_304, %dma_wait3A_305] : memref<10240x128xf32, #tpu.memory_space<vmem_shared>> -> memref<10240x128xf32, #tpu.memory_space<vmem_shared>>
        tpu.wait_indirect_dma semaphore(%run_scoped3A_286 : memref<!tpu.dma_semaphore, #tpu.memory_space<semaphore_mem>>) src(%dma_wait3A_300 : memref<128x128xf32, #tpu.memory_space<vmem>>) dst(%dma_wait3A_306 : memref<10240x128xf32, #tpu.memory_space<vmem_shared>>)
        tpu.yield
      }) : () -> ()
      %add3A_140 = arith.constant 4 : i32
      %add3A_141 = arith.addi %add3A_114, %add3A_140 : i32
      %lt3A = arith.constant 80 : i32
      %lt3A_142 = arith.cmpi slt, %add3A_141, %lt3A : i32
      %convert_element_type3A = arith.extui %lt3A_142 : i1 to i32
      %cond3A = arith.constant 0 : i32
      %cond3A_143 = arith.cmpi ne, %convert_element_type3A, %cond3A : i32
      scf.if %cond3A_143 {
        %add3A_286 = arith.addi %add3A_13, %add3A_114 : i32
        %add3A_287 = arith.constant 4 : i32
        %add3A_288 = arith.addi %add3A_286, %add3A_287 : i32
        %dma_start3A_289 = arith.constant 0 : i32
        %dma_start3A_290 = arith.constant 0 : i32
        %dma_start3A_291 = tpu.memref_slice %arg7[%dma_start3A_289, %dma_start3A_290] : memref<4x128xi32, #tpu.memory_space<vmem>> -> memref<1x128xi32, #tpu.memory_space<vmem>>
        %dma_start3A_292 = tpu.memref_squeeze %dma_start3A_291 : memref<1x128xi32, #tpu.memory_space<vmem>> -> memref<128xi32, #tpu.memory_space<vmem>>
        %dma_start3A_293 = arith.constant 0 : i32
        %dma_start3A_294 = tpu.memref_slice %arg3[%add3A_288, %dma_start3A_293] : memref<2560x128xi32, #tpu.memory_space<hbm>> -> memref<1x128xi32, #tpu.memory_space<hbm>>
        %dma_start3A_295 = tpu.memref_squeeze %dma_start3A_294 : memref<1x128xi32, #tpu.memory_space<hbm>> -> memref<128xi32, #tpu.memory_space<hbm>>
        %dma_start3A_296 = arith.constant 0 : i32
        %dma_start3A_297 = tpu.memref_slice %arg7[%dma_start3A_289, %dma_start3A_296] : memref<4x128xi32, #tpu.memory_space<vmem>> -> memref<1x128xi32, #tpu.memory_space<vmem>>
        %dma_start3A_298 = tpu.memref_squeeze %dma_start3A_297 : memref<1x128xi32, #tpu.memory_space<vmem>> -> memref<128xi32, #tpu.memory_space<vmem>>
        %dma_start3A_299 = arith.constant 0 : i32
        %dma_start3A_300 = tpu.memref_slice %arg3[%add3A_288, %dma_start3A_299] : memref<2560x128xi32, #tpu.memory_space<hbm>> -> memref<1x128xi32, #tpu.memory_space<hbm>>
        %dma_start3A_301 = tpu.memref_squeeze %dma_start3A_300 : memref<1x128xi32, #tpu.memory_space<hbm>> -> memref<128xi32, #tpu.memory_space<hbm>>
        tpu.enqueue_dma source(%dma_start3A_301 : memref<128xi32, #tpu.memory_space<hbm>>) target(%dma_start3A_298 : memref<128xi32, #tpu.memory_space<vmem>>) target_semaphore(%arg10 : memref<!tpu.dma_semaphore, #tpu.memory_space<semaphore_mem>>)
      } else {
      }
      %add3A_144 = arith.constant 2 : i32
      %add3A_145 = arith.addi %add3A_114, %add3A_144 : i32
      %lt3A_146 = arith.constant 80 : i32
      %lt3A_147 = arith.cmpi slt, %add3A_145, %lt3A_146 : i32
      %convert_element_type3A_148 = arith.extui %lt3A_147 : i1 to i32
      %cond3A_149 = arith.constant 0 : i32
      %cond3A_150 = arith.cmpi ne, %convert_element_type3A_148, %cond3A_149 : i32
      scf.if %cond3A_150 {
        %add3A_286 = arith.constant 2 : i32
        %add3A_287 = arith.addi %add3A_114, %add3A_286 : i32
        %dma_start3A_288 = arith.constant 0 : i32
        %dma_start3A_289 = arith.constant 0 : i32
        %dma_start3A_290 = arith.constant 0 : i32
        %dma_start3A_291 = tpu.memref_slice %arg8[%dma_start3A_288, %dma_start3A_289, %dma_start3A_290] : memref<2x128x128xf32, #tpu.memory_space<vmem>> -> memref<1x128x128xf32, #tpu.memory_space<vmem>>
        %dma_start3A_292 = tpu.memref_squeeze %dma_start3A_291 : memref<1x128x128xf32, #tpu.memory_space<vmem>> -> memref<128x128xf32, #tpu.memory_space<vmem>>
        %dma_start3A_293 = arith.constant 0 : i32
        %dma_start3A_294 = tpu.memref_slice %arg6[%add3A_287, %dma_start3A_293] : memref<80x128xi32, #tpu.memory_space<vmem>> -> memref<1x128xi32, #tpu.memory_space<vmem>>
        %dma_start3A_295 = tpu.memref_squeeze %dma_start3A_294 : memref<1x128xi32, #tpu.memory_space<vmem>> -> memref<128xi32, #tpu.memory_space<vmem>>
        %dma_start3A_296 = arith.constant 0 : i32
        %dma_start3A_297 = arith.constant 0 : i32
        %dma_start3A_298 = tpu.memref_slice %arg4[%dma_start3A_296, %dma_start3A_297] : memref<10240x128xf32, #tpu.memory_space<hbm>> -> memref<10240x128xf32, #tpu.memory_space<hbm>>
        tpu.enqueue_indirect_dma source(%dma_start3A_298 : memref<10240x128xf32, #tpu.memory_space<hbm>>) target(%dma_start3A_292 : memref<128x128xf32, #tpu.memory_space<vmem>>) offsets(%dma_start3A_295 : memref<128xi32, #tpu.memory_space<vmem>>) semaphore(%arg14 : memref<!tpu.dma_semaphore, #tpu.memory_space<semaphore_mem>>)
      } else {
      }
      %mul3A_151 = arith.constant 4 : i32
      %mul3A_152 = arith.muli %scan3A_110, %mul3A_151 : i32
      %add3A_153 = arith.constant 1 : i32
      %add3A_154 = arith.addi %mul3A_152, %add3A_153 : i32
      %dma_wait3A_155 = arith.constant 1 : i32
      %dma_wait3A_156 = arith.constant 0 : i32
      %dma_wait3A_157 = arith.constant 0 : i32
      %dma_wait3A_158 = tpu.memref_slice %arg8[%dma_wait3A_155, %dma_wait3A_156, %dma_wait3A_157] : memref<2x128x128xf32, #tpu.memory_space<vmem>> -> memref<1x128x128xf32, #tpu.memory_space<vmem>>
      %dma_wait3A_159 = tpu.memref_squeeze %dma_wait3A_158 : memref<1x128x128xf32, #tpu.memory_space<vmem>> -> memref<128x128xf32, #tpu.memory_space<vmem>>
      %dma_wait3A_160 = arith.constant 0 : i32
      %dma_wait3A_161 = tpu.memref_slice %arg6[%add3A_154, %dma_wait3A_160] : memref<80x128xi32, #tpu.memory_space<vmem>> -> memref<1x128xi32, #tpu.memory_space<vmem>>
      %dma_wait3A_162 = tpu.memref_squeeze %dma_wait3A_161 : memref<1x128xi32, #tpu.memory_space<vmem>> -> memref<128xi32, #tpu.memory_space<vmem>>
      %dma_wait3A_163 = arith.constant 0 : i32
      %dma_wait3A_164 = arith.constant 0 : i32
      %dma_wait3A_165 = tpu.memref_slice %arg4[%dma_wait3A_163, %dma_wait3A_164] : memref<10240x128xf32, #tpu.memory_space<hbm>> -> memref<10240x128xf32, #tpu.memory_space<hbm>>
      tpu.wait_indirect_dma semaphore(%arg15 : memref<!tpu.dma_semaphore, #tpu.memory_space<semaphore_mem>>) src(%dma_wait3A_165 : memref<10240x128xf32, #tpu.memory_space<hbm>>) dst(%dma_wait3A_159 : memref<128x128xf32, #tpu.memory_space<vmem>>)
      %add3A_166 = arith.addi %add3A_13, %add3A_154 : i32
      %dma_wait3A_167 = arith.constant 1 : i32
      %dma_wait3A_168 = arith.constant 0 : i32
      %dma_wait3A_169 = tpu.memref_slice %arg7[%dma_wait3A_167, %dma_wait3A_168] : memref<4x128xi32, #tpu.memory_space<vmem>> -> memref<1x128xi32, #tpu.memory_space<vmem>>
      %dma_wait3A_170 = tpu.memref_squeeze %dma_wait3A_169 : memref<1x128xi32, #tpu.memory_space<vmem>> -> memref<128xi32, #tpu.memory_space<vmem>>
      %dma_wait3A_171 = arith.constant 0 : i32
      %dma_wait3A_172 = tpu.memref_slice %arg3[%add3A_166, %dma_wait3A_171] : memref<2560x128xi32, #tpu.memory_space<hbm>> -> memref<1x128xi32, #tpu.memory_space<hbm>>
      %dma_wait3A_173 = tpu.memref_squeeze %dma_wait3A_172 : memref<1x128xi32, #tpu.memory_space<hbm>> -> memref<128xi32, #tpu.memory_space<hbm>>
      %dma_wait3A_174 = arith.constant 0 : i32
      %dma_wait3A_175 = tpu.memref_slice %arg7[%dma_wait3A_167, %dma_wait3A_174] : memref<4x128xi32, #tpu.memory_space<vmem>> -> memref<1x128xi32, #tpu.memory_space<vmem>>
      %dma_wait3A_176 = tpu.memref_squeeze %dma_wait3A_175 : memref<1x128xi32, #tpu.memory_space<vmem>> -> memref<128xi32, #tpu.memory_space<vmem>>
      %dma_wait3A_177 = arith.constant 0 : i32
      %dma_wait3A_178 = tpu.memref_slice %arg3[%add3A_166, %dma_wait3A_177] : memref<2560x128xi32, #tpu.memory_space<hbm>> -> memref<1x128xi32, #tpu.memory_space<hbm>>
      %dma_wait3A_179 = tpu.memref_squeeze %dma_wait3A_178 : memref<1x128xi32, #tpu.memory_space<hbm>> -> memref<128xi32, #tpu.memory_space<hbm>>
      tpu.wait_dma2 semaphore(%arg11 : memref<!tpu.dma_semaphore, #tpu.memory_space<semaphore_mem>>) src(%dma_wait3A_179 : memref<128xi32, #tpu.memory_space<hbm>>) dst(%dma_wait3A_176 : memref<128xi32, #tpu.memory_space<vmem>>)
      %run_scoped3A_180 = arith.constant 1 : i32
      %run_scoped3A_181 = arith.constant 1 : i32
      "tpu.region"() ({
        %run_scoped3A_286 = tpu.sem_alloc : memref<!tpu.dma_semaphore, #tpu.memory_space<semaphore_mem>>
        %dma_start3A_287 = arith.constant 0 : i32
        %dma_start3A_288 = arith.constant 0 : i32
        %dma_start3A_289 = tpu.memref_slice %arg8[%run_scoped3A_180, %dma_start3A_287, %dma_start3A_288] : memref<2x128x128xf32, #tpu.memory_space<vmem>> -> memref<1x128x128xf32, #tpu.memory_space<vmem>>
        %dma_start3A_290 = tpu.memref_squeeze %dma_start3A_289 : memref<1x128x128xf32, #tpu.memory_space<vmem>> -> memref<128x128xf32, #tpu.memory_space<vmem>>
        %dma_start3A_291 = arith.constant 0 : i32
        %dma_start3A_292 = tpu.memref_slice %arg7[%run_scoped3A_181, %dma_start3A_291] : memref<4x128xi32, #tpu.memory_space<vmem>> -> memref<1x128xi32, #tpu.memory_space<vmem>>
        %dma_start3A_293 = tpu.memref_squeeze %dma_start3A_292 : memref<1x128xi32, #tpu.memory_space<vmem>> -> memref<128xi32, #tpu.memory_space<vmem>>
        %dma_start3A_294 = arith.constant 0 : i32
        %dma_start3A_295 = arith.constant 0 : i32
        %dma_start3A_296 = tpu.memref_slice %arg9[%dma_start3A_294, %dma_start3A_295] : memref<10240x128xf32, #tpu.memory_space<vmem_shared>> -> memref<10240x128xf32, #tpu.memory_space<vmem_shared>>
        tpu.enqueue_indirect_dma source(%dma_start3A_290 : memref<128x128xf32, #tpu.memory_space<vmem>>) target(%dma_start3A_296 : memref<10240x128xf32, #tpu.memory_space<vmem_shared>>) offsets(%dma_start3A_293 : memref<128xi32, #tpu.memory_space<vmem>>) semaphore(%run_scoped3A_286 : memref<!tpu.dma_semaphore, #tpu.memory_space<semaphore_mem>>) {add = true}
        %dma_wait3A_297 = arith.constant 0 : i32
        %dma_wait3A_298 = arith.constant 0 : i32
        %dma_wait3A_299 = tpu.memref_slice %arg8[%run_scoped3A_180, %dma_wait3A_297, %dma_wait3A_298] : memref<2x128x128xf32, #tpu.memory_space<vmem>> -> memref<1x128x128xf32, #tpu.memory_space<vmem>>
        %dma_wait3A_300 = tpu.memref_squeeze %dma_wait3A_299 : memref<1x128x128xf32, #tpu.memory_space<vmem>> -> memref<128x128xf32, #tpu.memory_space<vmem>>
        %dma_wait3A_301 = arith.constant 0 : i32
        %dma_wait3A_302 = tpu.memref_slice %arg7[%run_scoped3A_181, %dma_wait3A_301] : memref<4x128xi32, #tpu.memory_space<vmem>> -> memref<1x128xi32, #tpu.memory_space<vmem>>
        %dma_wait3A_303 = tpu.memref_squeeze %dma_wait3A_302 : memref<1x128xi32, #tpu.memory_space<vmem>> -> memref<128xi32, #tpu.memory_space<vmem>>
        %dma_wait3A_304 = arith.constant 0 : i32
        %dma_wait3A_305 = arith.constant 0 : i32
        %dma_wait3A_306 = tpu.memref_slice %arg9[%dma_wait3A_304, %dma_wait3A_305] : memref<10240x128xf32, #tpu.memory_space<vmem_shared>> -> memref<10240x128xf32, #tpu.memory_space<vmem_shared>>
        tpu.wait_indirect_dma semaphore(%run_scoped3A_286 : memref<!tpu.dma_semaphore, #tpu.memory_space<semaphore_mem>>) src(%dma_wait3A_300 : memref<128x128xf32, #tpu.memory_space<vmem>>) dst(%dma_wait3A_306 : memref<10240x128xf32, #tpu.memory_space<vmem_shared>>)
        tpu.yield
      }) : () -> ()
      %add3A_182 = arith.constant 4 : i32
      %add3A_183 = arith.addi %add3A_154, %add3A_182 : i32
      %lt3A_184 = arith.constant 80 : i32
      %lt3A_185 = arith.cmpi slt, %add3A_183, %lt3A_184 : i32
      %convert_element_type3A_186 = arith.extui %lt3A_185 : i1 to i32
      %cond3A_187 = arith.constant 0 : i32
      %cond3A_188 = arith.cmpi ne, %convert_element_type3A_186, %cond3A_187 : i32
      scf.if %cond3A_188 {
        %add3A_286 = arith.addi %add3A_13, %add3A_154 : i32
        %add3A_287 = arith.constant 4 : i32
        %add3A_288 = arith.addi %add3A_286, %add3A_287 : i32
        %dma_start3A_289 = arith.constant 1 : i32
        %dma_start3A_290 = arith.constant 0 : i32
        %dma_start3A_291 = tpu.memref_slice %arg7[%dma_start3A_289, %dma_start3A_290] : memref<4x128xi32, #tpu.memory_space<vmem>> -> memref<1x128xi32, #tpu.memory_space<vmem>>
        %dma_start3A_292 = tpu.memref_squeeze %dma_start3A_291 : memref<1x128xi32, #tpu.memory_space<vmem>> -> memref<128xi32, #tpu.memory_space<vmem>>
        %dma_start3A_293 = arith.constant 0 : i32
        %dma_start3A_294 = tpu.memref_slice %arg3[%add3A_288, %dma_start3A_293] : memref<2560x128xi32, #tpu.memory_space<hbm>> -> memref<1x128xi32, #tpu.memory_space<hbm>>
        %dma_start3A_295 = tpu.memref_squeeze %dma_start3A_294 : memref<1x128xi32, #tpu.memory_space<hbm>> -> memref<128xi32, #tpu.memory_space<hbm>>
        %dma_start3A_296 = arith.constant 0 : i32
        %dma_start3A_297 = tpu.memref_slice %arg7[%dma_start3A_289, %dma_start3A_296] : memref<4x128xi32, #tpu.memory_space<vmem>> -> memref<1x128xi32, #tpu.memory_space<vmem>>
        %dma_start3A_298 = tpu.memref_squeeze %dma_start3A_297 : memref<1x128xi32, #tpu.memory_space<vmem>> -> memref<128xi32, #tpu.memory_space<vmem>>
        %dma_start3A_299 = arith.constant 0 : i32
        %dma_start3A_300 = tpu.memref_slice %arg3[%add3A_288, %dma_start3A_299] : memref<2560x128xi32, #tpu.memory_space<hbm>> -> memref<1x128xi32, #tpu.memory_space<hbm>>
        %dma_start3A_301 = tpu.memref_squeeze %dma_start3A_300 : memref<1x128xi32, #tpu.memory_space<hbm>> -> memref<128xi32, #tpu.memory_space<hbm>>
        tpu.enqueue_dma source(%dma_start3A_301 : memref<128xi32, #tpu.memory_space<hbm>>) target(%dma_start3A_298 : memref<128xi32, #tpu.memory_space<vmem>>) target_semaphore(%arg11 : memref<!tpu.dma_semaphore, #tpu.memory_space<semaphore_mem>>)
      } else {
      }
      %add3A_189 = arith.constant 2 : i32
      %add3A_190 = arith.addi %add3A_154, %add3A_189 : i32
      %lt3A_191 = arith.constant 80 : i32
      %lt3A_192 = arith.cmpi slt, %add3A_190, %lt3A_191 : i32
      %convert_element_type3A_193 = arith.extui %lt3A_192 : i1 to i32
      %cond3A_194 = arith.constant 0 : i32
      %cond3A_195 = arith.cmpi ne, %convert_element_type3A_193, %cond3A_194 : i32
      scf.if %cond3A_195 {
        %add3A_286 = arith.constant 2 : i32
        %add3A_287 = arith.addi %add3A_154, %add3A_286 : i32
        %dma_start3A_288 = arith.constant 1 : i32
        %dma_start3A_289 = arith.constant 0 : i32
        %dma_start3A_290 = arith.constant 0 : i32
        %dma_start3A_291 = tpu.memref_slice %arg8[%dma_start3A_288, %dma_start3A_289, %dma_start3A_290] : memref<2x128x128xf32, #tpu.memory_space<vmem>> -> memref<1x128x128xf32, #tpu.memory_space<vmem>>
        %dma_start3A_292 = tpu.memref_squeeze %dma_start3A_291 : memref<1x128x128xf32, #tpu.memory_space<vmem>> -> memref<128x128xf32, #tpu.memory_space<vmem>>
        %dma_start3A_293 = arith.constant 0 : i32
        %dma_start3A_294 = tpu.memref_slice %arg6[%add3A_287, %dma_start3A_293] : memref<80x128xi32, #tpu.memory_space<vmem>> -> memref<1x128xi32, #tpu.memory_space<vmem>>
        %dma_start3A_295 = tpu.memref_squeeze %dma_start3A_294 : memref<1x128xi32, #tpu.memory_space<vmem>> -> memref<128xi32, #tpu.memory_space<vmem>>
        %dma_start3A_296 = arith.constant 0 : i32
        %dma_start3A_297 = arith.constant 0 : i32
        %dma_start3A_298 = tpu.memref_slice %arg4[%dma_start3A_296, %dma_start3A_297] : memref<10240x128xf32, #tpu.memory_space<hbm>> -> memref<10240x128xf32, #tpu.memory_space<hbm>>
        tpu.enqueue_indirect_dma source(%dma_start3A_298 : memref<10240x128xf32, #tpu.memory_space<hbm>>) target(%dma_start3A_292 : memref<128x128xf32, #tpu.memory_space<vmem>>) offsets(%dma_start3A_295 : memref<128xi32, #tpu.memory_space<vmem>>) semaphore(%arg15 : memref<!tpu.dma_semaphore, #tpu.memory_space<semaphore_mem>>)
      } else {
      }
      %mul3A_196 = arith.constant 4 : i32
      %mul3A_197 = arith.muli %scan3A_110, %mul3A_196 : i32
      %add3A_198 = arith.constant 2 : i32
      %add3A_199 = arith.addi %mul3A_197, %add3A_198 : i32
      %dma_wait3A_200 = arith.constant 0 : i32
      %dma_wait3A_201 = arith.constant 0 : i32
      %dma_wait3A_202 = arith.constant 0 : i32
      %dma_wait3A_203 = tpu.memref_slice %arg8[%dma_wait3A_200, %dma_wait3A_201, %dma_wait3A_202] : memref<2x128x128xf32, #tpu.memory_space<vmem>> -> memref<1x128x128xf32, #tpu.memory_space<vmem>>
      %dma_wait3A_204 = tpu.memref_squeeze %dma_wait3A_203 : memref<1x128x128xf32, #tpu.memory_space<vmem>> -> memref<128x128xf32, #tpu.memory_space<vmem>>
      %dma_wait3A_205 = arith.constant 0 : i32
      %dma_wait3A_206 = tpu.memref_slice %arg6[%add3A_199, %dma_wait3A_205] : memref<80x128xi32, #tpu.memory_space<vmem>> -> memref<1x128xi32, #tpu.memory_space<vmem>>
      %dma_wait3A_207 = tpu.memref_squeeze %dma_wait3A_206 : memref<1x128xi32, #tpu.memory_space<vmem>> -> memref<128xi32, #tpu.memory_space<vmem>>
      %dma_wait3A_208 = arith.constant 0 : i32
      %dma_wait3A_209 = arith.constant 0 : i32
      %dma_wait3A_210 = tpu.memref_slice %arg4[%dma_wait3A_208, %dma_wait3A_209] : memref<10240x128xf32, #tpu.memory_space<hbm>> -> memref<10240x128xf32, #tpu.memory_space<hbm>>
      tpu.wait_indirect_dma semaphore(%arg14 : memref<!tpu.dma_semaphore, #tpu.memory_space<semaphore_mem>>) src(%dma_wait3A_210 : memref<10240x128xf32, #tpu.memory_space<hbm>>) dst(%dma_wait3A_204 : memref<128x128xf32, #tpu.memory_space<vmem>>)
      %add3A_211 = arith.addi %add3A_13, %add3A_199 : i32
      %dma_wait3A_212 = arith.constant 2 : i32
      %dma_wait3A_213 = arith.constant 0 : i32
      %dma_wait3A_214 = tpu.memref_slice %arg7[%dma_wait3A_212, %dma_wait3A_213] : memref<4x128xi32, #tpu.memory_space<vmem>> -> memref<1x128xi32, #tpu.memory_space<vmem>>
      %dma_wait3A_215 = tpu.memref_squeeze %dma_wait3A_214 : memref<1x128xi32, #tpu.memory_space<vmem>> -> memref<128xi32, #tpu.memory_space<vmem>>
      %dma_wait3A_216 = arith.constant 0 : i32
      %dma_wait3A_217 = tpu.memref_slice %arg3[%add3A_211, %dma_wait3A_216] : memref<2560x128xi32, #tpu.memory_space<hbm>> -> memref<1x128xi32, #tpu.memory_space<hbm>>
      %dma_wait3A_218 = tpu.memref_squeeze %dma_wait3A_217 : memref<1x128xi32, #tpu.memory_space<hbm>> -> memref<128xi32, #tpu.memory_space<hbm>>
      %dma_wait3A_219 = arith.constant 0 : i32
      %dma_wait3A_220 = tpu.memref_slice %arg7[%dma_wait3A_212, %dma_wait3A_219] : memref<4x128xi32, #tpu.memory_space<vmem>> -> memref<1x128xi32, #tpu.memory_space<vmem>>
      %dma_wait3A_221 = tpu.memref_squeeze %dma_wait3A_220 : memref<1x128xi32, #tpu.memory_space<vmem>> -> memref<128xi32, #tpu.memory_space<vmem>>
      %dma_wait3A_222 = arith.constant 0 : i32
      %dma_wait3A_223 = tpu.memref_slice %arg3[%add3A_211, %dma_wait3A_222] : memref<2560x128xi32, #tpu.memory_space<hbm>> -> memref<1x128xi32, #tpu.memory_space<hbm>>
      %dma_wait3A_224 = tpu.memref_squeeze %dma_wait3A_223 : memref<1x128xi32, #tpu.memory_space<hbm>> -> memref<128xi32, #tpu.memory_space<hbm>>
      tpu.wait_dma2 semaphore(%arg12 : memref<!tpu.dma_semaphore, #tpu.memory_space<semaphore_mem>>) src(%dma_wait3A_224 : memref<128xi32, #tpu.memory_space<hbm>>) dst(%dma_wait3A_221 : memref<128xi32, #tpu.memory_space<vmem>>)
      %run_scoped3A_225 = arith.constant 0 : i32
      %run_scoped3A_226 = arith.constant 2 : i32
      "tpu.region"() ({
        %run_scoped3A_286 = tpu.sem_alloc : memref<!tpu.dma_semaphore, #tpu.memory_space<semaphore_mem>>
        %dma_start3A_287 = arith.constant 0 : i32
        %dma_start3A_288 = arith.constant 0 : i32
        %dma_start3A_289 = tpu.memref_slice %arg8[%run_scoped3A_225, %dma_start3A_287, %dma_start3A_288] : memref<2x128x128xf32, #tpu.memory_space<vmem>> -> memref<1x128x128xf32, #tpu.memory_space<vmem>>
        %dma_start3A_290 = tpu.memref_squeeze %dma_start3A_289 : memref<1x128x128xf32, #tpu.memory_space<vmem>> -> memref<128x128xf32, #tpu.memory_space<vmem>>
        %dma_start3A_291 = arith.constant 0 : i32
        %dma_start3A_292 = tpu.memref_slice %arg7[%run_scoped3A_226, %dma_start3A_291] : memref<4x128xi32, #tpu.memory_space<vmem>> -> memref<1x128xi32, #tpu.memory_space<vmem>>
        %dma_start3A_293 = tpu.memref_squeeze %dma_start3A_292 : memref<1x128xi32, #tpu.memory_space<vmem>> -> memref<128xi32, #tpu.memory_space<vmem>>
        %dma_start3A_294 = arith.constant 0 : i32
        %dma_start3A_295 = arith.constant 0 : i32
        %dma_start3A_296 = tpu.memref_slice %arg9[%dma_start3A_294, %dma_start3A_295] : memref<10240x128xf32, #tpu.memory_space<vmem_shared>> -> memref<10240x128xf32, #tpu.memory_space<vmem_shared>>
        tpu.enqueue_indirect_dma source(%dma_start3A_290 : memref<128x128xf32, #tpu.memory_space<vmem>>) target(%dma_start3A_296 : memref<10240x128xf32, #tpu.memory_space<vmem_shared>>) offsets(%dma_start3A_293 : memref<128xi32, #tpu.memory_space<vmem>>) semaphore(%run_scoped3A_286 : memref<!tpu.dma_semaphore, #tpu.memory_space<semaphore_mem>>) {add = true}
        %dma_wait3A_297 = arith.constant 0 : i32
        %dma_wait3A_298 = arith.constant 0 : i32
        %dma_wait3A_299 = tpu.memref_slice %arg8[%run_scoped3A_225, %dma_wait3A_297, %dma_wait3A_298] : memref<2x128x128xf32, #tpu.memory_space<vmem>> -> memref<1x128x128xf32, #tpu.memory_space<vmem>>
        %dma_wait3A_300 = tpu.memref_squeeze %dma_wait3A_299 : memref<1x128x128xf32, #tpu.memory_space<vmem>> -> memref<128x128xf32, #tpu.memory_space<vmem>>
        %dma_wait3A_301 = arith.constant 0 : i32
        %dma_wait3A_302 = tpu.memref_slice %arg7[%run_scoped3A_226, %dma_wait3A_301] : memref<4x128xi32, #tpu.memory_space<vmem>> -> memref<1x128xi32, #tpu.memory_space<vmem>>
        %dma_wait3A_303 = tpu.memref_squeeze %dma_wait3A_302 : memref<1x128xi32, #tpu.memory_space<vmem>> -> memref<128xi32, #tpu.memory_space<vmem>>
        %dma_wait3A_304 = arith.constant 0 : i32
        %dma_wait3A_305 = arith.constant 0 : i32
        %dma_wait3A_306 = tpu.memref_slice %arg9[%dma_wait3A_304, %dma_wait3A_305] : memref<10240x128xf32, #tpu.memory_space<vmem_shared>> -> memref<10240x128xf32, #tpu.memory_space<vmem_shared>>
        tpu.wait_indirect_dma semaphore(%run_scoped3A_286 : memref<!tpu.dma_semaphore, #tpu.memory_space<semaphore_mem>>) src(%dma_wait3A_300 : memref<128x128xf32, #tpu.memory_space<vmem>>) dst(%dma_wait3A_306 : memref<10240x128xf32, #tpu.memory_space<vmem_shared>>)
        tpu.yield
      }) : () -> ()
      %add3A_227 = arith.constant 4 : i32
      %add3A_228 = arith.addi %add3A_199, %add3A_227 : i32
      %lt3A_229 = arith.constant 80 : i32
      %lt3A_230 = arith.cmpi slt, %add3A_228, %lt3A_229 : i32
      %convert_element_type3A_231 = arith.extui %lt3A_230 : i1 to i32
      %cond3A_232 = arith.constant 0 : i32
      %cond3A_233 = arith.cmpi ne, %convert_element_type3A_231, %cond3A_232 : i32
      scf.if %cond3A_233 {
        %add3A_286 = arith.addi %add3A_13, %add3A_199 : i32
        %add3A_287 = arith.constant 4 : i32
        %add3A_288 = arith.addi %add3A_286, %add3A_287 : i32
        %dma_start3A_289 = arith.constant 2 : i32
        %dma_start3A_290 = arith.constant 0 : i32
        %dma_start3A_291 = tpu.memref_slice %arg7[%dma_start3A_289, %dma_start3A_290] : memref<4x128xi32, #tpu.memory_space<vmem>> -> memref<1x128xi32, #tpu.memory_space<vmem>>
        %dma_start3A_292 = tpu.memref_squeeze %dma_start3A_291 : memref<1x128xi32, #tpu.memory_space<vmem>> -> memref<128xi32, #tpu.memory_space<vmem>>
        %dma_start3A_293 = arith.constant 0 : i32
        %dma_start3A_294 = tpu.memref_slice %arg3[%add3A_288, %dma_start3A_293] : memref<2560x128xi32, #tpu.memory_space<hbm>> -> memref<1x128xi32, #tpu.memory_space<hbm>>
        %dma_start3A_295 = tpu.memref_squeeze %dma_start3A_294 : memref<1x128xi32, #tpu.memory_space<hbm>> -> memref<128xi32, #tpu.memory_space<hbm>>
        %dma_start3A_296 = arith.constant 0 : i32
        %dma_start3A_297 = tpu.memref_slice %arg7[%dma_start3A_289, %dma_start3A_296] : memref<4x128xi32, #tpu.memory_space<vmem>> -> memref<1x128xi32, #tpu.memory_space<vmem>>
        %dma_start3A_298 = tpu.memref_squeeze %dma_start3A_297 : memref<1x128xi32, #tpu.memory_space<vmem>> -> memref<128xi32, #tpu.memory_space<vmem>>
        %dma_start3A_299 = arith.constant 0 : i32
        %dma_start3A_300 = tpu.memref_slice %arg3[%add3A_288, %dma_start3A_299] : memref<2560x128xi32, #tpu.memory_space<hbm>> -> memref<1x128xi32, #tpu.memory_space<hbm>>
        %dma_start3A_301 = tpu.memref_squeeze %dma_start3A_300 : memref<1x128xi32, #tpu.memory_space<hbm>> -> memref<128xi32, #tpu.memory_space<hbm>>
        tpu.enqueue_dma source(%dma_start3A_301 : memref<128xi32, #tpu.memory_space<hbm>>) target(%dma_start3A_298 : memref<128xi32, #tpu.memory_space<vmem>>) target_semaphore(%arg12 : memref<!tpu.dma_semaphore, #tpu.memory_space<semaphore_mem>>)
      } else {
      }
      %add3A_234 = arith.constant 2 : i32
      %add3A_235 = arith.addi %add3A_199, %add3A_234 : i32
      %lt3A_236 = arith.constant 80 : i32
      %lt3A_237 = arith.cmpi slt, %add3A_235, %lt3A_236 : i32
      %convert_element_type3A_238 = arith.extui %lt3A_237 : i1 to i32
      %cond3A_239 = arith.constant 0 : i32
      %cond3A_240 = arith.cmpi ne, %convert_element_type3A_238, %cond3A_239 : i32
      scf.if %cond3A_240 {
        %add3A_286 = arith.constant 2 : i32
        %add3A_287 = arith.addi %add3A_199, %add3A_286 : i32
        %dma_start3A_288 = arith.constant 0 : i32
        %dma_start3A_289 = arith.constant 0 : i32
        %dma_start3A_290 = arith.constant 0 : i32
        %dma_start3A_291 = tpu.memref_slice %arg8[%dma_start3A_288, %dma_start3A_289, %dma_start3A_290] : memref<2x128x128xf32, #tpu.memory_space<vmem>> -> memref<1x128x128xf32, #tpu.memory_space<vmem>>
        %dma_start3A_292 = tpu.memref_squeeze %dma_start3A_291 : memref<1x128x128xf32, #tpu.memory_space<vmem>> -> memref<128x128xf32, #tpu.memory_space<vmem>>
        %dma_start3A_293 = arith.constant 0 : i32
        %dma_start3A_294 = tpu.memref_slice %arg6[%add3A_287, %dma_start3A_293] : memref<80x128xi32, #tpu.memory_space<vmem>> -> memref<1x128xi32, #tpu.memory_space<vmem>>
        %dma_start3A_295 = tpu.memref_squeeze %dma_start3A_294 : memref<1x128xi32, #tpu.memory_space<vmem>> -> memref<128xi32, #tpu.memory_space<vmem>>
        %dma_start3A_296 = arith.constant 0 : i32
        %dma_start3A_297 = arith.constant 0 : i32
        %dma_start3A_298 = tpu.memref_slice %arg4[%dma_start3A_296, %dma_start3A_297] : memref<10240x128xf32, #tpu.memory_space<hbm>> -> memref<10240x128xf32, #tpu.memory_space<hbm>>
        tpu.enqueue_indirect_dma source(%dma_start3A_298 : memref<10240x128xf32, #tpu.memory_space<hbm>>) target(%dma_start3A_292 : memref<128x128xf32, #tpu.memory_space<vmem>>) offsets(%dma_start3A_295 : memref<128xi32, #tpu.memory_space<vmem>>) semaphore(%arg14 : memref<!tpu.dma_semaphore, #tpu.memory_space<semaphore_mem>>)
      } else {
      }
      %mul3A_241 = arith.constant 4 : i32
      %mul3A_242 = arith.muli %scan3A_110, %mul3A_241 : i32
      %add3A_243 = arith.constant 3 : i32
      %add3A_244 = arith.addi %mul3A_242, %add3A_243 : i32
      %dma_wait3A_245 = arith.constant 1 : i32
      %dma_wait3A_246 = arith.constant 0 : i32
      %dma_wait3A_247 = arith.constant 0 : i32
      %dma_wait3A_248 = tpu.memref_slice %arg8[%dma_wait3A_245, %dma_wait3A_246, %dma_wait3A_247] : memref<2x128x128xf32, #tpu.memory_space<vmem>> -> memref<1x128x128xf32, #tpu.memory_space<vmem>>
      %dma_wait3A_249 = tpu.memref_squeeze %dma_wait3A_248 : memref<1x128x128xf32, #tpu.memory_space<vmem>> -> memref<128x128xf32, #tpu.memory_space<vmem>>
      %dma_wait3A_250 = arith.constant 0 : i32
      %dma_wait3A_251 = tpu.memref_slice %arg6[%add3A_244, %dma_wait3A_250] : memref<80x128xi32, #tpu.memory_space<vmem>> -> memref<1x128xi32, #tpu.memory_space<vmem>>
      %dma_wait3A_252 = tpu.memref_squeeze %dma_wait3A_251 : memref<1x128xi32, #tpu.memory_space<vmem>> -> memref<128xi32, #tpu.memory_space<vmem>>
      %dma_wait3A_253 = arith.constant 0 : i32
      %dma_wait3A_254 = arith.constant 0 : i32
      %dma_wait3A_255 = tpu.memref_slice %arg4[%dma_wait3A_253, %dma_wait3A_254] : memref<10240x128xf32, #tpu.memory_space<hbm>> -> memref<10240x128xf32, #tpu.memory_space<hbm>>
      tpu.wait_indirect_dma semaphore(%arg15 : memref<!tpu.dma_semaphore, #tpu.memory_space<semaphore_mem>>) src(%dma_wait3A_255 : memref<10240x128xf32, #tpu.memory_space<hbm>>) dst(%dma_wait3A_249 : memref<128x128xf32, #tpu.memory_space<vmem>>)
      %add3A_256 = arith.addi %add3A_13, %add3A_244 : i32
      %dma_wait3A_257 = arith.constant 3 : i32
      %dma_wait3A_258 = arith.constant 0 : i32
      %dma_wait3A_259 = tpu.memref_slice %arg7[%dma_wait3A_257, %dma_wait3A_258] : memref<4x128xi32, #tpu.memory_space<vmem>> -> memref<1x128xi32, #tpu.memory_space<vmem>>
      %dma_wait3A_260 = tpu.memref_squeeze %dma_wait3A_259 : memref<1x128xi32, #tpu.memory_space<vmem>> -> memref<128xi32, #tpu.memory_space<vmem>>
      %dma_wait3A_261 = arith.constant 0 : i32
      %dma_wait3A_262 = tpu.memref_slice %arg3[%add3A_256, %dma_wait3A_261] : memref<2560x128xi32, #tpu.memory_space<hbm>> -> memref<1x128xi32, #tpu.memory_space<hbm>>
      %dma_wait3A_263 = tpu.memref_squeeze %dma_wait3A_262 : memref<1x128xi32, #tpu.memory_space<hbm>> -> memref<128xi32, #tpu.memory_space<hbm>>
      %dma_wait3A_264 = arith.constant 0 : i32
      %dma_wait3A_265 = tpu.memref_slice %arg7[%dma_wait3A_257, %dma_wait3A_264] : memref<4x128xi32, #tpu.memory_space<vmem>> -> memref<1x128xi32, #tpu.memory_space<vmem>>
      %dma_wait3A_266 = tpu.memref_squeeze %dma_wait3A_265 : memref<1x128xi32, #tpu.memory_space<vmem>> -> memref<128xi32, #tpu.memory_space<vmem>>
      %dma_wait3A_267 = arith.constant 0 : i32
      %dma_wait3A_268 = tpu.memref_slice %arg3[%add3A_256, %dma_wait3A_267] : memref<2560x128xi32, #tpu.memory_space<hbm>> -> memref<1x128xi32, #tpu.memory_space<hbm>>
      %dma_wait3A_269 = tpu.memref_squeeze %dma_wait3A_268 : memref<1x128xi32, #tpu.memory_space<hbm>> -> memref<128xi32, #tpu.memory_space<hbm>>
      tpu.wait_dma2 semaphore(%arg13 : memref<!tpu.dma_semaphore, #tpu.memory_space<semaphore_mem>>) src(%dma_wait3A_269 : memref<128xi32, #tpu.memory_space<hbm>>) dst(%dma_wait3A_266 : memref<128xi32, #tpu.memory_space<vmem>>)
      %run_scoped3A_270 = arith.constant 1 : i32
      %run_scoped3A_271 = arith.constant 3 : i32
      "tpu.region"() ({
        %run_scoped3A_286 = tpu.sem_alloc : memref<!tpu.dma_semaphore, #tpu.memory_space<semaphore_mem>>
        %dma_start3A_287 = arith.constant 0 : i32
        %dma_start3A_288 = arith.constant 0 : i32
        %dma_start3A_289 = tpu.memref_slice %arg8[%run_scoped3A_270, %dma_start3A_287, %dma_start3A_288] : memref<2x128x128xf32, #tpu.memory_space<vmem>> -> memref<1x128x128xf32, #tpu.memory_space<vmem>>
        %dma_start3A_290 = tpu.memref_squeeze %dma_start3A_289 : memref<1x128x128xf32, #tpu.memory_space<vmem>> -> memref<128x128xf32, #tpu.memory_space<vmem>>
        %dma_start3A_291 = arith.constant 0 : i32
        %dma_start3A_292 = tpu.memref_slice %arg7[%run_scoped3A_271, %dma_start3A_291] : memref<4x128xi32, #tpu.memory_space<vmem>> -> memref<1x128xi32, #tpu.memory_space<vmem>>
        %dma_start3A_293 = tpu.memref_squeeze %dma_start3A_292 : memref<1x128xi32, #tpu.memory_space<vmem>> -> memref<128xi32, #tpu.memory_space<vmem>>
        %dma_start3A_294 = arith.constant 0 : i32
        %dma_start3A_295 = arith.constant 0 : i32
        %dma_start3A_296 = tpu.memref_slice %arg9[%dma_start3A_294, %dma_start3A_295] : memref<10240x128xf32, #tpu.memory_space<vmem_shared>> -> memref<10240x128xf32, #tpu.memory_space<vmem_shared>>
        tpu.enqueue_indirect_dma source(%dma_start3A_290 : memref<128x128xf32, #tpu.memory_space<vmem>>) target(%dma_start3A_296 : memref<10240x128xf32, #tpu.memory_space<vmem_shared>>) offsets(%dma_start3A_293 : memref<128xi32, #tpu.memory_space<vmem>>) semaphore(%run_scoped3A_286 : memref<!tpu.dma_semaphore, #tpu.memory_space<semaphore_mem>>) {add = true}
        %dma_wait3A_297 = arith.constant 0 : i32
        %dma_wait3A_298 = arith.constant 0 : i32
        %dma_wait3A_299 = tpu.memref_slice %arg8[%run_scoped3A_270, %dma_wait3A_297, %dma_wait3A_298] : memref<2x128x128xf32, #tpu.memory_space<vmem>> -> memref<1x128x128xf32, #tpu.memory_space<vmem>>
        %dma_wait3A_300 = tpu.memref_squeeze %dma_wait3A_299 : memref<1x128x128xf32, #tpu.memory_space<vmem>> -> memref<128x128xf32, #tpu.memory_space<vmem>>
        %dma_wait3A_301 = arith.constant 0 : i32
        %dma_wait3A_302 = tpu.memref_slice %arg7[%run_scoped3A_271, %dma_wait3A_301] : memref<4x128xi32, #tpu.memory_space<vmem>> -> memref<1x128xi32, #tpu.memory_space<vmem>>
        %dma_wait3A_303 = tpu.memref_squeeze %dma_wait3A_302 : memref<1x128xi32, #tpu.memory_space<vmem>> -> memref<128xi32, #tpu.memory_space<vmem>>
        %dma_wait3A_304 = arith.constant 0 : i32
        %dma_wait3A_305 = arith.constant 0 : i32
        %dma_wait3A_306 = tpu.memref_slice %arg9[%dma_wait3A_304, %dma_wait3A_305] : memref<10240x128xf32, #tpu.memory_space<vmem_shared>> -> memref<10240x128xf32, #tpu.memory_space<vmem_shared>>
        tpu.wait_indirect_dma semaphore(%run_scoped3A_286 : memref<!tpu.dma_semaphore, #tpu.memory_space<semaphore_mem>>) src(%dma_wait3A_300 : memref<128x128xf32, #tpu.memory_space<vmem>>) dst(%dma_wait3A_306 : memref<10240x128xf32, #tpu.memory_space<vmem_shared>>)
        tpu.yield
      }) : () -> ()
      %add3A_272 = arith.constant 4 : i32
      %add3A_273 = arith.addi %add3A_244, %add3A_272 : i32
      %lt3A_274 = arith.constant 80 : i32
      %lt3A_275 = arith.cmpi slt, %add3A_273, %lt3A_274 : i32
      %convert_element_type3A_276 = arith.extui %lt3A_275 : i1 to i32
      %cond3A_277 = arith.constant 0 : i32
      %cond3A_278 = arith.cmpi ne, %convert_element_type3A_276, %cond3A_277 : i32
      scf.if %cond3A_278 {
        %add3A_286 = arith.addi %add3A_13, %add3A_244 : i32
        %add3A_287 = arith.constant 4 : i32
        %add3A_288 = arith.addi %add3A_286, %add3A_287 : i32
        %dma_start3A_289 = arith.constant 3 : i32
        %dma_start3A_290 = arith.constant 0 : i32
        %dma_start3A_291 = tpu.memref_slice %arg7[%dma_start3A_289, %dma_start3A_290] : memref<4x128xi32, #tpu.memory_space<vmem>> -> memref<1x128xi32, #tpu.memory_space<vmem>>
        %dma_start3A_292 = tpu.memref_squeeze %dma_start3A_291 : memref<1x128xi32, #tpu.memory_space<vmem>> -> memref<128xi32, #tpu.memory_space<vmem>>
        %dma_start3A_293 = arith.constant 0 : i32
        %dma_start3A_294 = tpu.memref_slice %arg3[%add3A_288, %dma_start3A_293] : memref<2560x128xi32, #tpu.memory_space<hbm>> -> memref<1x128xi32, #tpu.memory_space<hbm>>
        %dma_start3A_295 = tpu.memref_squeeze %dma_start3A_294 : memref<1x128xi32, #tpu.memory_space<hbm>> -> memref<128xi32, #tpu.memory_space<hbm>>
        %dma_start3A_296 = arith.constant 0 : i32
        %dma_start3A_297 = tpu.memref_slice %arg7[%dma_start3A_289, %dma_start3A_296] : memref<4x128xi32, #tpu.memory_space<vmem>> -> memref<1x128xi32, #tpu.memory_space<vmem>>
        %dma_start3A_298 = tpu.memref_squeeze %dma_start3A_297 : memref<1x128xi32, #tpu.memory_space<vmem>> -> memref<128xi32, #tpu.memory_space<vmem>>
        %dma_start3A_299 = arith.constant 0 : i32
        %dma_start3A_300 = tpu.memref_slice %arg3[%add3A_288, %dma_start3A_299] : memref<2560x128xi32, #tpu.memory_space<hbm>> -> memref<1x128xi32, #tpu.memory_space<hbm>>
        %dma_start3A_301 = tpu.memref_squeeze %dma_start3A_300 : memref<1x128xi32, #tpu.memory_space<hbm>> -> memref<128xi32, #tpu.memory_space<hbm>>
        tpu.enqueue_dma source(%dma_start3A_301 : memref<128xi32, #tpu.memory_space<hbm>>) target(%dma_start3A_298 : memref<128xi32, #tpu.memory_space<vmem>>) target_semaphore(%arg13 : memref<!tpu.dma_semaphore, #tpu.memory_space<semaphore_mem>>)
      } else {
      }
      %add3A_279 = arith.constant 2 : i32
      %add3A_280 = arith.addi %add3A_244, %add3A_279 : i32
      %lt3A_281 = arith.constant 80 : i32
      %lt3A_282 = arith.cmpi slt, %add3A_280, %lt3A_281 : i32
      %convert_element_type3A_283 = arith.extui %lt3A_282 : i1 to i32
      %cond3A_284 = arith.constant 0 : i32
      %cond3A_285 = arith.cmpi ne, %convert_element_type3A_283, %cond3A_284 : i32
      scf.if %cond3A_285 {
        %add3A_286 = arith.constant 2 : i32
        %add3A_287 = arith.addi %add3A_244, %add3A_286 : i32
        %dma_start3A_288 = arith.constant 1 : i32
        %dma_start3A_289 = arith.constant 0 : i32
        %dma_start3A_290 = arith.constant 0 : i32
        %dma_start3A_291 = tpu.memref_slice %arg8[%dma_start3A_288, %dma_start3A_289, %dma_start3A_290] : memref<2x128x128xf32, #tpu.memory_space<vmem>> -> memref<1x128x128xf32, #tpu.memory_space<vmem>>
        %dma_start3A_292 = tpu.memref_squeeze %dma_start3A_291 : memref<1x128x128xf32, #tpu.memory_space<vmem>> -> memref<128x128xf32, #tpu.memory_space<vmem>>
        %dma_start3A_293 = arith.constant 0 : i32
        %dma_start3A_294 = tpu.memref_slice %arg6[%add3A_287, %dma_start3A_293] : memref<80x128xi32, #tpu.memory_space<vmem>> -> memref<1x128xi32, #tpu.memory_space<vmem>>
        %dma_start3A_295 = tpu.memref_squeeze %dma_start3A_294 : memref<1x128xi32, #tpu.memory_space<vmem>> -> memref<128xi32, #tpu.memory_space<vmem>>
        %dma_start3A_296 = arith.constant 0 : i32
        %dma_start3A_297 = arith.constant 0 : i32
        %dma_start3A_298 = tpu.memref_slice %arg4[%dma_start3A_296, %dma_start3A_297] : memref<10240x128xf32, #tpu.memory_space<hbm>> -> memref<10240x128xf32, #tpu.memory_space<hbm>>
        tpu.enqueue_indirect_dma source(%dma_start3A_298 : memref<10240x128xf32, #tpu.memory_space<hbm>>) target(%dma_start3A_292 : memref<128x128xf32, #tpu.memory_space<vmem>>) offsets(%dma_start3A_295 : memref<128xi32, #tpu.memory_space<vmem>>) semaphore(%arg15 : memref<!tpu.dma_semaphore, #tpu.memory_space<semaphore_mem>>)
      } else {
      }
    }
    %scan3A_101 = arith.constant 20 : i32
    %barrier3A_102 = arith.constant 0 : index
    tpu.barrier barrier_id(%barrier3A_102)
    %mul3A_103 = arith.constant 10240 : i32
    %mul3A_104 = arith.muli %arg0, %mul3A_103 : i32
    %mul3A_105 = arith.constant 640 : i32
    %mul3A_106 = arith.muli %arg1, %mul3A_105 : i32
    %add3A_107 = arith.addi %mul3A_104, %mul3A_106 : i32
    %mul3A_108 = arith.constant 640 : i32
    %mul3A_109 = arith.muli %arg1, %mul3A_108 : i32
    "tpu.region"() ({
      %run_scoped3A = tpu.sem_alloc : memref<!tpu.dma_semaphore, #tpu.memory_space<semaphore_mem>>
      %dma_start3A_110 = arith.constant 0 : i32
      %dma_start3A_111 = tpu.memref_slice %arg5[%add3A_107, %dma_start3A_110] : memref<20480x128xf32, #tpu.memory_space<hbm>> -> memref<640x128xf32, #tpu.memory_space<hbm>>
      %dma_start3A_112 = arith.constant 0 : i32
      %dma_start3A_113 = tpu.memref_slice %arg9[%mul3A_109, %dma_start3A_112] : memref<10240x128xf32, #tpu.memory_space<vmem_shared>> -> memref<640x128xf32, #tpu.memory_space<vmem_shared>>
      tpu.enqueue_dma source(%dma_start3A_113 : memref<640x128xf32, #tpu.memory_space<vmem_shared>>) target(%dma_start3A_111 : memref<640x128xf32, #tpu.memory_space<hbm>>) target_semaphore(%run_scoped3A : memref<!tpu.dma_semaphore, #tpu.memory_space<semaphore_mem>>)
      %dma_wait3A = arith.constant 0 : i32
      %dma_wait3A_114 = tpu.memref_slice %arg5[%add3A_107, %dma_wait3A] : memref<20480x128xf32, #tpu.memory_space<hbm>> -> memref<640x128xf32, #tpu.memory_space<hbm>>
      %dma_wait3A_115 = arith.constant 0 : i32
      %dma_wait3A_116 = tpu.memref_slice %arg9[%mul3A_109, %dma_wait3A_115] : memref<10240x128xf32, #tpu.memory_space<vmem_shared>> -> memref<640x128xf32, #tpu.memory_space<vmem_shared>>
      tpu.wait_dma2 semaphore(%run_scoped3A : memref<!tpu.dma_semaphore, #tpu.memory_space<semaphore_mem>>) src(%dma_wait3A_116 : memref<640x128xf32, #tpu.memory_space<vmem_shared>>) dst(%dma_wait3A_114 : memref<640x128xf32, #tpu.memory_space<hbm>>)
      tpu.yield
    }) : () -> ()
    return
  }
}

module attributes {stable_mosaic.version = 14 : i64} {
  func.func @_prep_body(%arg0: i32, %arg1: memref<512x128xf32, #tpu.memory_space<vmem>>, %arg2: memref<512x1xf32, #tpu.memory_space<vmem>>, %arg3: memref<512x1xf32, #tpu.memory_space<vmem>>, %arg4: memref<512x1xf32, #tpu.memory_space<vmem>>, %arg5: memref<512x1xf32, #tpu.memory_space<vmem>>, %arg6: memref<512x128xf32, #tpu.memory_space<vmem>>, %arg7: memref<512x1xf32, #tpu.memory_space<vmem>>, %arg8: memref<512x1xf32, #tpu.memory_space<vmem>>) attributes {dimension_semantics = [#tpu.dimension_semantics<arbitrary>], iteration_bounds = array<i64: 20>, scalar_prefetch = 0 : i64, scratch_operands = 0 : i64, tpu.core_type = #tpu.core_type<tc>, window_params = [{transform_indices = @transform_0, window_bounds = array<i64: 512, 128>}, {transform_indices = @transform_1, window_bounds = array<i64: 512, 1>}, {transform_indices = @transform_2, window_bounds = array<i64: 512, 1>}, {transform_indices = @transform_3, window_bounds = array<i64: 512, 1>}, {transform_indices = @transform_4, window_bounds = array<i64: 512, 1>}, {transform_indices = @transform_5, window_bounds = array<i64: 512, 128>}, {transform_indices = @transform_6, window_bounds = array<i64: 512, 1>}, {transform_indices = @transform_7, window_bounds = array<i64: 512, 1>}]} {
    %get3A = arith.constant 0 : index
    %get3A_0 = arith.constant 0 : index
    %get3A_1 = vector.load %arg2[%get3A, %get3A_0] : memref<512x1xf32, #tpu.memory_space<vmem>>, vector<512x1xf32>
    %get3A_2 = arith.constant 0 : index
    %get3A_3 = arith.constant 0 : index
    %get3A_4 = vector.load %arg3[%get3A_2, %get3A_3] : memref<512x1xf32, #tpu.memory_space<vmem>>, vector<512x1xf32>
    %add3A = arith.addf %get3A_1, %get3A_4 : vector<512x1xf32>
    %add3A_5 = arith.constant 1.000000e+00 : f32
    %add3A_6 = vector.broadcast %add3A_5 : f32 to vector<512x1xf32>
    %add3A_7 = arith.addf %add3A, %add3A_6 : vector<512x1xf32>
    %sqrt3A = math.sqrt %add3A_7 : vector<512x1xf32>
    %div3A = arith.constant 1.000000e+00 : f32
    %div3A_8 = vector.broadcast %div3A : f32 to vector<512x1xf32>
    %div3A_9 = arith.divf %div3A_8, %sqrt3A : vector<512x1xf32>
    %get3A_10 = arith.constant 0 : index
    %get3A_11 = arith.constant 0 : index
    %get3A_12 = vector.load %arg4[%get3A_10, %get3A_11] : memref<512x1xf32, #tpu.memory_space<vmem>>, vector<512x1xf32>
    %get3A_13 = arith.constant 0 : index
    %get3A_14 = arith.constant 0 : index
    %get3A_15 = vector.load %arg5[%get3A_13, %get3A_14] : memref<512x1xf32, #tpu.memory_space<vmem>>, vector<512x1xf32>
    %add3A_16 = arith.addf %get3A_12, %get3A_15 : vector<512x1xf32>
    %add3A_17 = arith.constant 1.000000e+00 : f32
    %add3A_18 = vector.broadcast %add3A_17 : f32 to vector<512x1xf32>
    %add3A_19 = arith.addf %add3A_16, %add3A_18 : vector<512x1xf32>
    %sqrt3A_20 = math.sqrt %add3A_19 : vector<512x1xf32>
    %div3A_21 = arith.constant 1.000000e+00 : f32
    %div3A_22 = vector.broadcast %div3A_21 : f32 to vector<512x1xf32>
    %div3A_23 = arith.divf %div3A_22, %sqrt3A_20 : vector<512x1xf32>
    %swap3A = arith.constant 0 : index
    %swap3A_24 = arith.constant 0 : index
    %swap3A_25 = vector.load %arg7[%swap3A, %swap3A_24] : memref<512x1xf32, #tpu.memory_space<vmem>>, vector<512x1xf32>
    tpu.vector_store %arg7[%swap3A, %swap3A_24], %div3A_9 {strides = array<i32>} : memref<512x1xf32, #tpu.memory_space<vmem>>, vector<512x1xf32>,
    %swap3A_26 = arith.constant 0 : index
    %swap3A_27 = arith.constant 0 : index
    %swap3A_28 = vector.load %arg8[%swap3A_26, %swap3A_27] : memref<512x1xf32, #tpu.memory_space<vmem>>, vector<512x1xf32>
    tpu.vector_store %arg8[%swap3A_26, %swap3A_27], %div3A_23 {strides = array<i32>} : memref<512x1xf32, #tpu.memory_space<vmem>>, vector<512x1xf32>,
    %get3A_29 = arith.constant 0 : index
    %get3A_30 = arith.constant 0 : index
    %get3A_31 = vector.load %arg1[%get3A_29, %get3A_30] : memref<512x128xf32, #tpu.memory_space<vmem>>, vector<512x128xf32>
    %mul3A = vector.broadcast %div3A_9 : vector<512x1xf32> to vector<512x128xf32>
    %mul3A_32 = arith.mulf %get3A_31, %mul3A : vector<512x128xf32>
    %swap3A_33 = arith.constant 0 : index
    %swap3A_34 = arith.constant 0 : index
    %swap3A_35 = vector.load %arg6[%swap3A_33, %swap3A_34] : memref<512x128xf32, #tpu.memory_space<vmem>>, vector<512x128xf32>
    tpu.vector_store %arg6[%swap3A_33, %swap3A_34], %mul3A_32 {strides = array<i32>} : memref<512x128xf32, #tpu.memory_space<vmem>>, vector<512x128xf32>,
    return
  }
  func.func @transform_0(%arg0: i32) -> (i32, i32) {
    %c0_i32 = arith.constant 0 : i32
    %c0_i32_0 = arith.constant 0 : i32
    return %arg0, %c0_i32 : i32, i32
  }
  func.func @transform_1(%arg0: i32) -> (i32, i32) {
    %c0_i32 = arith.constant 0 : i32
    %c0_i32_0 = arith.constant 0 : i32
    return %arg0, %c0_i32 : i32, i32
  }
  func.func @transform_2(%arg0: i32) -> (i32, i32) {
    %add3A = arith.constant 20 : i32
    %add3A_0 = arith.addi %add3A, %arg0 : i32
    %c0_i32 = arith.constant 0 : i32
    %c0_i32_1 = arith.constant 0 : i32
    return %add3A_0, %c0_i32 : i32, i32
  }
  func.func @transform_3(%arg0: i32) -> (i32, i32) {
    %c0_i32 = arith.constant 0 : i32
    %c0_i32_0 = arith.constant 0 : i32
    return %arg0, %c0_i32 : i32, i32
  }
  func.func @transform_4(%arg0: i32) -> (i32, i32) {
    %add3A = arith.constant 20 : i32
    %add3A_0 = arith.addi %add3A, %arg0 : i32
    %c0_i32 = arith.constant 0 : i32
    %c0_i32_1 = arith.constant 0 : i32
    return %add3A_0, %c0_i32 : i32, i32
  }
  func.func @transform_5(%arg0: i32) -> (i32, i32) {
    %c0_i32 = arith.constant 0 : i32
    %c0_i32_0 = arith.constant 0 : i32
    return %arg0, %c0_i32 : i32, i32
  }
  func.func @transform_6(%arg0: i32) -> (i32, i32) {
    %c0_i32 = arith.constant 0 : i32
    %c0_i32_0 = arith.constant 0 : i32
    return %arg0, %c0_i32 : i32, i32
  }
  func.func @transform_7(%arg0: i32) -> (i32, i32) {
    %c0_i32 = arith.constant 0 : i32
    %c0_i32_0 = arith.constant 0 : i32
    return %arg0, %c0_i32 : i32, i32
  }
}

module attributes {stable_mosaic.version = 14 : i64} {
  func.func @_layer1_body(%arg0: i32, %arg1: memref<512x128xf32, #tpu.memory_space<vmem>>, %arg2: memref<512x128xf32, #tpu.memory_space<vmem>>, %arg3: memref<512x128xf32, #tpu.memory_space<vmem>>, %arg4: memref<512x1xf32, #tpu.memory_space<vmem>>, %arg5: memref<512x1xf32, #tpu.memory_space<vmem>>, %arg6: memref<128x128xf32, #tpu.memory_space<vmem>>, %arg7: memref<1x128xf32, #tpu.memory_space<vmem>>, %arg8: memref<512x128xf32, #tpu.memory_space<vmem>>) attributes {dimension_semantics = [#tpu.dimension_semantics<arbitrary>], iteration_bounds = array<i64: 20>, scalar_prefetch = 0 : i64, scratch_operands = 0 : i64, tpu.core_type = #tpu.core_type<tc>, window_params = [{transform_indices = @transform_0, window_bounds = array<i64: 512, 128>}, {transform_indices = @transform_1, window_bounds = array<i64: 512, 128>}, {transform_indices = @transform_2, window_bounds = array<i64: 512, 128>}, {transform_indices = @transform_3, window_bounds = array<i64: 512, 1>}, {transform_indices = @transform_4, window_bounds = array<i64: 512, 1>}, {pipeline_mode = #tpu.pipeline_mode<synchronous>, transform_indices = @transform_5, window_bounds = array<i64: 128, 128>}, {pipeline_mode = #tpu.pipeline_mode<synchronous>, transform_indices = @transform_6, window_bounds = array<i64: 1, 128>}, {transform_indices = @transform_7, window_bounds = array<i64: 512, 128>}]} {
    %get3A = arith.constant 0 : index
    %get3A_0 = arith.constant 0 : index
    %get3A_1 = vector.load %arg1[%get3A, %get3A_0] : memref<512x128xf32, #tpu.memory_space<vmem>>, vector<512x128xf32>
    %get3A_2 = arith.constant 0 : index
    %get3A_3 = arith.constant 0 : index
    %get3A_4 = vector.load %arg2[%get3A_2, %get3A_3] : memref<512x128xf32, #tpu.memory_space<vmem>>, vector<512x128xf32>
    %add3A = arith.addf %get3A_1, %get3A_4 : vector<512x128xf32>
    %get3A_5 = arith.constant 0 : index
    %get3A_6 = arith.constant 0 : index
    %get3A_7 = vector.load %arg3[%get3A_5, %get3A_6] : memref<512x128xf32, #tpu.memory_space<vmem>>, vector<512x128xf32>
    %add3A_8 = arith.addf %add3A, %get3A_7 : vector<512x128xf32>
    %get3A_9 = arith.constant 0 : index
    %get3A_10 = arith.constant 0 : index
    %get3A_11 = vector.load %arg4[%get3A_9, %get3A_10] : memref<512x1xf32, #tpu.memory_space<vmem>>, vector<512x1xf32>
    %mul3A = vector.broadcast %get3A_11 : vector<512x1xf32> to vector<512x128xf32>
    %mul3A_12 = arith.mulf %add3A_8, %mul3A : vector<512x128xf32>
    %convert_element_type3A = arith.truncf %mul3A_12 : vector<512x128xf32> to vector<512x128xbf16>
    %get3A_13 = arith.constant 0 : index
    %get3A_14 = arith.constant 0 : index
    %get3A_15 = vector.load %arg6[%get3A_13, %get3A_14] : memref<128x128xf32, #tpu.memory_space<vmem>>, vector<128x128xf32>
    %convert_element_type3A_16 = arith.truncf %get3A_15 : vector<128x128xf32> to vector<128x128xbf16>
    %dot_general3A = arith.constant dense<0.000000e+00> : vector<512x128xf32>
    %dot_general3A_17 = tpu.matmul %convert_element_type3A, %convert_element_type3A_16, %dot_general3A {dimension_numbers = #tpu.dot_dimension_numbers<[1], [0], [0], [1], [0, 0, 1, 1], [], []>, transpose_lhs_hint = false} : vector<512x128xbf16>, vector<128x128xbf16>, vector<512x128xf32> -> vector<512x128xf32>
    %get3A_18 = arith.constant 0 : index
    %get3A_19 = arith.constant 0 : index
    %get3A_20 = vector.load %arg7[%get3A_18, %get3A_19] : memref<1x128xf32, #tpu.memory_space<vmem>>, vector<1x128xf32>
    %add3A_21 = vector.broadcast %get3A_20 : vector<1x128xf32> to vector<512x128xf32>
    %add3A_22 = arith.addf %dot_general3A_17, %add3A_21 : vector<512x128xf32>
    %max3A = arith.constant 0.000000e+00 : f32
    %max3A_23 = vector.broadcast %max3A : f32 to vector<512x128xf32>
    %max3A_24 = arith.maximumf %add3A_22, %max3A_23 : vector<512x128xf32>
    %get3A_25 = arith.constant 0 : index
    %get3A_26 = arith.constant 0 : index
    %get3A_27 = vector.load %arg5[%get3A_25, %get3A_26] : memref<512x1xf32, #tpu.memory_space<vmem>>, vector<512x1xf32>
    %mul3A_28 = vector.broadcast %get3A_27 : vector<512x1xf32> to vector<512x128xf32>
    %mul3A_29 = arith.mulf %max3A_24, %mul3A_28 : vector<512x128xf32>
    %swap3A = arith.constant 0 : index
    %swap3A_30 = arith.constant 0 : index
    %swap3A_31 = vector.load %arg8[%swap3A, %swap3A_30] : memref<512x128xf32, #tpu.memory_space<vmem>>, vector<512x128xf32>
    tpu.vector_store %arg8[%swap3A, %swap3A_30], %mul3A_29 {strides = array<i32>} : memref<512x128xf32, #tpu.memory_space<vmem>>, vector<512x128xf32>,
    return
  }
  func.func @transform_0(%arg0: i32) -> (i32, i32) {
    %c0_i32 = arith.constant 0 : i32
    %c0_i32_0 = arith.constant 0 : i32
    return %arg0, %c0_i32 : i32, i32
  }
  func.func @transform_1(%arg0: i32) -> (i32, i32) {
    %add3A = arith.constant 20 : i32
    %add3A_0 = arith.addi %add3A, %arg0 : i32
    %c0_i32 = arith.constant 0 : i32
    %c0_i32_1 = arith.constant 0 : i32
    return %add3A_0, %c0_i32 : i32, i32
  }
  func.func @transform_2(%arg0: i32) -> (i32, i32) {
    %c0_i32 = arith.constant 0 : i32
    %c0_i32_0 = arith.constant 0 : i32
    return %arg0, %c0_i32 : i32, i32
  }
  func.func @transform_3(%arg0: i32) -> (i32, i32) {
    %c0_i32 = arith.constant 0 : i32
    %c0_i32_0 = arith.constant 0 : i32
    return %arg0, %c0_i32 : i32, i32
  }
  func.func @transform_4(%arg0: i32) -> (i32, i32) {
    %c0_i32 = arith.constant 0 : i32
    %c0_i32_0 = arith.constant 0 : i32
    return %arg0, %c0_i32 : i32, i32
  }
  func.func @transform_5(%arg0: i32) -> (i32, i32) {
    %c0_i32 = arith.constant 0 : i32
    %c0_i32_0 = arith.constant 0 : i32
    %c0_i32_1 = arith.constant 0 : i32
    return %c0_i32, %c0_i32_0 : i32, i32
  }
  func.func @transform_6(%arg0: i32) -> (i32, i32) {
    %c0_i32 = arith.constant 0 : i32
    %c0_i32_0 = arith.constant 0 : i32
    %c0_i32_1 = arith.constant 0 : i32
    return %c0_i32, %c0_i32_0 : i32, i32
  }
  func.func @transform_7(%arg0: i32) -> (i32, i32) {
    %c0_i32 = arith.constant 0 : i32
    %c0_i32_0 = arith.constant 0 : i32
    return %arg0, %c0_i32 : i32, i32
  }
}

module attributes {stable_mosaic.version = 14 : i64} {
  func.func @_layer2_body(%arg0: i32, %arg1: memref<512x128xf32, #tpu.memory_space<vmem>>, %arg2: memref<512x128xf32, #tpu.memory_space<vmem>>, %arg3: memref<512x128xf32, #tpu.memory_space<vmem>>, %arg4: memref<512x1xf32, #tpu.memory_space<vmem>>, %arg5: memref<128x128xf32, #tpu.memory_space<vmem>>, %arg6: memref<1x128xf32, #tpu.memory_space<vmem>>, %arg7: memref<1x128xf32, #tpu.memory_space<vmem>>, %arg8: memref<1x1xf32, #tpu.memory_space<vmem>>, %arg9: memref<512x1xf32, #tpu.memory_space<vmem>>) attributes {dimension_semantics = [#tpu.dimension_semantics<arbitrary>], iteration_bounds = array<i64: 20>, scalar_prefetch = 0 : i64, scratch_operands = 0 : i64, tpu.core_type = #tpu.core_type<tc>, window_params = [{transform_indices = @transform_0, window_bounds = array<i64: 512, 128>}, {transform_indices = @transform_1, window_bounds = array<i64: 512, 128>}, {transform_indices = @transform_2, window_bounds = array<i64: 512, 128>}, {transform_indices = @transform_3, window_bounds = array<i64: 512, 1>}, {pipeline_mode = #tpu.pipeline_mode<synchronous>, transform_indices = @transform_4, window_bounds = array<i64: 128, 128>}, {pipeline_mode = #tpu.pipeline_mode<synchronous>, transform_indices = @transform_5, window_bounds = array<i64: 1, 128>}, {pipeline_mode = #tpu.pipeline_mode<synchronous>, transform_indices = @transform_6, window_bounds = array<i64: 1, 128>}, {pipeline_mode = #tpu.pipeline_mode<synchronous>, transform_indices = @transform_7, window_bounds = array<i64: 1, 1>}, {transform_indices = @transform_8, window_bounds = array<i64: 512, 1>}]} {
    %get3A = arith.constant 0 : index
    %get3A_0 = arith.constant 0 : index
    %get3A_1 = vector.load %arg1[%get3A, %get3A_0] : memref<512x128xf32, #tpu.memory_space<vmem>>, vector<512x128xf32>
    %get3A_2 = arith.constant 0 : index
    %get3A_3 = arith.constant 0 : index
    %get3A_4 = vector.load %arg2[%get3A_2, %get3A_3] : memref<512x128xf32, #tpu.memory_space<vmem>>, vector<512x128xf32>
    %add3A = arith.addf %get3A_1, %get3A_4 : vector<512x128xf32>
    %get3A_5 = arith.constant 0 : index
    %get3A_6 = arith.constant 0 : index
    %get3A_7 = vector.load %arg3[%get3A_5, %get3A_6] : memref<512x128xf32, #tpu.memory_space<vmem>>, vector<512x128xf32>
    %add3A_8 = arith.addf %add3A, %get3A_7 : vector<512x128xf32>
    %get3A_9 = arith.constant 0 : index
    %get3A_10 = arith.constant 0 : index
    %get3A_11 = vector.load %arg4[%get3A_9, %get3A_10] : memref<512x1xf32, #tpu.memory_space<vmem>>, vector<512x1xf32>
    %mul3A = vector.broadcast %get3A_11 : vector<512x1xf32> to vector<512x128xf32>
    %mul3A_12 = arith.mulf %add3A_8, %mul3A : vector<512x128xf32>
    %convert_element_type3A = arith.truncf %mul3A_12 : vector<512x128xf32> to vector<512x128xbf16>
    %get3A_13 = arith.constant 0 : index
    %get3A_14 = arith.constant 0 : index
    %get3A_15 = vector.load %arg5[%get3A_13, %get3A_14] : memref<128x128xf32, #tpu.memory_space<vmem>>, vector<128x128xf32>
    %convert_element_type3A_16 = arith.truncf %get3A_15 : vector<128x128xf32> to vector<128x128xbf16>
    %dot_general3A = arith.constant dense<0.000000e+00> : vector<512x128xf32>
    %dot_general3A_17 = tpu.matmul %convert_element_type3A, %convert_element_type3A_16, %dot_general3A {dimension_numbers = #tpu.dot_dimension_numbers<[1], [0], [0], [1], [0, 0, 1, 1], [], []>, transpose_lhs_hint = false} : vector<512x128xbf16>, vector<128x128xbf16>, vector<512x128xf32> -> vector<512x128xf32>
    %get3A_18 = arith.constant 0 : index
    %get3A_19 = arith.constant 0 : index
    %get3A_20 = vector.load %arg6[%get3A_18, %get3A_19] : memref<1x128xf32, #tpu.memory_space<vmem>>, vector<1x128xf32>
    %add3A_21 = vector.broadcast %get3A_20 : vector<1x128xf32> to vector<512x128xf32>
    %add3A_22 = arith.addf %dot_general3A_17, %add3A_21 : vector<512x128xf32>
    %max3A = arith.constant 0.000000e+00 : f32
    %max3A_23 = vector.broadcast %max3A : f32 to vector<512x128xf32>
    %max3A_24 = arith.maximumf %add3A_22, %max3A_23 : vector<512x128xf32>
    %convert_element_type3A_25 = arith.truncf %max3A_24 : vector<512x128xf32> to vector<512x128xbf16>
    %convert_element_type3A_26 = arith.extf %convert_element_type3A_25 : vector<512x128xbf16> to vector<512x128xf32>
    %get3A_27 = arith.constant 0 : index
    %get3A_28 = arith.constant 0 : index
    %get3A_29 = vector.load %arg7[%get3A_27, %get3A_28] : memref<1x128xf32, #tpu.memory_space<vmem>>, vector<1x128xf32>
    %convert_element_type3A_30 = arith.truncf %get3A_29 : vector<1x128xf32> to vector<1x128xbf16>
    %convert_element_type3A_31 = arith.extf %convert_element_type3A_30 : vector<1x128xbf16> to vector<1x128xf32>
    %mul3A_32 = vector.broadcast %convert_element_type3A_31 : vector<1x128xf32> to vector<512x128xf32>
    %mul3A_33 = arith.mulf %convert_element_type3A_26, %mul3A_32 : vector<512x128xf32>
    %reduce_sum3A = arith.constant dense<0.000000e+00> : vector<512xf32>
    %reduce_sum3A_34 = vector.multi_reduction <add>, %mul3A_33, %reduce_sum3A [1] : vector<512x128xf32> to vector<512xf32>
    %broadcast_in_dim3A = vector.shape_cast %reduce_sum3A_34 : vector<512xf32> to vector<512x1xf32>
    %get3A_35 = arith.constant 0 : index
    %get3A_36 = arith.constant 0 : index
    %get3A_37 = vector.load %arg8[%get3A_35, %get3A_36] : memref<1x1xf32, #tpu.memory_space<vmem>>, vector<1x1xf32>
    %add3A_38 = vector.broadcast %get3A_37 : vector<1x1xf32> to vector<512x1xf32>
    %add3A_39 = arith.addf %broadcast_in_dim3A, %add3A_38 : vector<512x1xf32>
    %swap3A = arith.constant 0 : index
    %swap3A_40 = arith.constant 0 : index
    %swap3A_41 = vector.load %arg9[%swap3A, %swap3A_40] : memref<512x1xf32, #tpu.memory_space<vmem>>, vector<512x1xf32>
    tpu.vector_store %arg9[%swap3A, %swap3A_40], %add3A_39 {strides = array<i32>} : memref<512x1xf32, #tpu.memory_space<vmem>>, vector<512x1xf32>,
    return
  }
  func.func @transform_0(%arg0: i32) -> (i32, i32) {
    %c0_i32 = arith.constant 0 : i32
    %c0_i32_0 = arith.constant 0 : i32
    return %arg0, %c0_i32 : i32, i32
  }
  func.func @transform_1(%arg0: i32) -> (i32, i32) {
    %add3A = arith.constant 20 : i32
    %add3A_0 = arith.addi %add3A, %arg0 : i32
    %c0_i32 = arith.constant 0 : i32
    %c0_i32_1 = arith.constant 0 : i32
    return %add3A_0, %c0_i32 : i32, i32
  }
  func.func @transform_2(%arg0: i32) -> (i32, i32) {
    %c0_i32 = arith.constant 0 : i32
    %c0_i32_0 = arith.constant 0 : i32
    return %arg0, %c0_i32 : i32, i32
  }
  func.func @transform_3(%arg0: i32) -> (i32, i32) {
    %c0_i32 = arith.constant 0 : i32
    %c0_i32_0 = arith.constant 0 : i32
    return %arg0, %c0_i32 : i32, i32
  }
  func.func @transform_4(%arg0: i32) -> (i32, i32) {
    %c0_i32 = arith.constant 0 : i32
    %c0_i32_0 = arith.constant 0 : i32
    %c0_i32_1 = arith.constant 0 : i32
    return %c0_i32, %c0_i32_0 : i32, i32
  }
  func.func @transform_5(%arg0: i32) -> (i32, i32) {
    %c0_i32 = arith.constant 0 : i32
    %c0_i32_0 = arith.constant 0 : i32
    %c0_i32_1 = arith.constant 0 : i32
    return %c0_i32, %c0_i32_0 : i32, i32
  }
  func.func @transform_6(%arg0: i32) -> (i32, i32) {
    %c0_i32 = arith.constant 0 : i32
    %c0_i32_0 = arith.constant 0 : i32
    %c0_i32_1 = arith.constant 0 : i32
    return %c0_i32, %c0_i32_0 : i32, i32
  }
  func.func @transform_7(%arg0: i32) -> (i32, i32) {
    %c0_i32 = arith.constant 0 : i32
    %c0_i32_0 = arith.constant 0 : i32
    %c0_i32_1 = arith.constant 0 : i32
    return %c0_i32, %c0_i32_0 : i32, i32
  }
  func.func @transform_8(%arg0: i32) -> (i32, i32) {
    %c0_i32 = arith.constant 0 : i32
    %c0_i32_0 = arith.constant 0 : i32
    return %arg0, %c0_i32 : i32, i32
  }
}

</mosaic_0001>

<sc_bundles>
// kernel: kernel.11.cloned.1.call-start
scs
__scs_entry_jumppad:
0x0: {  	(pc) =	sbr.rel $0x88, $3  }
0x1: {  	(tag) =	ssettag $0x0;
	lr =	simm.s32 $0x1  }
0x2: {  	[smem:$0x3F99] =	sst lr;
	_ =	strace $0xD0000000  }
0x3: {  	_ = 	snop  }
0x4: {  	_ = 	snop  }
0x5: {  	_ = 	snop  }
0x6: {  	_ = 	snop  }
0x7: {  	_ = 	snop  }
__scs_overlays_trampoline_lowered:
0x8: {  	[smem:$0x3FA8] =	sst s0  }
0x9: {  	[smem:$0x3FA9] =	sst s1  }
0xa: {  	[smem:$0x3FAA] =	sst s2  }
0xb: {  	[smem:$0x3FAB] =	sst s3  }
0xc: {  	[smem:$0x3FAC] =	sst s4  }
0xd: {  	[smem:$0x3FAD] =	sst s5  }
0xe: {  	[smem:$0x3FAE] =	sst s6  }
0xf: {  	[smem:$0x3FAF] =	sst s7  }
0x10: {  	[smem:$0x3FB0] =	sst s8  }
0x11: {  	[smem:$0x3FB1] =	sst s9;
	s0 =	simm.s32 @!p0 $0x0  }
0x12: {  	s1 =	sld [smem:$0x3F97];
	s0 =	simm.s32 @p0 $0x1  }
0x13: {  	[smem:$0x3FB2] =	sst s0;
	s0 =	simm.s32 @!p1 $0x0  }
0x14: {  	s2 =	sld [smem:$0x3F96];
	s0 =	simm.s32 @p1 $0x1  }
0x15: {  	[smem:$0x3FB3] =	sst s0;
	s0 =	simm.s32 @!p2 $0x0  }
0x16: {  	s3 =	sld [smem:$0x3FDB];
	s0 =	simm.s32 @p2 $0x1  }
0x17: {  	s4 =	simm.s32 $0x1BF5;
	[smem:$0x3FB5] =	sst s0  }
0x18: {  	s0 =	sld [smem:$0x3F98];
	_ =	swait.ge [sflag:s4], $0x0  }
0x19: {  	s7 =	sld [smem:$0x3F99]  }
0x1a: {  	s8 =	sadd.s32 $0xFFFFE003, lr  }
0x1b: {  	s9 =	sadd.s32 $0xFFFFFEF7, lr;
	s5 =	simm.s32 $0xFFFFFFFF;
	p2 =	slt.u32 s8, $0xFFFFF086  }
0x1c: {  	p1 =	slt.u32 s9, $0xF7A;
	s5 =	simm.s32 @!p2 $0x0  }
0x1d: {  	s5 =	simm.s32 @p1 $0x1;
	p0 =	seq.s32 s7, s2  }
0x1e: {  	s7 =	smul.u32 @!p0 $0xF7A, s2;
	p2 =	seq.s32 @!p0 s5, $0x0  }
0x1f: {  	s9 =	smul.u32 $0xF7A, s1;
	s8 =	simm.s32 @!p0 $0x1BF5;
	p2 =	por !p2, p0  }
0x20: {  	[sflag:s8] =	ssyncset.s32 @!p0 $0xFFFFF086;
	s6 =	sadd.s32 @!p0 s3, s7;
	s7 =	simm.s32 @!p0 $0x108  }
0x21: {  	s3 =	sadd.s32 s3, s9;
	s6 =	sadd.s32 @!p0 $0x88, s6;
	s7 =	simm.s32 @p2 $0x1082  }
0x22: {  	[simem:s7], [sflag:s8] =	dma.local @!p0 [hbm:s6], $0xF7A  }
0x23: {  	s9 =	sor.u32 $0xD0000000, s2;
	s6 =	simm.s32 $0x108;
	_ =	swait.ge @!p0 [sflag:s8], $0x0  }
0x24: {  	s3 =	sadd.s32 $0x88, s3;
	s6 =	simm.s32 @!p1 $0x1082;
	[sflag:s4] =	ssyncset.s32 $0xFFFFF086  }
0x25: {  	[simem:s6], [sflag:s4] =	dma.local [hbm:s3], $0xF7A  }
0x26: {  	[smem:$0x3F99] =	sst s1;
	(tag) =	ssettag s2;
	_ =	strace s9  }
0x27: {  	s1 =	sld [smem:$0x3FA9]  }
0x28: {  	s2 =	sld [smem:$0x3FAA]  }
0x29: {  	s4 =	sld [smem:$0x3FAC]  }
0x2a: {  	p0 =	seq.s32 s5, $0x0;
	s5 =	sld [smem:$0x3FAD]  }
0x2b: {  	s6 =	sld [smem:$0x3FAE]  }
0x2c: {  	s7 =	sld [smem:$0x3FAF]  }
0x2d: {  	s3 =	simm.s32 $0x108;
	s8 =	sld [smem:$0x3FB0]  }
0x2e: {  	s3 =	simm.s32 @!p0 $0x1082;
	s9 =	sld [smem:$0x3FB1]  }
0x2f: {  	lr =	sadd.s32 s0, s3;
	s0 =	sld [smem:$0x3FA8]  }
0x30: {  	s3 =	sld [smem:$0x3FAB]  }
0x31: {  	[smem:$0x3FB4] =	sst s10  }
0x32: {  	s10 =	sld [smem:$0x3FB2];
	_ =	sdelay $0x3  }
0x33: {  	p0 =	seq.s32 s10, $0x1;
	s10 =	sld [smem:$0x3FB4];
	_ =	sdelay $0x3  }
0x34: {  	[smem:$0x3FB4] =	sst s10  }
0x35: {  	s10 =	sld [smem:$0x3FB3];
	_ =	sdelay $0x3  }
0x36: {  	p1 =	seq.s32 s10, $0x1;
	s10 =	sld [smem:$0x3FB4];
	_ =	sdelay $0x3  }
0x37: {  	[smem:$0x3FB4] =	sst s10  }
0x38: {  	s10 =	sld [smem:$0x3FB5]  }
0x39: {  	_ = 	snop;
	(pc) =	sbr.ind lr, $3  }
0x3a: {  	_ = 	snop  }
0x3b: {  	_ = 	snop  }
0x3c: {  	p2 =	seq.s32 s10, $0x1;
	s10 =	sld [smem:$0x3FB4]  }
0x3d: {  	_ =	shalt  }
0x3e: {  	_ =	shalt  }
0x3f: {  	_ =	shalt  }
0x40: {  	_ =	shalt  }
0x41: {  	_ =	shalt  }
0x42: {  	_ =	shalt  }
0x43: {  	_ =	shalt  }
0x44: {  	_ =	shalt  }
0x45: {  	_ =	shalt  }
0x46: {  	_ =	shalt  }
0x47: {  	_ =	shalt  }
0x48: {  	_ =	shalt  }
0x49: {  	_ =	shalt  }
0x4a: {  	_ =	shalt  }
0x4b: {  	_ =	shalt  }
0x4c: {  	_ =	shalt  }
0x4d: {  	_ =	shalt  }
0x4e: {  	_ =	shalt  }
0x4f: {  	_ =	shalt  }
0x50: {  	_ =	shalt  }
0x51: {  	_ =	shalt  }
0x52: {  	_ =	shalt  }
0x53: {  	_ =	shalt  }
0x54: {  	_ =	shalt  }
0x55: {  	_ =	shalt  }
0x56: {  	_ =	shalt  }
0x57: {  	_ =	shalt  }
0x58: {  	_ =	shalt  }
0x59: {  	_ =	shalt  }
0x5a: {  	_ =	shalt  }
0x5b: {  	_ =	shalt  }
0x5c: {  	_ =	shalt  }
0x5d: {  	_ =	shalt  }
0x5e: {  	_ =	shalt  }
0x5f: {  	_ =	shalt  }
0x60: {  	_ =	shalt  }
0x61: {  	_ =	shalt  }
0x62: {  	_ =	shalt  }
0x63: {  	_ =	shalt  }
0x64: {  	_ =	shalt  }
0x65: {  	_ =	shalt  }
0x66: {  	_ =	shalt  }
0x67: {  	_ =	shalt  }
0x68: {  	_ =	shalt  }
0x69: {  	_ =	shalt  }
0x6a: {  	_ =	shalt  }
0x6b: {  	_ =	shalt  }
0x6c: {  	_ =	shalt  }
0x6d: {  	_ =	shalt  }
0x6e: {  	_ =	shalt  }
0x6f: {  	_ =	shalt  }
0x70: {  	_ =	shalt  }
0x71: {  	_ =	shalt  }
0x72: {  	_ =	shalt  }
0x73: {  	_ =	shalt  }
0x74: {  	_ =	shalt  }
0x75: {  	_ =	shalt  }
0x76: {  	_ =	shalt  }
0x77: {  	_ =	shalt  }
0x78: {  	_ =	shalt  }
0x79: {  	_ =	shalt  }
0x7a: {  	_ =	shalt  }
0x7b: {  	_ =	shalt  }
0x7c: {  	_ =	shalt  }
0x7d: {  	_ =	shalt  }
0x7e: {  	_ =	shalt  }
0x7f: {  	_ =	shalt  }
0x80: {  	_ =	shalt  }
0x81: {  	_ =	shalt  }
0x82: {  	_ =	shalt  }
0x83: {  	_ =	shalt  }
0x84: {  	_ =	shalt  }
0x85: {  	_ =	shalt  }
0x86: {  	_ =	shalt  }
0x87: {  	_ =	shalt  }
.Lfunc_end0:
.L_simem_size_0:
called_computation.1_lowered:
.L_overlay_start_0:
0x88: {  	s2 =	sld [smem:$0x3FD9]  }
0x89: {  	s3 =	sld [smem:$0x3FFE];
	_ =	sdelay $0x1  }
0x8a: {  	s1 =	srdreg.scid  }
0x8b: {  	s0 =	sand.u32 $0x1, s1  }
0x8c: {  	s16 =	sshll.u32 s0, $0xA;
	s2 =	sadd.s32 s3, s2  }
0x8d: {  	s2 =	sadd.s32 s2, s16  }
0x8e: {  	[smem:$0x3FC0] =	sst s2  }
0x8f: {  	_ = 	snop  }
0x90: {  	(tm) =	ssettm $0x1  }
0x91: {  	s17 =	sld [smem:$0x3FFB];
	_ =	sdelay $0x3  }
0x92: {  	_ =	strace s17  }
0x93: {  	s2 =	sld [smem:$0x3FFC];
	_ =	sdelay $0x3  }
0x94: {  	_ =	strace s2  }
0x95: {  	s2 =	sld [smem:$0x3FFD];
	_ =	sdelay $0x3  }
0x96: {  	_ =	strace s2  }
0x97: {  	_ =	strace $0x8FFFFFFF  }
0x98: {  	s18 =	sld [smem:$0x3FDB];
	_ =	sdelay $0x1  }
0x99: {  	s19 =	simm.s32 $_scs_section_size  }
0x9a: {  	s4 =	simm.s32 $_size__tile_overlayer_lowered;
	s5 =	simm.s32 $_tile_overlayer_lowered  }
0x9b: {  	s22 =	simm.s32 $0x1BFF;
	s21 =	sshll.u32 s5, $0x1;
	s2 =	sadd.s32 s19, s18  }
0x9c: {  	s6 =	simm.s32 $0x0;
	s20 =	sshll.u32 s4, $0x1;
	s4 =	sadd.s32 s21, s2  }
0x9d: {  	[timem:s6], [sflag:s22] =	dma.local [hbm:s4], s20  }
0x9e: {  	_ =	swait.ge [sflag:s22], s20  }
0x9f: {  	s3 =	ssub.s32 $0x0, s20;
	[sflag:s22] =	ssyncset.done $0x0  }
0xa0: {  	[sflag:s22] =	ssyncadd.s32 s3;
	_ =	sdelay $0x1  }
0xa1: {  	s23 =	simm.s32 $0x1B8B  }
0xa2: {  	_ =	swait.ge [sflag:s23], $0x1  }
0xa3: {  	[sflag:s23] =	ssyncset.done $0x0  }
0xa4: {  	s25 =	simm.s32 $0x1B8E;
	s24 =	sld [smem:$0x3FFE];
	[sflag:s23] =	ssyncadd.s32 $0xFFFFFFFF  }
0xa5: {  	s26 =	simm.s32 $execute0_lowered;
	[smem:$0x3FD2] =	sst s25  }
0xa6: {  	s4 =	sshll.u32 s26, $0x1;
	_ =	strace $0x80000049;
	[dreg:$0x1] =	wrdreg $0xFFFFFFFF  }
0xa7: {  	s28 =	simm.s32 $_size_execute0_lowered;
	s2 =	sadd.s32 s2, s4;
	[dreg:$0x0] =	wrdreg $0x0  }
0xa8: {  	s4 =	sshll.u32 s28, $0x1;
	[dreg:$0x2] =	wrdreg s2  }
0xa9: {  	[dreg:$0x3] =	wrdreg s4  }
0xaa: {  	[dreg:$0x4] =	wrdreg $0xC0  }
0xab: {  	_ =	task [dreg:s6], $0x5FFFF  }
0xac: {  	[dreg:$0x1] =	wrdreg $0xFFFFFFFF  }
0xad: {  	[dreg:$0x0] =	wrdreg $0x60  }
0xae: {  	[dreg:$0x2] =	wrdreg s24  }
0xaf: {  	[dreg:$0x3] =	wrdreg $0xAA000  }
0xb0: {  	[dreg:$0x4] =	wrdreg $0x9  }
0xb1: {  	_ =	task.clear_ibuf [dreg:s6], $0x5FFFF;
	_ =	strace $0x90000049  }
0xb2: {  	s29 =	simm.s32 $0x9;
	_ =	strace $0x8000004B  }
0xb3: {  	_ =	swait.ge [sflag:s29], $0x1  }
0xb4: {  	[sflag:s29] =	ssyncadd.s32 $0xFFFFFFFF  }
0xb5: {  	_ =	strace $0x9000004B  }
0xb6: {  	_ =	sfence  }
0xb7: {  	s30 =	sld [smem:$0x0];
	_ =	sdelay $0x2  }
0xb8: {  	s31 =	sshll.u32 s1, $0xD;
	s1 =	sshrl.u32 s1, $0x2  }
0xb9: {  	s3 =	sand.u32 $0x4000, s31;
	s1 =	sadd.s32 s1, s30  }
0xba: {  	s0 =	sor.u32 s3, s0;
	s1 =	sshll.u32 s1, $0x11  }
0xbb: {  	s0 =	sor.u32 s1, s0  }
0xbc: {  	s0 =	sadd.s32 $0x8F2B, s0  }
0xbd: {  	[sflag:s0] =	ssyncadd.remote.s32 $0x1  }
0xbe: {  	_ =	sfence.sel $0xFFFF  }
0xbf: {  	[dreg:$0x0] =	wrdreg $0xFFFFFFFF;
	(pc) =	sbr.abs _section_cstart, $3  }
0xc0: {  	[dreg:$0x1] =	wrdreg $0xFFFFFFFF  }
0xc1: {  	_ =	task.clear_ibuf [dreg:s6], $0x2FFFF;
	_ =	strace $0x9FFFFFFF  }
0xc2: {  	(tm) =	ssettm $0x7FFFFFFF  }
0xc3: {  	_ =	shalt  }
tec
execute0_lowered:
.L_overlay_start_1:
0x0: {  	(tag) =	ssettag $0x1  }
0x1: {  	s0 =	srdreg.scid;
	s1 =	rddreg [dreg:$0x0]  }
0x2: {  	s11 =	stileid.u32;
	s2 =	rddreg [dreg:$0x1];
	s18 =	simm.s32 $0x2A00  }
0x3: {  	s28 =	simm.s32 $0x1;
	s29 =	simm.s32 $0x6;
	s7 =	smul.u32 $0x2800, s11  }
0x4: {  	s30 =	simm.s32 $0x2;
	s31 =	simm.s32 $0x3;
	s10 =	smul.u32 $0x50000, s11  }
0x5: {  	s0 =	sand.u32 $0x1, s0;
	s3 =	sshll.u32 s11, $0x1;
	s22 =	smul.u32 $0xA00, s11  }
0x6: {  	s9 =	sadd.s32 $0x2E00, s1;
	s4 =	sor.u32 s0, s3;
	s5 =	smul.u32 $0x28000, s0  }
0x7: {  	s3 =	simm.s32 $0x0;
	s19 =	ssub.s32 $0x2, s0;
	s0 =	smul.u32 $0x500, s0  }
0x8: {  	s6 =	smul.u32 $0x500, s4;
	[smem:$0x7FF] =	sst s3;
	s4 =	sadd.s32 $0x16E00, s1  }
0x9: {  	s20 =	sshrl.u32 s19, $0x1;
	s10 =	sshrl.u32 s10, $0x2;
	s26 =	sadd.s32 s22, s9  }
0xa: {  	s22 =	simm.s32 $0x2900;
	_ =	strace $0x8000004A;
	s5 =	sadd.s32 s7, s5  }
0xb: {  	s7 =	ssub.s32 s19, s20;
	s0 =	sadd.s32 s0, s26;
	s19 =	simm.s32 $0x7  }
0xc: {  	s20 =	simm.s32 $0x2800;
	s26 =	simm.s32 $0x5;
	s8 =	sadd.s32 s6, s1  }
0xd: {  	s1 =	sadd.s32 s5, s1;
	s5 =	sadd.s32 s10, s2;
	s25 =	smax.u32 s7, $0x1  }
0xe: {  	s6 =	sadd.s32 s9, s6;
	s8 =	sadd.s32 $0xCE00, s8;
	[dreg:$0x8] =	wrdreg s25  }
0xf: {  	s21 =	sadd.s32 $0x10, s6;
	s23 =	sadd.s32 $0x20, s6;
	[dreg:$0x3] =	wrdreg s8  }
0x10: {  	s24 =	sadd.s32 $0x30, s6;
	s1 =	sadd.s32 $0x3EE00, s1;
	[dreg:$0x4] =	wrdreg s21  }
.Ltmp0:
0x11: {  	s13 =	sadd.s32 $0x4000, s5;
	[dreg:$0x5] =	wrdreg s23;
	(pc) =	sbr.rel .LBB2_1-.Ltmp0, $4  }
0x12: {  	s14 =	sadd.s32 $0x8000, s5;
	s15 =	sadd.s32 $0xC000, s5;
	[dreg:$0x6] =	wrdreg s24  }
0x13: {  	s16 =	sadd.s32 $0x10000, s5;
	s25 =	simm.s32 $0x6A00;
	[dreg:$0x7] =	wrdreg s1  }
0x14: {  	s8 =	sadd.s32 $0x70, s0;
	s21 =	simm.s32 $0x2880;
	s23 =	simm.s32 $0x2980  }
0x15: {  	v0 =	vimm.f32 $0.0e+00;
	s24 =	simm.s32 $0x80;
	s1 =	simm.s32 $0x4;
	s0 =	simm.s32 $0x0  }
.LBB2_6:
0x16: {  	_ =	swait.ge [sflag:s29], $0x4000  }
0x17: {  	[sflag:s29] =	ssyncset.done $0x0  }
0x18: {  	[sflag:s29] =	ssyncadd.s32 $0xFFFFC000  }
0x19: {  	_ =	swait.ge [sflag:s1], $0x80  }
0x1a: {  	[sflag:s1] =	ssyncset.done $0x0  }
0x1b: {  	[sflag:s1] =	ssyncadd.s32 $0xFFFFFF80  }
0x1c: {  	[spmem:s2] =	stream.indirect.scatter.add.f32 [tilespmem:s25], [sflag:$0x7], $0x80, s23, s24, $0xb8;
	[tilespmem:$0x1EA00] =	vst v63  }
0x1d: {  	_ =	swait.ge [sflag:s19], $0x4000  }
0x1e: {  	[sflag:s19] =	ssyncset.done $0x0  }
0x1f: {  	s7 =	stileid.u32;
	[sflag:s19] =	ssyncadd.s32 $0xFFFFC000  }
0x20: {  	s7 =	sshll.u32 s7, $0x6;
	[bflag:$0x0] =	sbarrier.arrive $0xFFFF  }
0x21: {  	s9 =	sshrl.u32 s5, $0x3;
	s7 =	sor.u32 $0x1C07, s7;
	s10 =	rddreg [dreg:$0x7]  }
0x22: {  	[hbm:s10], [sflag:s7] =	dma.local [spmem:s9], $0x2800  }
0x23: {  	_ =	swait.ge [sflag:s19], $0x2800  }
0x24: {  	s0 =	sadd.s32 $0x1, s0;
	s17 =	rddreg [dreg:$0x8]  }
0x25: {  	p0 =	sne.s32 s0, s17  }
.Ltmp1:
0x26: {  	_ = 	snop;
	(pc) =	sbr.rel @!p0 .LBB2_7-.Ltmp1, $3  }
0x27: {  	_ =	sdelay $0x1  }
0x28: {  	[sflag:s19] =	ssyncset.done $0x0  }
0x29: {  	[sflag:s19] =	ssyncadd.s32 $0xFFFFD800  }
.LBB2_1:
0x2a: {  	s7 =	simm.s32 $0x0;
	s9 =	simm.s32 $0x200  }
.LBB2_2:
0x2b: {  	p0 =	sne.s32 s9, $0xFE00;
	[tilespmem:s7+$0x2A70] =	vst v0  }
0x2c: {  	[tilespmem:s7+$0x2A00] =	vst v0  }
0x2d: {  	[tilespmem:s7+$0x2A10] =	vst v0  }
.Ltmp2:
0x2e: {  	[tilespmem:s7+$0x2A20] =	vst v0;
	(pc) =	sbr.rel @p0 .LBB2_2-.Ltmp2, $4  }
0x2f: {  	[tilespmem:s7+$0x2A30] =	vst v0  }
0x30: {  	[tilespmem:s7+$0x2A40] =	vst v0  }
0x31: {  	[tilespmem:s7+$0x2A50] =	vst v0  }
0x32: {  	[tilespmem:s7+$0x2A60] =	vst v0;
	s7 =	sshra.s32 s9, $0x2;
	s9 =	sadd.s32 $0x200, s9  }
0x33: {  	[tilespmem:s7+$0x2A70] =	vst v0  }
0x34: {  	[tilespmem:s7+$0x2A00] =	vst v0  }
0x35: {  	[tilespmem:s7+$0x2A10] =	vst v0  }
0x36: {  	[tilespmem:s7+$0x2A20] =	vst v0  }
0x37: {  	[tilespmem:s7+$0x2A30] =	vst v0  }
0x38: {  	[tilespmem:s7+$0x2A40] =	vst v0  }
0x39: {  	[tilespmem:s7+$0x2A50] =	vst v0  }
0x3a: {  	[tilespmem:s7+$0x2A60] =	vst v0  }
0x3b: {  	[spmem:s5] =	stream.linear.scatter [tilespmem:s18], [sflag:$0x7], $0x4000, $0x38;
	[tilespmem:$0x1EA00] =	vst v63  }
0x3c: {  	_ =	swait.ge [sflag:s19], $0x4000  }
0x3d: {  	[sflag:s19] =	ssyncset.done $0x0  }
0x3e: {  	[sflag:s19] =	ssyncadd.s32 $0xFFFFC000  }
0x3f: {  	[spmem:s13] =	stream.linear.scatter [tilespmem:s18], [sflag:$0x7], $0x4000, $0x38;
	[tilespmem:$0x1EA00] =	vst v63  }
0x40: {  	_ =	swait.ge [sflag:s19], $0x4000  }
0x41: {  	[sflag:s19] =	ssyncset.done $0x0  }
0x42: {  	[sflag:s19] =	ssyncadd.s32 $0xFFFFC000  }
0x43: {  	[spmem:s14] =	stream.linear.scatter [tilespmem:s18], [sflag:$0x7], $0x4000, $0x38;
	[tilespmem:$0x1EA00] =	vst v63  }
0x44: {  	_ =	swait.ge [sflag:s19], $0x4000  }
0x45: {  	[sflag:s19] =	ssyncset.done $0x0  }
0x46: {  	[sflag:s19] =	ssyncadd.s32 $0xFFFFC000  }
0x47: {  	[spmem:s15] =	stream.linear.scatter [tilespmem:s18], [sflag:$0x7], $0x4000, $0x38;
	[tilespmem:$0x1EA00] =	vst v63  }
0x48: {  	_ =	swait.ge [sflag:s19], $0x4000  }
0x49: {  	[sflag:s19] =	ssyncset.done $0x0  }
0x4a: {  	[sflag:s19] =	ssyncadd.s32 $0xFFFFC000  }
0x4b: {  	[spmem:s16] =	stream.linear.scatter [tilespmem:s18], [sflag:$0x7], $0x4000, $0x38;
	[tilespmem:$0x1EA00] =	vst v63  }
0x4c: {  	_ =	swait.ge [sflag:s19], $0x4000  }
0x4d: {  	[sflag:s19] =	ssyncset.done $0x0  }
0x4e: {  	[sflag:s19] =	ssyncadd.s32 $0xFFFFC000  }
0x4f: {  	[bflag:$0x0] =	sbarrier.arrive $0xFFFF  }
0x50: {  	s7 =	simm.s32 $0x0;
	s9 =	rddreg [dreg:$0x3]  }
0x51: {  	[tilespmem:s7], [sflag:$0x7] =	stream.linear.gather [hbm4b:s9+s7], $0x2800, $0x38;
	[tilespmem:$0x1EA00] =	vst v63  }
0x52: {  	_ =	swait.ge [sflag:s19], $0x2800  }
0x53: {  	[sflag:s19] =	ssyncset.done $0x0  }
0x54: {  	[sflag:s19] =	ssyncadd.s32 $0xFFFFD800  }
0x55: {  	[tilespmem:s20], [sflag:$0x1] =	stream.linear.gather [hbm4b:s6+s7], $0x80, $0x38;
	[tilespmem:$0x1EA00] =	vst v63  }
0x56: {  	s11 =	rddreg [dreg:$0x4]  }
0x57: {  	[tilespmem:s21], [sflag:$0x2] =	stream.linear.gather [hbm4b:s11+s7], $0x80, $0x38;
	[tilespmem:$0x1EA00] =	vst v63  }
0x58: {  	s12 =	rddreg [dreg:$0x5]  }
0x59: {  	[tilespmem:s22], [sflag:$0x3] =	stream.linear.gather [hbm4b:s12+s7], $0x80, $0x38;
	[tilespmem:$0x1EA00] =	vst v63  }
0x5a: {  	s17 =	rddreg [dreg:$0x6]  }
0x5b: {  	[tilespmem:s23], [sflag:$0x4] =	stream.linear.gather [hbm4b:s17+s7], $0x80, $0x38;
	[tilespmem:$0x1EA00] =	vst v63  }
0x5c: {  	_ = 	snop  }
0x5d: {  	[tilespmem:s18], [sflag:$0x5] =	stream.indirect.gather [hbm4b:s4+s24], $0x80, s7, s24, $0xb8;
	[tilespmem:$0x1EA00] =	vst v63  }
0x5e: {  	s17 =	smov.u32 s8  }
0x5f: {  	[tilespmem:s25], [sflag:$0x6] =	stream.indirect.gather [hbm4b:s4+s24], $0x80, s24, s24, $0xb8;
	[tilespmem:$0x1EA00] =	vst v63  }
.LBB2_4:
0x60: {  	_ =	swait.ge [sflag:s26], $0x4000  }
0x61: {  	[sflag:s26] =	ssyncset.done $0x0  }
0x62: {  	[sflag:s26] =	ssyncadd.s32 $0xFFFFC000  }
0x63: {  	_ =	swait.ge [sflag:s28], $0x80  }
0x64: {  	[sflag:s28] =	ssyncset.done $0x0  }
0x65: {  	[sflag:s28] =	ssyncadd.s32 $0xFFFFFF80  }
0x66: {  	[spmem:s2] =	stream.indirect.scatter.add.f32 [tilespmem:s18], [sflag:$0x7], $0x80, s20, s24, $0xb8;
	[tilespmem:$0x1EA00] =	vst v63  }
0x67: {  	p0 =	seq.s32 s7, $0x9800;
	_ =	swait.ge [sflag:s19], $0x4000  }
0x68: {  	s9 =	sadd.s32 @!p0 $0xFFFFFFD0, s17;
	[sflag:s19] =	ssyncset.done $0x0  }
0x69: {  	s10 =	simm.s32 @!p0 $0x0;
	s11 =	simm.s32 @!p0 $0x2800;
	[sflag:s19] =	ssyncadd.s32 $0xFFFFC000  }
0x6a: {  	[tilespmem:s11], [sflag:$0x1] =	stream.linear.gather @!p0 [hbm4b:s9+s10], $0x80, $0x38;
	[tilespmem:$0x1EA00] =	vst v63  }
0x6b: {  	s9 =	sshra.s32 s7, $0x2  }
0x6c: {  	s12 =	sadd.s32 $0x100, s9  }
0x6d: {  	[tilespmem:s18], [sflag:$0x5] =	stream.indirect.gather [hbm4b:s4+s24], $0x80, s12, s24, $0xb8;
	[tilespmem:$0x1EA00] =	vst v63  }
0x6e: {  	_ =	swait.ge [sflag:s29], $0x4000  }
0x6f: {  	[sflag:s29] =	ssyncset.done $0x0  }
0x70: {  	[sflag:s29] =	ssyncadd.s32 $0xFFFFC000  }
0x71: {  	_ =	swait.ge [sflag:s30], $0x80  }
0x72: {  	[sflag:s30] =	ssyncset.done $0x0  }
0x73: {  	[sflag:s30] =	ssyncadd.s32 $0xFFFFFF80  }
0x74: {  	[spmem:s2] =	stream.indirect.scatter.add.f32 [tilespmem:s25], [sflag:$0x7], $0x80, s21, s24, $0xb8;
	[tilespmem:$0x1EA00] =	vst v63  }
0x75: {  	_ =	swait.ge [sflag:s19], $0x4000  }
0x76: {  	[sflag:s19] =	ssyncset.done $0x0  }
0x77: {  	s11 =	sadd.s32 @!p0 $0xFFFFFFE0, s17;
	s12 =	simm.s32 @!p0 $0x2880;
	[sflag:s19] =	ssyncadd.s32 $0xFFFFC000  }
0x78: {  	[tilespmem:s12], [sflag:$0x2] =	stream.linear.gather @!p0 [hbm4b:s11+s10], $0x80, $0x38;
	[tilespmem:$0x1EA00] =	vst v63  }
0x79: {  	s12 =	sadd.s32 $0x180, s9  }
0x7a: {  	[tilespmem:s25], [sflag:$0x6] =	stream.indirect.gather [hbm4b:s4+s24], $0x80, s12, s24, $0xb8;
	[tilespmem:$0x1EA00] =	vst v63  }
0x7b: {  	_ =	swait.ge [sflag:s26], $0x4000  }
0x7c: {  	[sflag:s26] =	ssyncset.done $0x0  }
0x7d: {  	[sflag:s26] =	ssyncadd.s32 $0xFFFFC000  }
0x7e: {  	_ =	swait.ge [sflag:s31], $0x80  }
0x7f: {  	[sflag:s31] =	ssyncset.done $0x0  }
.Ltmp3:
0x80: {  	[sflag:s31] =	ssyncadd.s32 $0xFFFFFF80;
	(pc) =	sbr.rel @p0 .LBB2_6-.Ltmp3, $4  }
0x81: {  	[spmem:s2] =	stream.indirect.scatter.add.f32 [tilespmem:s18], [sflag:$0x7], $0x80, s22, s24, $0xb8;
	[tilespmem:$0x1EA00] =	vst v63  }
0x82: {  	_ =	swait.ge [sflag:s19], $0x4000  }
0x83: {  	[sflag:s19] =	ssyncset.done $0x0  }
0x84: {  	[sflag:s19] =	ssyncadd.s32 $0xFFFFC000  }
0x85: {  	s10 =	sadd.s32 $0xFFFFFFF0, s17  }
0x86: {  	[tilespmem:s22], [sflag:$0x3] =	stream.linear.gather [hbm4b:s10+s3], $0x80, $0x38;
	[tilespmem:$0x1EA00] =	vst v63  }
0x87: {  	s11 =	sadd.s32 $0x200, s9  }
0x88: {  	[tilespmem:s18], [sflag:$0x5] =	stream.indirect.gather [hbm4b:s4+s24], $0x80, s11, s24, $0xb8;
	[tilespmem:$0x1EA00] =	vst v63  }
0x89: {  	_ =	swait.ge [sflag:s29], $0x4000  }
0x8a: {  	[sflag:s29] =	ssyncset.done $0x0  }
0x8b: {  	[sflag:s29] =	ssyncadd.s32 $0xFFFFC000  }
0x8c: {  	_ =	swait.ge [sflag:s1], $0x80  }
0x8d: {  	[sflag:s1] =	ssyncset.done $0x0  }
0x8e: {  	[sflag:s1] =	ssyncadd.s32 $0xFFFFFF80  }
0x8f: {  	[spmem:s2] =	stream.indirect.scatter.add.f32 [tilespmem:s25], [sflag:$0x7], $0x80, s23, s24, $0xb8;
	[tilespmem:$0x1EA00] =	vst v63  }
0x90: {  	_ =	swait.ge [sflag:s19], $0x4000  }
.Ltmp4:
0x91: {  	[sflag:s19] =	ssyncset.done $0x0;
	(pc) =	sbr.rel .LBB2_4-.Ltmp4, $4  }
0x92: {  	[sflag:s19] =	ssyncadd.s32 $0xFFFFC000  }
0x93: {  	[tilespmem:s23], [sflag:$0x4] =	stream.linear.gather [hbm4b:s17+s3], $0x80, $0x38;
	[tilespmem:$0x1EA00] =	vst v63  }
0x94: {  	s12 =	sadd.s32 $0x280, s9;
	s7 =	sadd.s32 $0x800, s7;
	s17 =	sadd.s32 $0x40, s17  }
0x95: {  	[tilespmem:s25], [sflag:$0x6] =	stream.indirect.gather [hbm4b:s4+s24], $0x80, s12, s24, $0xb8;
	[tilespmem:$0x1EA00] =	vst v63  }
.LBB2_7:
0x96: {  	_ =	sfence.sel $0x180000  }
0x97: {  	[bflag:$0x0] =	sbarrier.arrive $0xFFFF  }
0x98: {  	_ =	strace $0x9000004A  }
0x99: {  	s0 =	stileid.u32;
	[bflag:$0x2] =	sbarrier.arrive $0xFFFF  }
0x9a: {  	p0 =	sne.s32 s0, $0x0;
	s0 =	rddreg [dreg:$0x2]  }
0x9b: {  	s0 =	sadd.s32 @!p0 $0x100000, s0  }
0x9c: {  	[sflag:s0] =	ssyncadd.tile.s32 @!p0 $0x1;
	_ =	shalt  }
.Lfunc_end2:
_tile_overlayer_lowered:
.L_overlay_start_2:
0x9d: {  	(tag) =	ssettag $0x2  }
0x9e: {  	s0 =	rddreg [dreg:$0x0];
	s2 =	stileid.u32  }
0x9f: {  	s1 =	rddreg [dreg:$0x1];
	p0 =	sne.s32 s2, $0x0  }
0xa0: {  	s3 =	rddreg [dreg:$0x2];
	[bflag:$0x3] =	sbarrier.arrive $0xFFFF;
	s2 =	simm.s32 @!p0 $0x1C07  }
0xa1: {  	[timem:s3], [sflag:s2] =	dma.local @!p0 [hbm:s0], s1  }
0xa2: {  	s0 =	simm.s32 @!p0 $0x7  }
0xa3: {  	_ =	swait.ge @!p0 [sflag:s0], s1  }
0xa4: {  	s1 =	ssub.s32 @!p0 $0x0, s1;
	[sflag:s0] =	ssyncset.done @!p0 $0x0  }
0xa5: {  	[sflag:s0] =	ssyncadd.s32 @!p0 s1  }
0xa6: {  	[bflag:$0x3] =	sbarrier.arrive $0xFFFF  }
0xa7: {  	_ =	shalt  }

// kernel: kernel.14.cloned.1.call-start
scs
__scs_entry_jumppad:
0x0: {  	(pc) =	sbr.rel $0x88, $3  }
0x1: {  	(tag) =	ssettag $0x0;
	lr =	simm.s32 $0x1  }
0x2: {  	[smem:$0x3F99] =	sst lr;
	_ =	strace $0xD0000000  }
0x3: {  	_ = 	snop  }
0x4: {  	_ = 	snop  }
0x5: {  	_ = 	snop  }
0x6: {  	_ = 	snop  }
0x7: {  	_ = 	snop  }
__scs_overlays_trampoline_lowered:
0x8: {  	[smem:$0x3FA8] =	sst s0  }
0x9: {  	[smem:$0x3FA9] =	sst s1  }
0xa: {  	[smem:$0x3FAA] =	sst s2  }
0xb: {  	[smem:$0x3FAB] =	sst s3  }
0xc: {  	[smem:$0x3FAC] =	sst s4  }
0xd: {  	[smem:$0x3FAD] =	sst s5  }
0xe: {  	[smem:$0x3FAE] =	sst s6  }
0xf: {  	[smem:$0x3FAF] =	sst s7  }
0x10: {  	[smem:$0x3FB0] =	sst s8  }
0x11: {  	[smem:$0x3FB1] =	sst s9;
	s0 =	simm.s32 @!p0 $0x0  }
0x12: {  	s1 =	sld [smem:$0x3F97];
	s0 =	simm.s32 @p0 $0x1  }
0x13: {  	[smem:$0x3FB2] =	sst s0;
	s0 =	simm.s32 @!p1 $0x0  }
0x14: {  	s2 =	sld [smem:$0x3F96];
	s0 =	simm.s32 @p1 $0x1  }
0x15: {  	[smem:$0x3FB3] =	sst s0;
	s0 =	simm.s32 @!p2 $0x0  }
0x16: {  	s3 =	sld [smem:$0x3FDB];
	s0 =	simm.s32 @p2 $0x1  }
0x17: {  	s4 =	simm.s32 $0x1BF5;
	[smem:$0x3FB5] =	sst s0  }
0x18: {  	s0 =	sld [smem:$0x3F98];
	_ =	swait.ge [sflag:s4], $0x0  }
0x19: {  	s7 =	sld [smem:$0x3F99]  }
0x1a: {  	s8 =	sadd.s32 $0xFFFFE003, lr  }
0x1b: {  	s9 =	sadd.s32 $0xFFFFFEF7, lr;
	s5 =	simm.s32 $0xFFFFFFFF;
	p2 =	slt.u32 s8, $0xFFFFF086  }
0x1c: {  	p1 =	slt.u32 s9, $0xF7A;
	s5 =	simm.s32 @!p2 $0x0  }
0x1d: {  	s5 =	simm.s32 @p1 $0x1;
	p0 =	seq.s32 s7, s2  }
0x1e: {  	s7 =	smul.u32 @!p0 $0xF7A, s2;
	p2 =	seq.s32 @!p0 s5, $0x0  }
0x1f: {  	s9 =	smul.u32 $0xF7A, s1;
	s8 =	simm.s32 @!p0 $0x1BF5;
	p2 =	por !p2, p0  }
0x20: {  	[sflag:s8] =	ssyncset.s32 @!p0 $0xFFFFF086;
	s6 =	sadd.s32 @!p0 s3, s7;
	s7 =	simm.s32 @!p0 $0x108  }
0x21: {  	s3 =	sadd.s32 s3, s9;
	s6 =	sadd.s32 @!p0 $0x88, s6;
	s7 =	simm.s32 @p2 $0x1082  }
0x22: {  	[simem:s7], [sflag:s8] =	dma.local @!p0 [hbm:s6], $0xF7A  }
0x23: {  	s9 =	sor.u32 $0xD0000000, s2;
	s6 =	simm.s32 $0x108;
	_ =	swait.ge @!p0 [sflag:s8], $0x0  }
0x24: {  	s3 =	sadd.s32 $0x88, s3;
	s6 =	simm.s32 @!p1 $0x1082;
	[sflag:s4] =	ssyncset.s32 $0xFFFFF086  }
0x25: {  	[simem:s6], [sflag:s4] =	dma.local [hbm:s3], $0xF7A  }
0x26: {  	[smem:$0x3F99] =	sst s1;
	(tag) =	ssettag s2;
	_ =	strace s9  }
0x27: {  	s1 =	sld [smem:$0x3FA9]  }
0x28: {  	s2 =	sld [smem:$0x3FAA]  }
0x29: {  	s4 =	sld [smem:$0x3FAC]  }
0x2a: {  	p0 =	seq.s32 s5, $0x0;
	s5 =	sld [smem:$0x3FAD]  }
0x2b: {  	s6 =	sld [smem:$0x3FAE]  }
0x2c: {  	s7 =	sld [smem:$0x3FAF]  }
0x2d: {  	s3 =	simm.s32 $0x108;
	s8 =	sld [smem:$0x3FB0]  }
0x2e: {  	s3 =	simm.s32 @!p0 $0x1082;
	s9 =	sld [smem:$0x3FB1]  }
0x2f: {  	lr =	sadd.s32 s0, s3;
	s0 =	sld [smem:$0x3FA8]  }
0x30: {  	s3 =	sld [smem:$0x3FAB]  }
0x31: {  	[smem:$0x3FB4] =	sst s10  }
0x32: {  	s10 =	sld [smem:$0x3FB2];
	_ =	sdelay $0x3  }
0x33: {  	p0 =	seq.s32 s10, $0x1;
	s10 =	sld [smem:$0x3FB4];
	_ =	sdelay $0x3  }
0x34: {  	[smem:$0x3FB4] =	sst s10  }
0x35: {  	s10 =	sld [smem:$0x3FB3];
	_ =	sdelay $0x3  }
0x36: {  	p1 =	seq.s32 s10, $0x1;
	s10 =	sld [smem:$0x3FB4];
	_ =	sdelay $0x3  }
0x37: {  	[smem:$0x3FB4] =	sst s10  }
0x38: {  	s10 =	sld [smem:$0x3FB5]  }
0x39: {  	_ = 	snop;
	(pc) =	sbr.ind lr, $3  }
0x3a: {  	_ = 	snop  }
0x3b: {  	_ = 	snop  }
0x3c: {  	p2 =	seq.s32 s10, $0x1;
	s10 =	sld [smem:$0x3FB4]  }
0x3d: {  	_ =	shalt  }
0x3e: {  	_ =	shalt  }
0x3f: {  	_ =	shalt  }
0x40: {  	_ =	shalt  }
0x41: {  	_ =	shalt  }
0x42: {  	_ =	shalt  }
0x43: {  	_ =	shalt  }
0x44: {  	_ =	shalt  }
0x45: {  	_ =	shalt  }
0x46: {  	_ =	shalt  }
0x47: {  	_ =	shalt  }
0x48: {  	_ =	shalt  }
0x49: {  	_ =	shalt  }
0x4a: {  	_ =	shalt  }
0x4b: {  	_ =	shalt  }
0x4c: {  	_ =	shalt  }
0x4d: {  	_ =	shalt  }
0x4e: {  	_ =	shalt  }
0x4f: {  	_ =	shalt  }
0x50: {  	_ =	shalt  }
0x51: {  	_ =	shalt  }
0x52: {  	_ =	shalt  }
0x53: {  	_ =	shalt  }
0x54: {  	_ =	shalt  }
0x55: {  	_ =	shalt  }
0x56: {  	_ =	shalt  }
0x57: {  	_ =	shalt  }
0x58: {  	_ =	shalt  }
0x59: {  	_ =	shalt  }
0x5a: {  	_ =	shalt  }
0x5b: {  	_ =	shalt  }
0x5c: {  	_ =	shalt  }
0x5d: {  	_ =	shalt  }
0x5e: {  	_ =	shalt  }
0x5f: {  	_ =	shalt  }
0x60: {  	_ =	shalt  }
0x61: {  	_ =	shalt  }
0x62: {  	_ =	shalt  }
0x63: {  	_ =	shalt  }
0x64: {  	_ =	shalt  }
0x65: {  	_ =	shalt  }
0x66: {  	_ =	shalt  }
0x67: {  	_ =	shalt  }
0x68: {  	_ =	shalt  }
0x69: {  	_ =	shalt  }
0x6a: {  	_ =	shalt  }
0x6b: {  	_ =	shalt  }
0x6c: {  	_ =	shalt  }
0x6d: {  	_ =	shalt  }
0x6e: {  	_ =	shalt  }
0x6f: {  	_ =	shalt  }
0x70: {  	_ =	shalt  }
0x71: {  	_ =	shalt  }
0x72: {  	_ =	shalt  }
0x73: {  	_ =	shalt  }
0x74: {  	_ =	shalt  }
0x75: {  	_ =	shalt  }
0x76: {  	_ =	shalt  }
0x77: {  	_ =	shalt  }
0x78: {  	_ =	shalt  }
0x79: {  	_ =	shalt  }
0x7a: {  	_ =	shalt  }
0x7b: {  	_ =	shalt  }
0x7c: {  	_ =	shalt  }
0x7d: {  	_ =	shalt  }
0x7e: {  	_ =	shalt  }
0x7f: {  	_ =	shalt  }
0x80: {  	_ =	shalt  }
0x81: {  	_ =	shalt  }
0x82: {  	_ =	shalt  }
0x83: {  	_ =	shalt  }
0x84: {  	_ =	shalt  }
0x85: {  	_ =	shalt  }
0x86: {  	_ =	shalt  }
0x87: {  	_ =	shalt  }
.Lfunc_end0:
.L_simem_size_0:
called_computation.2_lowered:
.L_overlay_start_0:
0x88: {  	s2 =	sld [smem:$0x3FD9]  }
0x89: {  	s3 =	sld [smem:$0x3FFE];
	_ =	sdelay $0x1  }
0x8a: {  	s1 =	srdreg.scid  }
0x8b: {  	s0 =	sand.u32 $0x1, s1  }
0x8c: {  	s16 =	sshll.u32 s0, $0xA;
	s2 =	sadd.s32 s3, s2  }
0x8d: {  	s2 =	sadd.s32 s2, s16  }
0x8e: {  	[smem:$0x3FC0] =	sst s2  }
0x8f: {  	_ = 	snop  }
0x90: {  	(tm) =	ssettm $0x1  }
0x91: {  	s17 =	sld [smem:$0x3FFB];
	_ =	sdelay $0x3  }
0x92: {  	_ =	strace s17  }
0x93: {  	s2 =	sld [smem:$0x3FFC];
	_ =	sdelay $0x3  }
0x94: {  	_ =	strace s2  }
0x95: {  	s2 =	sld [smem:$0x3FFD];
	_ =	sdelay $0x3  }
0x96: {  	_ =	strace s2  }
0x97: {  	_ =	strace $0x8FFFFFFF  }
0x98: {  	s18 =	sld [smem:$0x3FDB];
	_ =	sdelay $0x1  }
0x99: {  	s19 =	simm.s32 $_scs_section_size  }
0x9a: {  	s4 =	simm.s32 $_size__tile_overlayer_lowered;
	s5 =	simm.s32 $_tile_overlayer_lowered  }
0x9b: {  	s22 =	simm.s32 $0x1BFF;
	s21 =	sshll.u32 s5, $0x1;
	s2 =	sadd.s32 s19, s18  }
0x9c: {  	s6 =	simm.s32 $0x0;
	s20 =	sshll.u32 s4, $0x1;
	s4 =	sadd.s32 s21, s2  }
0x9d: {  	[timem:s6], [sflag:s22] =	dma.local [hbm:s4], s20  }
0x9e: {  	_ =	swait.ge [sflag:s22], s20  }
0x9f: {  	s3 =	ssub.s32 $0x0, s20;
	[sflag:s22] =	ssyncset.done $0x0  }
0xa0: {  	[sflag:s22] =	ssyncadd.s32 s3;
	_ =	sdelay $0x1  }
0xa1: {  	s23 =	simm.s32 $0x1B8B  }
0xa2: {  	_ =	swait.ge [sflag:s23], $0x1  }
0xa3: {  	[sflag:s23] =	ssyncset.done $0x0  }
0xa4: {  	s25 =	simm.s32 $0x1B8E;
	s24 =	sld [smem:$0x3FFE];
	[sflag:s23] =	ssyncadd.s32 $0xFFFFFFFF  }
0xa5: {  	s26 =	simm.s32 $execute0_lowered;
	[smem:$0x3FD2] =	sst s25  }
0xa6: {  	s4 =	sshll.u32 s26, $0x1;
	_ =	strace $0x8000004C;
	[dreg:$0x1] =	wrdreg $0xFFFFFFFF  }
0xa7: {  	s28 =	simm.s32 $_size_execute0_lowered;
	s2 =	sadd.s32 s2, s4;
	[dreg:$0x0] =	wrdreg $0x0  }
0xa8: {  	s4 =	sshll.u32 s28, $0x1;
	[dreg:$0x2] =	wrdreg s2  }
0xa9: {  	[dreg:$0x3] =	wrdreg s4  }
0xaa: {  	[dreg:$0x4] =	wrdreg $0xC0  }
0xab: {  	_ =	task [dreg:s6], $0x5FFFF  }
0xac: {  	[dreg:$0x1] =	wrdreg $0xFFFFFFFF  }
0xad: {  	[dreg:$0x0] =	wrdreg $0x60  }
0xae: {  	[dreg:$0x2] =	wrdreg s24  }
0xaf: {  	[dreg:$0x3] =	wrdreg $0xAA000  }
0xb0: {  	[dreg:$0x4] =	wrdreg $0x9  }
0xb1: {  	_ =	task.clear_ibuf [dreg:s6], $0x5FFFF;
	_ =	strace $0x9000004C  }
0xb2: {  	s29 =	simm.s32 $0x9;
	_ =	strace $0x8000004E  }
0xb3: {  	_ =	swait.ge [sflag:s29], $0x1  }
0xb4: {  	[sflag:s29] =	ssyncadd.s32 $0xFFFFFFFF  }
0xb5: {  	_ =	strace $0x9000004E  }
0xb6: {  	_ =	sfence  }
0xb7: {  	s30 =	sld [smem:$0x0];
	_ =	sdelay $0x2  }
0xb8: {  	s31 =	sshll.u32 s1, $0xD;
	s1 =	sshrl.u32 s1, $0x2  }
0xb9: {  	s3 =	sand.u32 $0x4000, s31;
	s1 =	sadd.s32 s1, s30  }
0xba: {  	s0 =	sor.u32 s3, s0;
	s1 =	sshll.u32 s1, $0x11  }
0xbb: {  	s0 =	sor.u32 s1, s0  }
0xbc: {  	s0 =	sadd.s32 $0x8F2B, s0  }
0xbd: {  	[sflag:s0] =	ssyncadd.remote.s32 $0x1  }
0xbe: {  	_ =	sfence.sel $0xFFFF  }
0xbf: {  	[dreg:$0x0] =	wrdreg $0xFFFFFFFF;
	(pc) =	sbr.abs _section_cstart, $3  }
0xc0: {  	[dreg:$0x1] =	wrdreg $0xFFFFFFFF  }
0xc1: {  	_ =	task.clear_ibuf [dreg:s6], $0x2FFFF;
	_ =	strace $0x9FFFFFFF  }
0xc2: {  	(tm) =	ssettm $0x7FFFFFFF  }
0xc3: {  	_ =	shalt  }
tec
execute0_lowered:
.L_overlay_start_1:
0x0: {  	(tag) =	ssettag $0x1  }
0x1: {  	s0 =	srdreg.scid;
	s1 =	rddreg [dreg:$0x0]  }
0x2: {  	s11 =	stileid.u32;
	s2 =	rddreg [dreg:$0x1];
	s18 =	simm.s32 $0x2A00  }
0x3: {  	s28 =	simm.s32 $0x1;
	s29 =	simm.s32 $0x6;
	s7 =	smul.u32 $0x2800, s11  }
0x4: {  	s30 =	simm.s32 $0x2;
	s31 =	simm.s32 $0x3;
	s10 =	smul.u32 $0x50000, s11  }
0x5: {  	s0 =	sand.u32 $0x1, s0;
	s3 =	sshll.u32 s11, $0x1;
	s22 =	smul.u32 $0xA00, s11  }
0x6: {  	s9 =	sadd.s32 $0x2E00, s1;
	s4 =	sor.u32 s0, s3;
	s5 =	smul.u32 $0x28000, s0  }
0x7: {  	s3 =	simm.s32 $0x0;
	s19 =	ssub.s32 $0x2, s0;
	s0 =	smul.u32 $0x500, s0  }
0x8: {  	s6 =	smul.u32 $0x500, s4;
	[smem:$0x7FF] =	sst s3;
	s4 =	sadd.s32 $0x16E00, s1  }
0x9: {  	s20 =	sshrl.u32 s19, $0x1;
	s10 =	sshrl.u32 s10, $0x2;
	s26 =	sadd.s32 s22, s9  }
0xa: {  	s22 =	simm.s32 $0x2900;
	_ =	strace $0x8000004D;
	s5 =	sadd.s32 s7, s5  }
0xb: {  	s7 =	ssub.s32 s19, s20;
	s0 =	sadd.s32 s0, s26;
	s19 =	simm.s32 $0x7  }
0xc: {  	s20 =	simm.s32 $0x2800;
	s26 =	simm.s32 $0x5;
	s8 =	sadd.s32 s6, s1  }
0xd: {  	s1 =	sadd.s32 s5, s1;
	s5 =	sadd.s32 s10, s2;
	s25 =	smax.u32 s7, $0x1  }
0xe: {  	s6 =	sadd.s32 s9, s6;
	s8 =	sadd.s32 $0xCE00, s8;
	[dreg:$0x8] =	wrdreg s25  }
0xf: {  	s21 =	sadd.s32 $0x10, s6;
	s23 =	sadd.s32 $0x20, s6;
	[dreg:$0x3] =	wrdreg s8  }
0x10: {  	s24 =	sadd.s32 $0x30, s6;
	s1 =	sadd.s32 $0x3EE00, s1;
	[dreg:$0x4] =	wrdreg s21  }
.Ltmp0:
0x11: {  	s13 =	sadd.s32 $0x4000, s5;
	[dreg:$0x5] =	wrdreg s23;
	(pc) =	sbr.rel .LBB2_1-.Ltmp0, $4  }
0x12: {  	s14 =	sadd.s32 $0x8000, s5;
	s15 =	sadd.s32 $0xC000, s5;
	[dreg:$0x6] =	wrdreg s24  }
0x13: {  	s16 =	sadd.s32 $0x10000, s5;
	s25 =	simm.s32 $0x6A00;
	[dreg:$0x7] =	wrdreg s1  }
0x14: {  	s8 =	sadd.s32 $0x70, s0;
	s21 =	simm.s32 $0x2880;
	s23 =	simm.s32 $0x2980  }
0x15: {  	v0 =	vimm.f32 $0.0e+00;
	s24 =	simm.s32 $0x80;
	s1 =	simm.s32 $0x4;
	s0 =	simm.s32 $0x0  }
.LBB2_6:
0x16: {  	_ =	swait.ge [sflag:s29], $0x4000  }
0x17: {  	[sflag:s29] =	ssyncset.done $0x0  }
0x18: {  	[sflag:s29] =	ssyncadd.s32 $0xFFFFC000  }
0x19: {  	_ =	swait.ge [sflag:s1], $0x80  }
0x1a: {  	[sflag:s1] =	ssyncset.done $0x0  }
0x1b: {  	[sflag:s1] =	ssyncadd.s32 $0xFFFFFF80  }
0x1c: {  	[spmem:s2] =	stream.indirect.scatter.add.f32 [tilespmem:s25], [sflag:$0x7], $0x80, s23, s24, $0xb8;
	[tilespmem:$0x1EA00] =	vst v63  }
0x1d: {  	_ =	swait.ge [sflag:s19], $0x4000  }
0x1e: {  	[sflag:s19] =	ssyncset.done $0x0  }
0x1f: {  	s7 =	stileid.u32;
	[sflag:s19] =	ssyncadd.s32 $0xFFFFC000  }
0x20: {  	s7 =	sshll.u32 s7, $0x6;
	[bflag:$0x0] =	sbarrier.arrive $0xFFFF  }
0x21: {  	s9 =	sshrl.u32 s5, $0x3;
	s7 =	sor.u32 $0x1C07, s7;
	s10 =	rddreg [dreg:$0x7]  }
0x22: {  	[hbm:s10], [sflag:s7] =	dma.local [spmem:s9], $0x2800  }
0x23: {  	_ =	swait.ge [sflag:s19], $0x2800  }
0x24: {  	s0 =	sadd.s32 $0x1, s0;
	s17 =	rddreg [dreg:$0x8]  }
0x25: {  	p0 =	sne.s32 s0, s17  }
.Ltmp1:
0x26: {  	_ = 	snop;
	(pc) =	sbr.rel @!p0 .LBB2_7-.Ltmp1, $3  }
0x27: {  	_ =	sdelay $0x1  }
0x28: {  	[sflag:s19] =	ssyncset.done $0x0  }
0x29: {  	[sflag:s19] =	ssyncadd.s32 $0xFFFFD800  }
.LBB2_1:
0x2a: {  	s7 =	simm.s32 $0x0;
	s9 =	simm.s32 $0x200  }
.LBB2_2:
0x2b: {  	p0 =	sne.s32 s9, $0xFE00;
	[tilespmem:s7+$0x2A70] =	vst v0  }
0x2c: {  	[tilespmem:s7+$0x2A00] =	vst v0  }
0x2d: {  	[tilespmem:s7+$0x2A10] =	vst v0  }
.Ltmp2:
0x2e: {  	[tilespmem:s7+$0x2A20] =	vst v0;
	(pc) =	sbr.rel @p0 .LBB2_2-.Ltmp2, $4  }
0x2f: {  	[tilespmem:s7+$0x2A30] =	vst v0  }
0x30: {  	[tilespmem:s7+$0x2A40] =	vst v0  }
0x31: {  	[tilespmem:s7+$0x2A50] =	vst v0  }
0x32: {  	[tilespmem:s7+$0x2A60] =	vst v0;
	s7 =	sshra.s32 s9, $0x2;
	s9 =	sadd.s32 $0x200, s9  }
0x33: {  	[tilespmem:s7+$0x2A70] =	vst v0  }
0x34: {  	[tilespmem:s7+$0x2A00] =	vst v0  }
0x35: {  	[tilespmem:s7+$0x2A10] =	vst v0  }
0x36: {  	[tilespmem:s7+$0x2A20] =	vst v0  }
0x37: {  	[tilespmem:s7+$0x2A30] =	vst v0  }
0x38: {  	[tilespmem:s7+$0x2A40] =	vst v0  }
0x39: {  	[tilespmem:s7+$0x2A50] =	vst v0  }
0x3a: {  	[tilespmem:s7+$0x2A60] =	vst v0  }
0x3b: {  	[spmem:s5] =	stream.linear.scatter [tilespmem:s18], [sflag:$0x7], $0x4000, $0x38;
	[tilespmem:$0x1EA00] =	vst v63  }
0x3c: {  	_ =	swait.ge [sflag:s19], $0x4000  }
0x3d: {  	[sflag:s19] =	ssyncset.done $0x0  }
0x3e: {  	[sflag:s19] =	ssyncadd.s32 $0xFFFFC000  }
0x3f: {  	[spmem:s13] =	stream.linear.scatter [tilespmem:s18], [sflag:$0x7], $0x4000, $0x38;
	[tilespmem:$0x1EA00] =	vst v63  }
0x40: {  	_ =	swait.ge [sflag:s19], $0x4000  }
0x41: {  	[sflag:s19] =	ssyncset.done $0x0  }
0x42: {  	[sflag:s19] =	ssyncadd.s32 $0xFFFFC000  }
0x43: {  	[spmem:s14] =	stream.linear.scatter [tilespmem:s18], [sflag:$0x7], $0x4000, $0x38;
	[tilespmem:$0x1EA00] =	vst v63  }
0x44: {  	_ =	swait.ge [sflag:s19], $0x4000  }
0x45: {  	[sflag:s19] =	ssyncset.done $0x0  }
0x46: {  	[sflag:s19] =	ssyncadd.s32 $0xFFFFC000  }
0x47: {  	[spmem:s15] =	stream.linear.scatter [tilespmem:s18], [sflag:$0x7], $0x4000, $0x38;
	[tilespmem:$0x1EA00] =	vst v63  }
0x48: {  	_ =	swait.ge [sflag:s19], $0x4000  }
0x49: {  	[sflag:s19] =	ssyncset.done $0x0  }
0x4a: {  	[sflag:s19] =	ssyncadd.s32 $0xFFFFC000  }
0x4b: {  	[spmem:s16] =	stream.linear.scatter [tilespmem:s18], [sflag:$0x7], $0x4000, $0x38;
	[tilespmem:$0x1EA00] =	vst v63  }
0x4c: {  	_ =	swait.ge [sflag:s19], $0x4000  }
0x4d: {  	[sflag:s19] =	ssyncset.done $0x0  }
0x4e: {  	[sflag:s19] =	ssyncadd.s32 $0xFFFFC000  }
0x4f: {  	[bflag:$0x0] =	sbarrier.arrive $0xFFFF  }
0x50: {  	s7 =	simm.s32 $0x0;
	s9 =	rddreg [dreg:$0x3]  }
0x51: {  	[tilespmem:s7], [sflag:$0x7] =	stream.linear.gather [hbm4b:s9+s7], $0x2800, $0x38;
	[tilespmem:$0x1EA00] =	vst v63  }
0x52: {  	_ =	swait.ge [sflag:s19], $0x2800  }
0x53: {  	[sflag:s19] =	ssyncset.done $0x0  }
0x54: {  	[sflag:s19] =	ssyncadd.s32 $0xFFFFD800  }
0x55: {  	[tilespmem:s20], [sflag:$0x1] =	stream.linear.gather [hbm4b:s6+s7], $0x80, $0x38;
	[tilespmem:$0x1EA00] =	vst v63  }
0x56: {  	s11 =	rddreg [dreg:$0x4]  }
0x57: {  	[tilespmem:s21], [sflag:$0x2] =	stream.linear.gather [hbm4b:s11+s7], $0x80, $0x38;
	[tilespmem:$0x1EA00] =	vst v63  }
0x58: {  	s12 =	rddreg [dreg:$0x5]  }
0x59: {  	[tilespmem:s22], [sflag:$0x3] =	stream.linear.gather [hbm4b:s12+s7], $0x80, $0x38;
	[tilespmem:$0x1EA00] =	vst v63  }
0x5a: {  	s17 =	rddreg [dreg:$0x6]  }
0x5b: {  	[tilespmem:s23], [sflag:$0x4] =	stream.linear.gather [hbm4b:s17+s7], $0x80, $0x38;
	[tilespmem:$0x1EA00] =	vst v63  }
0x5c: {  	_ = 	snop  }
0x5d: {  	[tilespmem:s18], [sflag:$0x5] =	stream.indirect.gather [hbm4b:s4+s24], $0x80, s7, s24, $0xb8;
	[tilespmem:$0x1EA00] =	vst v63  }
0x5e: {  	s17 =	smov.u32 s8  }
0x5f: {  	[tilespmem:s25], [sflag:$0x6] =	stream.indirect.gather [hbm4b:s4+s24], $0x80, s24, s24, $0xb8;
	[tilespmem:$0x1EA00] =	vst v63  }
.LBB2_4:
0x60: {  	_ =	swait.ge [sflag:s26], $0x4000  }
0x61: {  	[sflag:s26] =	ssyncset.done $0x0  }
0x62: {  	[sflag:s26] =	ssyncadd.s32 $0xFFFFC000  }
0x63: {  	_ =	swait.ge [sflag:s28], $0x80  }
0x64: {  	[sflag:s28] =	ssyncset.done $0x0  }
0x65: {  	[sflag:s28] =	ssyncadd.s32 $0xFFFFFF80  }
0x66: {  	[spmem:s2] =	stream.indirect.scatter.add.f32 [tilespmem:s18], [sflag:$0x7], $0x80, s20, s24, $0xb8;
	[tilespmem:$0x1EA00] =	vst v63  }
0x67: {  	p0 =	seq.s32 s7, $0x9800;
	_ =	swait.ge [sflag:s19], $0x4000  }
0x68: {  	s9 =	sadd.s32 @!p0 $0xFFFFFFD0, s17;
	[sflag:s19] =	ssyncset.done $0x0  }
0x69: {  	s10 =	simm.s32 @!p0 $0x0;
	s11 =	simm.s32 @!p0 $0x2800;
	[sflag:s19] =	ssyncadd.s32 $0xFFFFC000  }
0x6a: {  	[tilespmem:s11], [sflag:$0x1] =	stream.linear.gather @!p0 [hbm4b:s9+s10], $0x80, $0x38;
	[tilespmem:$0x1EA00] =	vst v63  }
0x6b: {  	s9 =	sshra.s32 s7, $0x2  }
0x6c: {  	s12 =	sadd.s32 $0x100, s9  }
0x6d: {  	[tilespmem:s18], [sflag:$0x5] =	stream.indirect.gather [hbm4b:s4+s24], $0x80, s12, s24, $0xb8;
	[tilespmem:$0x1EA00] =	vst v63  }
0x6e: {  	_ =	swait.ge [sflag:s29], $0x4000  }
0x6f: {  	[sflag:s29] =	ssyncset.done $0x0  }
0x70: {  	[sflag:s29] =	ssyncadd.s32 $0xFFFFC000  }
0x71: {  	_ =	swait.ge [sflag:s30], $0x80  }
0x72: {  	[sflag:s30] =	ssyncset.done $0x0  }
0x73: {  	[sflag:s30] =	ssyncadd.s32 $0xFFFFFF80  }
0x74: {  	[spmem:s2] =	stream.indirect.scatter.add.f32 [tilespmem:s25], [sflag:$0x7], $0x80, s21, s24, $0xb8;
	[tilespmem:$0x1EA00] =	vst v63  }
0x75: {  	_ =	swait.ge [sflag:s19], $0x4000  }
0x76: {  	[sflag:s19] =	ssyncset.done $0x0  }
0x77: {  	s11 =	sadd.s32 @!p0 $0xFFFFFFE0, s17;
	s12 =	simm.s32 @!p0 $0x2880;
	[sflag:s19] =	ssyncadd.s32 $0xFFFFC000  }
0x78: {  	[tilespmem:s12], [sflag:$0x2] =	stream.linear.gather @!p0 [hbm4b:s11+s10], $0x80, $0x38;
	[tilespmem:$0x1EA00] =	vst v63  }
0x79: {  	s12 =	sadd.s32 $0x180, s9  }
0x7a: {  	[tilespmem:s25], [sflag:$0x6] =	stream.indirect.gather [hbm4b:s4+s24], $0x80, s12, s24, $0xb8;
	[tilespmem:$0x1EA00] =	vst v63  }
0x7b: {  	_ =	swait.ge [sflag:s26], $0x4000  }
0x7c: {  	[sflag:s26] =	ssyncset.done $0x0  }
0x7d: {  	[sflag:s26] =	ssyncadd.s32 $0xFFFFC000  }
0x7e: {  	_ =	swait.ge [sflag:s31], $0x80  }
0x7f: {  	[sflag:s31] =	ssyncset.done $0x0  }
.Ltmp3:
0x80: {  	[sflag:s31] =	ssyncadd.s32 $0xFFFFFF80;
	(pc) =	sbr.rel @p0 .LBB2_6-.Ltmp3, $4  }
0x81: {  	[spmem:s2] =	stream.indirect.scatter.add.f32 [tilespmem:s18], [sflag:$0x7], $0x80, s22, s24, $0xb8;
	[tilespmem:$0x1EA00] =	vst v63  }
0x82: {  	_ =	swait.ge [sflag:s19], $0x4000  }
0x83: {  	[sflag:s19] =	ssyncset.done $0x0  }
0x84: {  	[sflag:s19] =	ssyncadd.s32 $0xFFFFC000  }
0x85: {  	s10 =	sadd.s32 $0xFFFFFFF0, s17  }
0x86: {  	[tilespmem:s22], [sflag:$0x3] =	stream.linear.gather [hbm4b:s10+s3], $0x80, $0x38;
	[tilespmem:$0x1EA00] =	vst v63  }
0x87: {  	s11 =	sadd.s32 $0x200, s9  }
0x88: {  	[tilespmem:s18], [sflag:$0x5] =	stream.indirect.gather [hbm4b:s4+s24], $0x80, s11, s24, $0xb8;
	[tilespmem:$0x1EA00] =	vst v63  }
0x89: {  	_ =	swait.ge [sflag:s29], $0x4000  }
0x8a: {  	[sflag:s29] =	ssyncset.done $0x0  }
0x8b: {  	[sflag:s29] =	ssyncadd.s32 $0xFFFFC000  }
0x8c: {  	_ =	swait.ge [sflag:s1], $0x80  }
0x8d: {  	[sflag:s1] =	ssyncset.done $0x0  }
0x8e: {  	[sflag:s1] =	ssyncadd.s32 $0xFFFFFF80  }
0x8f: {  	[spmem:s2] =	stream.indirect.scatter.add.f32 [tilespmem:s25], [sflag:$0x7], $0x80, s23, s24, $0xb8;
	[tilespmem:$0x1EA00] =	vst v63  }
0x90: {  	_ =	swait.ge [sflag:s19], $0x4000  }
.Ltmp4:
0x91: {  	[sflag:s19] =	ssyncset.done $0x0;
	(pc) =	sbr.rel .LBB2_4-.Ltmp4, $4  }
0x92: {  	[sflag:s19] =	ssyncadd.s32 $0xFFFFC000  }
0x93: {  	[tilespmem:s23], [sflag:$0x4] =	stream.linear.gather [hbm4b:s17+s3], $0x80, $0x38;
	[tilespmem:$0x1EA00] =	vst v63  }
0x94: {  	s12 =	sadd.s32 $0x280, s9;
	s7 =	sadd.s32 $0x800, s7;
	s17 =	sadd.s32 $0x40, s17  }
0x95: {  	[tilespmem:s25], [sflag:$0x6] =	stream.indirect.gather [hbm4b:s4+s24], $0x80, s12, s24, $0xb8;
	[tilespmem:$0x1EA00] =	vst v63  }
.LBB2_7:
0x96: {  	_ =	sfence.sel $0x180000  }
0x97: {  	[bflag:$0x0] =	sbarrier.arrive $0xFFFF  }
0x98: {  	_ =	strace $0x9000004D  }
0x99: {  	s0 =	stileid.u32;
	[bflag:$0x2] =	sbarrier.arrive $0xFFFF  }
0x9a: {  	p0 =	sne.s32 s0, $0x0;
	s0 =	rddreg [dreg:$0x2]  }
0x9b: {  	s0 =	sadd.s32 @!p0 $0x100000, s0  }
0x9c: {  	[sflag:s0] =	ssyncadd.tile.s32 @!p0 $0x1;
	_ =	shalt  }
.Lfunc_end2:
_tile_overlayer_lowered:
.L_overlay_start_2:
0x9d: {  	(tag) =	ssettag $0x2  }
0x9e: {  	s0 =	rddreg [dreg:$0x0];
	s2 =	stileid.u32  }
0x9f: {  	s1 =	rddreg [dreg:$0x1];
	p0 =	sne.s32 s2, $0x0  }
0xa0: {  	s3 =	rddreg [dreg:$0x2];
	[bflag:$0x3] =	sbarrier.arrive $0xFFFF;
	s2 =	simm.s32 @!p0 $0x1C07  }
0xa1: {  	[timem:s3], [sflag:s2] =	dma.local @!p0 [hbm:s0], s1  }
0xa2: {  	s0 =	simm.s32 @!p0 $0x7  }
0xa3: {  	_ =	swait.ge @!p0 [sflag:s0], s1  }
0xa4: {  	s1 =	ssub.s32 @!p0 $0x0, s1;
	[sflag:s0] =	ssyncset.done @!p0 $0x0  }
0xa5: {  	[sflag:s0] =	ssyncadd.s32 @!p0 s1  }
0xa6: {  	[bflag:$0x3] =	sbarrier.arrive $0xFFFF  }
0xa7: {  	_ =	shalt  }

// kernel: kernel.8.cloned.1.call-start
scs
__scs_entry_jumppad:
0x0: {  	(pc) =	sbr.rel $0x88, $3  }
0x1: {  	(tag) =	ssettag $0x0;
	lr =	simm.s32 $0x1  }
0x2: {  	[smem:$0x3F99] =	sst lr;
	_ =	strace $0xD0000000  }
0x3: {  	_ = 	snop  }
0x4: {  	_ = 	snop  }
0x5: {  	_ = 	snop  }
0x6: {  	_ = 	snop  }
0x7: {  	_ = 	snop  }
__scs_overlays_trampoline_lowered:
0x8: {  	[smem:$0x3FA8] =	sst s0  }
0x9: {  	[smem:$0x3FA9] =	sst s1  }
0xa: {  	[smem:$0x3FAA] =	sst s2  }
0xb: {  	[smem:$0x3FAB] =	sst s3  }
0xc: {  	[smem:$0x3FAC] =	sst s4  }
0xd: {  	[smem:$0x3FAD] =	sst s5  }
0xe: {  	[smem:$0x3FAE] =	sst s6  }
0xf: {  	[smem:$0x3FAF] =	sst s7  }
0x10: {  	[smem:$0x3FB0] =	sst s8  }
0x11: {  	[smem:$0x3FB1] =	sst s9;
	s0 =	simm.s32 @!p0 $0x0  }
0x12: {  	s1 =	sld [smem:$0x3F97];
	s0 =	simm.s32 @p0 $0x1  }
0x13: {  	[smem:$0x3FB2] =	sst s0;
	s0 =	simm.s32 @!p1 $0x0  }
0x14: {  	s2 =	sld [smem:$0x3F96];
	s0 =	simm.s32 @p1 $0x1  }
0x15: {  	[smem:$0x3FB3] =	sst s0;
	s0 =	simm.s32 @!p2 $0x0  }
0x16: {  	s3 =	sld [smem:$0x3FDB];
	s0 =	simm.s32 @p2 $0x1  }
0x17: {  	s4 =	simm.s32 $0x1BF5;
	[smem:$0x3FB5] =	sst s0  }
0x18: {  	s0 =	sld [smem:$0x3F98];
	_ =	swait.ge [sflag:s4], $0x0  }
0x19: {  	s7 =	sld [smem:$0x3F99]  }
0x1a: {  	s8 =	sadd.s32 $0xFFFFE003, lr  }
0x1b: {  	s9 =	sadd.s32 $0xFFFFFEF7, lr;
	s5 =	simm.s32 $0xFFFFFFFF;
	p2 =	slt.u32 s8, $0xFFFFF086  }
0x1c: {  	p1 =	slt.u32 s9, $0xF7A;
	s5 =	simm.s32 @!p2 $0x0  }
0x1d: {  	s5 =	simm.s32 @p1 $0x1;
	p0 =	seq.s32 s7, s2  }
0x1e: {  	s7 =	smul.u32 @!p0 $0xF7A, s2;
	p2 =	seq.s32 @!p0 s5, $0x0  }
0x1f: {  	s9 =	smul.u32 $0xF7A, s1;
	s8 =	simm.s32 @!p0 $0x1BF5;
	p2 =	por !p2, p0  }
0x20: {  	[sflag:s8] =	ssyncset.s32 @!p0 $0xFFFFF086;
	s6 =	sadd.s32 @!p0 s3, s7;
	s7 =	simm.s32 @!p0 $0x108  }
0x21: {  	s3 =	sadd.s32 s3, s9;
	s6 =	sadd.s32 @!p0 $0x88, s6;
	s7 =	simm.s32 @p2 $0x1082  }
0x22: {  	[simem:s7], [sflag:s8] =	dma.local @!p0 [hbm:s6], $0xF7A  }
0x23: {  	s9 =	sor.u32 $0xD0000000, s2;
	s6 =	simm.s32 $0x108;
	_ =	swait.ge @!p0 [sflag:s8], $0x0  }
0x24: {  	s3 =	sadd.s32 $0x88, s3;
	s6 =	simm.s32 @!p1 $0x1082;
	[sflag:s4] =	ssyncset.s32 $0xFFFFF086  }
0x25: {  	[simem:s6], [sflag:s4] =	dma.local [hbm:s3], $0xF7A  }
0x26: {  	[smem:$0x3F99] =	sst s1;
	(tag) =	ssettag s2;
	_ =	strace s9  }
0x27: {  	s1 =	sld [smem:$0x3FA9]  }
0x28: {  	s2 =	sld [smem:$0x3FAA]  }
0x29: {  	s4 =	sld [smem:$0x3FAC]  }
0x2a: {  	p0 =	seq.s32 s5, $0x0;
	s5 =	sld [smem:$0x3FAD]  }
0x2b: {  	s6 =	sld [smem:$0x3FAE]  }
0x2c: {  	s7 =	sld [smem:$0x3FAF]  }
0x2d: {  	s3 =	simm.s32 $0x108;
	s8 =	sld [smem:$0x3FB0]  }
0x2e: {  	s3 =	simm.s32 @!p0 $0x1082;
	s9 =	sld [smem:$0x3FB1]  }
0x2f: {  	lr =	sadd.s32 s0, s3;
	s0 =	sld [smem:$0x3FA8]  }
0x30: {  	s3 =	sld [smem:$0x3FAB]  }
0x31: {  	[smem:$0x3FB4] =	sst s10  }
0x32: {  	s10 =	sld [smem:$0x3FB2];
	_ =	sdelay $0x3  }
0x33: {  	p0 =	seq.s32 s10, $0x1;
	s10 =	sld [smem:$0x3FB4];
	_ =	sdelay $0x3  }
0x34: {  	[smem:$0x3FB4] =	sst s10  }
0x35: {  	s10 =	sld [smem:$0x3FB3];
	_ =	sdelay $0x3  }
0x36: {  	p1 =	seq.s32 s10, $0x1;
	s10 =	sld [smem:$0x3FB4];
	_ =	sdelay $0x3  }
0x37: {  	[smem:$0x3FB4] =	sst s10  }
0x38: {  	s10 =	sld [smem:$0x3FB5]  }
0x39: {  	_ = 	snop;
	(pc) =	sbr.ind lr, $3  }
0x3a: {  	_ = 	snop  }
0x3b: {  	_ = 	snop  }
0x3c: {  	p2 =	seq.s32 s10, $0x1;
	s10 =	sld [smem:$0x3FB4]  }
0x3d: {  	_ =	shalt  }
0x3e: {  	_ =	shalt  }
0x3f: {  	_ =	shalt  }
0x40: {  	_ =	shalt  }
0x41: {  	_ =	shalt  }
0x42: {  	_ =	shalt  }
0x43: {  	_ =	shalt  }
0x44: {  	_ =	shalt  }
0x45: {  	_ =	shalt  }
0x46: {  	_ =	shalt  }
0x47: {  	_ =	shalt  }
0x48: {  	_ =	shalt  }
0x49: {  	_ =	shalt  }
0x4a: {  	_ =	shalt  }
0x4b: {  	_ =	shalt  }
0x4c: {  	_ =	shalt  }
0x4d: {  	_ =	shalt  }
0x4e: {  	_ =	shalt  }
0x4f: {  	_ =	shalt  }
0x50: {  	_ =	shalt  }
0x51: {  	_ =	shalt  }
0x52: {  	_ =	shalt  }
0x53: {  	_ =	shalt  }
0x54: {  	_ =	shalt  }
0x55: {  	_ =	shalt  }
0x56: {  	_ =	shalt  }
0x57: {  	_ =	shalt  }
0x58: {  	_ =	shalt  }
0x59: {  	_ =	shalt  }
0x5a: {  	_ =	shalt  }
0x5b: {  	_ =	shalt  }
0x5c: {  	_ =	shalt  }
0x5d: {  	_ =	shalt  }
0x5e: {  	_ =	shalt  }
0x5f: {  	_ =	shalt  }
0x60: {  	_ =	shalt  }
0x61: {  	_ =	shalt  }
0x62: {  	_ =	shalt  }
0x63: {  	_ =	shalt  }
0x64: {  	_ =	shalt  }
0x65: {  	_ =	shalt  }
0x66: {  	_ =	shalt  }
0x67: {  	_ =	shalt  }
0x68: {  	_ =	shalt  }
0x69: {  	_ =	shalt  }
0x6a: {  	_ =	shalt  }
0x6b: {  	_ =	shalt  }
0x6c: {  	_ =	shalt  }
0x6d: {  	_ =	shalt  }
0x6e: {  	_ =	shalt  }
0x6f: {  	_ =	shalt  }
0x70: {  	_ =	shalt  }
0x71: {  	_ =	shalt  }
0x72: {  	_ =	shalt  }
0x73: {  	_ =	shalt  }
0x74: {  	_ =	shalt  }
0x75: {  	_ =	shalt  }
0x76: {  	_ =	shalt  }
0x77: {  	_ =	shalt  }
0x78: {  	_ =	shalt  }
0x79: {  	_ =	shalt  }
0x7a: {  	_ =	shalt  }
0x7b: {  	_ =	shalt  }
0x7c: {  	_ =	shalt  }
0x7d: {  	_ =	shalt  }
0x7e: {  	_ =	shalt  }
0x7f: {  	_ =	shalt  }
0x80: {  	_ =	shalt  }
0x81: {  	_ =	shalt  }
0x82: {  	_ =	shalt  }
0x83: {  	_ =	shalt  }
0x84: {  	_ =	shalt  }
0x85: {  	_ =	shalt  }
0x86: {  	_ =	shalt  }
0x87: {  	_ =	shalt  }
.Lfunc_end0:
.L_simem_size_0:
called_computation_lowered:
.L_overlay_start_0:
0x88: {  	s2 =	sld [smem:$0x3FD9]  }
0x89: {  	s3 =	sld [smem:$0x3FFE];
	_ =	sdelay $0x1  }
0x8a: {  	s1 =	srdreg.scid  }
0x8b: {  	s0 =	sand.u32 $0x1, s1  }
0x8c: {  	s16 =	sshll.u32 s0, $0xA;
	s2 =	sadd.s32 s3, s2  }
0x8d: {  	s2 =	sadd.s32 s2, s16  }
0x8e: {  	[smem:$0x3FC0] =	sst s2  }
0x8f: {  	_ = 	snop  }
0x90: {  	(tm) =	ssettm $0x1  }
0x91: {  	s17 =	sld [smem:$0x3FFB];
	_ =	sdelay $0x3  }
0x92: {  	_ =	strace s17  }
0x93: {  	s2 =	sld [smem:$0x3FFC];
	_ =	sdelay $0x3  }
0x94: {  	_ =	strace s2  }
0x95: {  	s2 =	sld [smem:$0x3FFD];
	_ =	sdelay $0x3  }
0x96: {  	_ =	strace s2  }
0x97: {  	_ =	strace $0x8FFFFFFF  }
0x98: {  	s18 =	sld [smem:$0x3FDB];
	_ =	sdelay $0x1  }
0x99: {  	s19 =	simm.s32 $_scs_section_size  }
0x9a: {  	s4 =	simm.s32 $_size__tile_overlayer_lowered;
	s5 =	simm.s32 $_tile_overlayer_lowered  }
0x9b: {  	s22 =	simm.s32 $0x1BFF;
	s21 =	sshll.u32 s5, $0x1;
	s2 =	sadd.s32 s19, s18  }
0x9c: {  	s6 =	simm.s32 $0x0;
	s20 =	sshll.u32 s4, $0x1;
	s4 =	sadd.s32 s21, s2  }
0x9d: {  	[timem:s6], [sflag:s22] =	dma.local [hbm:s4], s20  }
0x9e: {  	_ =	swait.ge [sflag:s22], s20  }
0x9f: {  	s3 =	ssub.s32 $0x0, s20;
	[sflag:s22] =	ssyncset.done $0x0  }
0xa0: {  	[sflag:s22] =	ssyncadd.s32 s3;
	_ =	sdelay $0x1  }
0xa1: {  	s23 =	simm.s32 $0x1B8B  }
0xa2: {  	_ =	swait.ge [sflag:s23], $0x1  }
0xa3: {  	[sflag:s23] =	ssyncset.done $0x0  }
0xa4: {  	s25 =	simm.s32 $0x1B8E;
	s24 =	sld [smem:$0x3FFE];
	[sflag:s23] =	ssyncadd.s32 $0xFFFFFFFF  }
0xa5: {  	s26 =	simm.s32 $execute0_lowered;
	[smem:$0x3FD2] =	sst s25  }
0xa6: {  	s4 =	sshll.u32 s26, $0x1;
	_ =	strace $0x80000046;
	[dreg:$0x1] =	wrdreg $0xFFFFFFFF  }
0xa7: {  	s28 =	simm.s32 $_size_execute0_lowered;
	s2 =	sadd.s32 s2, s4;
	[dreg:$0x0] =	wrdreg $0x0  }
0xa8: {  	s4 =	sshll.u32 s28, $0x1;
	[dreg:$0x2] =	wrdreg s2  }
0xa9: {  	[dreg:$0x3] =	wrdreg s4  }
0xaa: {  	[dreg:$0x4] =	wrdreg $0xC0  }
0xab: {  	_ =	task [dreg:s6], $0x5FFFF  }
0xac: {  	[dreg:$0x1] =	wrdreg $0xFFFFFFFF  }
0xad: {  	[dreg:$0x0] =	wrdreg $0x60  }
0xae: {  	[dreg:$0x2] =	wrdreg s24  }
0xaf: {  	[dreg:$0x3] =	wrdreg $0x53000  }
0xb0: {  	[dreg:$0x4] =	wrdreg $0x55800  }
0xb1: {  	[dreg:$0x5] =	wrdreg $0x9  }
0xb2: {  	_ =	task.clear_ibuf [dreg:s6], $0x6FFFF;
	_ =	strace $0x90000046  }
0xb3: {  	s29 =	simm.s32 $0x9;
	_ =	strace $0x80000048  }
0xb4: {  	_ =	swait.ge [sflag:s29], $0x1  }
0xb5: {  	[sflag:s29] =	ssyncadd.s32 $0xFFFFFFFF  }
0xb6: {  	_ =	strace $0x90000048  }
0xb7: {  	_ =	sfence  }
0xb8: {  	s30 =	sld [smem:$0x0];
	_ =	sdelay $0x2  }
0xb9: {  	s31 =	sshll.u32 s1, $0xD;
	s1 =	sshrl.u32 s1, $0x2  }
0xba: {  	s3 =	sand.u32 $0x4000, s31;
	s1 =	sadd.s32 s1, s30  }
0xbb: {  	s0 =	sor.u32 s3, s0;
	s1 =	sshll.u32 s1, $0x11  }
0xbc: {  	s0 =	sor.u32 s1, s0  }
0xbd: {  	s0 =	sadd.s32 $0x8F2B, s0  }
0xbe: {  	[sflag:s0] =	ssyncadd.remote.s32 $0x1  }
0xbf: {  	_ =	sfence.sel $0xFFFF  }
0xc0: {  	[dreg:$0x0] =	wrdreg $0xFFFFFFFF;
	(pc) =	sbr.abs _section_cstart, $3  }
0xc1: {  	[dreg:$0x1] =	wrdreg $0xFFFFFFFF  }
0xc2: {  	_ =	task.clear_ibuf [dreg:s6], $0x2FFFF;
	_ =	strace $0x9FFFFFFF  }
0xc3: {  	(tm) =	ssettm $0x7FFFFFFF  }
tec
execute0_lowered:
.L_overlay_start_1:
0x0: {  	(tag) =	ssettag $0x1  }
0x1: {  	s5 =	rddreg [dreg:$0x0]  }
0x2: {  	s2 =	rddreg [dreg:$0x1]  }
0x3: {  	s3 =	rddreg [dreg:$0x2]  }
0x4: {  	s0 =	rddreg [dreg:$0x3];
	s4 =	srdreg.scid  }
0x5: {  	s1 =	stileid.u32;
	s13 =	simm.s32 $0x2800;
	s14 =	simm.s32 $0x5080  }
0x6: {  	s15 =	simm.s32 $0x80;
	s16 =	simm.s32 $0x5000;
	s17 =	simm.s32 $0x1  }
0x7: {  	s18 =	simm.s32 $0x2;
	s22 =	simm.s32 $0x0;
	s6 =	sand.u32 $0x1, s4  }
0x8: {  	s7 =	sshll.u32 s1, $0x1;
	s8 =	smul.u32 $0x280, s1;
	s4 =	simm.s32 $0x0  }
0x9: {  	s19 =	sshll.u32 s1, $0x6;
	s7 =	sor.u32 s6, s7;
	s9 =	smul.u32 $0x2800, s6  }
0xa: {  	[smem:$0x7FF] =	sst s4;
	s6 =	ssub.s32 $0x2, s6;
	s7 =	smul.u32 $0x500, s7  }
0xb: {  	s19 =	sor.u32 $0x1C03, s19;
	_ =	strace $0x80000047;
	s9 =	sadd.s32 s8, s9  }
0xc: {  	s10 =	sshrl.u32 s6, $0x1;
	s7 =	sadd.s32 s7, s5;
	s9 =	sshrl.u32 s9, $0x3  }
0xd: {  	s12 =	ssub.s32 s6, s10;
	s11 =	sadd.s32 s9, s5;
	s5 =	sadd.s32 $0xCE00, s7  }
0xe: {  	s6 =	sadd.s32 $0x2E00, s7;
	s7 =	sadd.s32 s8, s2;
	s8 =	sadd.s32 s8, s3  }
0xf: {  	s9 =	sadd.s32 $0x16E00, s11;
	s10 =	sadd.s32 $0x17800, s11;
	s11 =	smax.u32 s12, $0x1  }
0x10: {  	v0 =	vimm.f32 $1.000000000e+00;
	v1 =	vimm.f32 $0.0e+00;
	s12 =	simm.s32 $0x3;
	s20 =	sshrl.u32 s7, $0x3;
	s21 =	sshrl.u32 s8, $0x3  }
.LBB2_1:
0x11: {  	[tilespmem:s4], [sflag:$0x3] =	stream.linear.gather [hbm4b:s5+s4], $0x2800, $0x38;
	[tilespmem:$0x5800] =	vst v63  }
0x12: {  	_ =	swait.ge [sflag:s12], $0x2800  }
0x13: {  	[sflag:s12] =	ssyncset.done $0x0  }
0x14: {  	[sflag:s12] =	ssyncadd.s32 $0xFFFFD800  }
0x15: {  	[tilespmem:s13], [sflag:$0x3] =	stream.linear.gather [hbm4b:s6+s4], $0x2800, $0x38;
	[tilespmem:$0x5800] =	vst v63  }
0x16: {  	_ =	swait.ge [sflag:s12], $0x2800  }
0x17: {  	[sflag:s12] =	ssyncset.done $0x0  }
0x18: {  	[sflag:s12] =	ssyncadd.s32 $0xFFFFD800  }
0x19: {  	[tilespmem:$0x5000] =	vst v0  }
0x1a: {  	[tilespmem:$0x5010] =	vst v0  }
0x1b: {  	[tilespmem:$0x5020] =	vst v0  }
0x1c: {  	[tilespmem:$0x5030] =	vst v0  }
0x1d: {  	[tilespmem:$0x5040] =	vst v0  }
0x1e: {  	[tilespmem:$0x5050] =	vst v0  }
0x1f: {  	[tilespmem:$0x5060] =	vst v0  }
0x20: {  	[tilespmem:$0x5070] =	vst v0  }
0x21: {  	[tilespmem:$0x5080] =	vst v1  }
0x22: {  	[tilespmem:$0x5090] =	vst v1  }
0x23: {  	[tilespmem:$0x50A0] =	vst v1  }
0x24: {  	[tilespmem:$0x50B0] =	vst v1  }
0x25: {  	[tilespmem:$0x50C0] =	vst v1  }
0x26: {  	[tilespmem:$0x50D0] =	vst v1  }
0x27: {  	[tilespmem:$0x50E0] =	vst v1  }
0x28: {  	[tilespmem:$0x50F0] =	vst v1  }
0x29: {  	[tilespmem:$0x5100] =	vst v1  }
0x2a: {  	[tilespmem:$0x5110] =	vst v1  }
0x2b: {  	[tilespmem:$0x5120] =	vst v1  }
0x2c: {  	[tilespmem:$0x5130] =	vst v1  }
0x2d: {  	[tilespmem:$0x5140] =	vst v1  }
0x2e: {  	[tilespmem:$0x5150] =	vst v1  }
0x2f: {  	[tilespmem:$0x5160] =	vst v1  }
0x30: {  	[tilespmem:$0x5170] =	vst v1  }
0x31: {  	[tilespmem:$0x5180] =	vst v1  }
0x32: {  	[tilespmem:$0x5190] =	vst v1  }
0x33: {  	[tilespmem:$0x51A0] =	vst v1  }
0x34: {  	[tilespmem:$0x51B0] =	vst v1  }
0x35: {  	[tilespmem:$0x51C0] =	vst v1  }
0x36: {  	[tilespmem:$0x51D0] =	vst v1  }
0x37: {  	[tilespmem:$0x51E0] =	vst v1  }
0x38: {  	[tilespmem:$0x51F0] =	vst v1  }
0x39: {  	[tilespmem:$0x5200] =	vst v1  }
0x3a: {  	[tilespmem:$0x5210] =	vst v1  }
0x3b: {  	[tilespmem:$0x5220] =	vst v1  }
0x3c: {  	[tilespmem:$0x5230] =	vst v1  }
0x3d: {  	[tilespmem:$0x5240] =	vst v1  }
0x3e: {  	[tilespmem:$0x5250] =	vst v1  }
0x3f: {  	[tilespmem:$0x5260] =	vst v1  }
0x40: {  	[tilespmem:$0x5270] =	vst v1  }
0x41: {  	[tilespmem:$0x5280] =	vst v1  }
0x42: {  	[tilespmem:$0x5290] =	vst v1  }
0x43: {  	[tilespmem:$0x52A0] =	vst v1  }
0x44: {  	[tilespmem:$0x52B0] =	vst v1  }
0x45: {  	[tilespmem:$0x52C0] =	vst v1  }
0x46: {  	[tilespmem:$0x52D0] =	vst v1  }
0x47: {  	[tilespmem:$0x52E0] =	vst v1  }
0x48: {  	[tilespmem:$0x52F0] =	vst v1  }
0x49: {  	[spmem:s7] =	stream.linear.scatter [tilespmem:s14], [sflag:$0x3], $0x280, $0x38;
	[tilespmem:$0x5800] =	vst v63  }
0x4a: {  	_ =	swait.ge [sflag:s12], $0x280  }
0x4b: {  	[sflag:s12] =	ssyncset.done $0x0  }
0x4c: {  	[sflag:s12] =	ssyncadd.s32 $0xFFFFFD80  }
0x4d: {  	[spmem:s8] =	stream.linear.scatter [tilespmem:s14], [sflag:$0x3], $0x280, $0x38;
	[tilespmem:$0x5800] =	vst v63  }
0x4e: {  	_ =	swait.ge [sflag:s12], $0x280  }
0x4f: {  	[sflag:s12] =	ssyncset.done $0x0  }
0x50: {  	[sflag:s12] =	ssyncadd.s32 $0xFFFFFD80  }
0x51: {  	s23 =	simm.s32 $0x0;
	[bflag:$0x0] =	sbarrier.arrive $0xFFFF  }
0x52: {  	[spmem:s2] =	stream.indirect.scatter.add.f32 [tilespmem:s16], [sflag:$0x1], $0x1, s23, s15, $0xb8;
	[tilespmem:$0x5800] =	vst v63  }
0x53: {  	s31 =	simm.s32 $0x2800  }
0x54: {  	[spmem:s3] =	stream.indirect.scatter.add.f32 [tilespmem:s16], [sflag:$0x2], $0x1, s31, s15, $0xb8;
	[tilespmem:$0x5800] =	vst v63  }
0x55: {  	_ =	swait.ge [sflag:s17], $0x80  }
0x56: {  	[sflag:s17] =	ssyncset.done $0x0  }
0x57: {  	[sflag:s17] =	ssyncadd.s32 $0xFFFFFF80  }
0x58: {  	_ =	swait.ge [sflag:s18], $0x80  }
0x59: {  	s24 =	simm.s32 $0x400;
	s23 =	simm.s32 $0x200;
	[sflag:s18] =	ssyncset.done $0x0  }
.LBB2_2:
0x5a: {  	s25 =	sshra.s32 s23, $0x2  }
0x5b: {  	[sflag:s18] =	ssyncadd.s32 $0xFFFFFF80;
	s23 =	smov.u32 s24;
	s26 =	sadd.s32 $0x200, s24  }
0x5c: {  	[spmem:s2] =	stream.indirect.scatter.add.f32 [tilespmem:s16], [sflag:$0x1], $0x1, s25, s15, $0xb8;
	[tilespmem:$0x5800] =	vst v63  }
0x5d: {  	p0 =	sne.s32 s24, $0x9E00;
	s24 =	sadd.s32 $0x2800, s25  }
0x5e: {  	[spmem:s3] =	stream.indirect.scatter.add.f32 [tilespmem:s16], [sflag:$0x2], $0x1, s24, s15, $0xb8;
	[tilespmem:$0x5800] =	vst v63  }
.Ltmp0:
0x5f: {  	_ =	swait.ge [sflag:s17], $0x80;
	(pc) =	sbr.rel @p0 .LBB2_2-.Ltmp0, $4  }
0x60: {  	[sflag:s17] =	ssyncset.done $0x0  }
0x61: {  	[sflag:s17] =	ssyncadd.s32 $0xFFFFFF80  }
0x62: {  	_ =	swait.ge [sflag:s18], $0x80  }
0x63: {  	s24 =	smov.u32 s26;
	[sflag:s18] =	ssyncset.done $0x0  }
0x64: {  	s23 =	sshra.s32 s23, $0x2;
	[sflag:s18] =	ssyncadd.s32 $0xFFFFFF80  }
0x65: {  	[spmem:s2] =	stream.indirect.scatter.add.f32 [tilespmem:s16], [sflag:$0x1], $0x1, s23, s15, $0xb8;
	[tilespmem:$0x5800] =	vst v63  }
0x66: {  	s23 =	sadd.s32 $0x2800, s23  }
0x67: {  	[spmem:s3] =	stream.indirect.scatter.add.f32 [tilespmem:s16], [sflag:$0x2], $0x1, s23, s15, $0xb8;
	[tilespmem:$0x5800] =	vst v63  }
0x68: {  	_ =	swait.ge [sflag:s17], $0x80  }
0x69: {  	[sflag:s17] =	ssyncset.done $0x0  }
0x6a: {  	[sflag:s17] =	ssyncadd.s32 $0xFFFFFF80  }
0x6b: {  	_ =	swait.ge [sflag:s18], $0x80  }
0x6c: {  	[sflag:s18] =	ssyncset.done $0x0  }
0x6d: {  	[sflag:s18] =	ssyncadd.s32 $0xFFFFFF80  }
0x6e: {  	[bflag:$0x0] =	sbarrier.arrive $0xFFFF  }
0x6f: {  	[hbm:s9], [sflag:s19] =	dma.local [spmem:s20], $0x50  }
0x70: {  	s22 =	sadd.s32 $0x1, s22;
	_ =	swait.ge [sflag:s12], $0x50  }
0x71: {  	p0 =	sne.s32 s22, s11;
	[sflag:s12] =	ssyncset.done $0x0  }
.Ltmp1:
0x72: {  	[sflag:s12] =	ssyncadd.s32 $0xFFFFFFB0;
	(pc) =	sbr.rel @p0 .LBB2_1-.Ltmp1, $4  }
0x73: {  	[hbm:s10], [sflag:s19] =	dma.local [spmem:s21], $0x50  }
0x74: {  	_ =	swait.ge [sflag:s12], $0x50  }
0x75: {  	[sflag:s12] =	ssyncset.done $0x0  }
0x76: {  	[sflag:s12] =	ssyncadd.s32 $0xFFFFFFB0  }
0x77: {  	_ =	sfence.sel $0x180000  }
0x78: {  	[bflag:$0x0] =	sbarrier.arrive $0xFFFF  }
0x79: {  	p0 =	sne.s32 s1, $0x0;
	_ =	strace $0x90000047  }
0x7a: {  	s0 =	sadd.s32 @!p0 $0x100000, s0;
	[bflag:$0x2] =	sbarrier.arrive $0xFFFF  }
0x7b: {  	[sflag:s0] =	ssyncadd.tile.s32 @!p0 $0x1;
	_ =	shalt  }
.Lfunc_end2:
_tile_overlayer_lowered:
.L_overlay_start_2:
0x7c: {  	(tag) =	ssettag $0x2  }
0x7d: {  	s0 =	rddreg [dreg:$0x0];
	s2 =	stileid.u32  }
0x7e: {  	s1 =	rddreg [dreg:$0x1];
	p0 =	sne.s32 s2, $0x0  }
0x7f: {  	s3 =	rddreg [dreg:$0x2];
	[bflag:$0x3] =	sbarrier.arrive $0xFFFF;
	s2 =	simm.s32 @!p0 $0x1C03  }
0x80: {  	[timem:s3], [sflag:s2] =	dma.local @!p0 [hbm:s0], s1  }
0x81: {  	s0 =	simm.s32 @!p0 $0x3  }
0x82: {  	_ =	swait.ge @!p0 [sflag:s0], s1  }
0x83: {  	s1 =	ssub.s32 @!p0 $0x0, s1;
	[sflag:s0] =	ssyncset.done @!p0 $0x0  }
0x84: {  	[sflag:s0] =	ssyncadd.s32 @!p0 s1  }
0x85: {  	[bflag:$0x3] =	sbarrier.arrive $0xFFFF  }
0x86: {  	_ =	shalt  }

</sc_bundles>
